<compile_context>
chip_gen: v7x
topology: tpu7x:2x2x1
jax: 0.10.2.dev20260603
libtpu: 0.0.44.dev20260713+nightly
codegen_flags: <defaults>
</compile_context>

<pallas_src>
import functools

import jax
import jax.numpy as jnp
from jax import lax
from jax.experimental import pallas as pl
from jax.experimental.pallas import tpu as pltpu
from jax.experimental.pallas import tpu_sc as plsc

_NUM_CORES = 2
_NUM_SUBCORES = 16
_NUM_WORKERS = _NUM_CORES * _NUM_SUBCORES

_CB = 112
_N_CHUNKS = 448
_N_PAD = _CB * _N_CHUNKS
_CHUNKS_PER_WORKER = _N_CHUNKS // _NUM_WORKERS
_LANES = 16

_SPLIT = 4


def _matmul_tables(features, wmat, bvec):
  n, nin = features.shape
  kout = wmat.shape[1]
  bn = 5000
  assert n % bn == 0

  f_vol = kout // nin

  def body(x_ref, w_ref, b_ref, t_ref):
    acc = (
        jnp.dot(x_ref[...].astype(jnp.bfloat16), w_ref[...],
                preferred_element_type=jnp.float32)
        + b_ref[...])
    for f in range(f_vol):
      t_ref[f] = acc[:, f * nin:(f + 1) * nin]

  return pl.pallas_call(
      body,
      grid=(n // bn,),
      in_specs=[
          pl.BlockSpec((bn, nin), lambda i: (i, 0)),
          pl.BlockSpec((nin, kout), lambda i: (0, 0)),
          pl.BlockSpec((1, kout), lambda i: (0, 0)),
      ],
      out_specs=pl.BlockSpec((f_vol, bn, nin), lambda i: (0, i, 0)),
      out_shape=jax.ShapeDtypeStruct((f_vol, n, nin), jnp.float32),
  )(features, wmat.astype(jnp.bfloat16), bvec.reshape(1, kout))


def _make_gather_accumulate(f_vol, nout, n, aux):
  mesh = plsc.VectorSubcoreMesh(
      core_axis_name="c",
      subcore_axis_name="s",
      num_cores=_NUM_CORES,
      num_subcores=_NUM_SUBCORES,
  )

  rem = n % _CB
  nidx = f_vol + (1 if aux else 0)

  @functools.partial(
      pl.kernel,
      out_type=jax.ShapeDtypeStruct((n, nout), jnp.float32),
      mesh=mesh,
      scratch_types=[
          pltpu.VMEM((2, nidx, _CB), jnp.int32),
          pltpu.VMEM((2, _CB, nout), jnp.float32),
          pltpu.SemaphoreType.DMA,
          pltpu.SemaphoreType.DMA,
          pltpu.SemaphoreType.DMA,
          pltpu.SemaphoreType.DMA,
      ],
  )
  def gather_acc(*refs):
    if aux:
      t_hbm, a_hbm, idx_hbm, out_hbm, idx_v, acc_v, sg0, sg1, so0, so1 = refs
    else:
      t_hbm, idx_hbm, out_hbm, idx_v, acc_v, sg0, sg1, so0, so1 = refs
    wid = lax.axis_index("s") * _NUM_CORES + lax.axis_index("c")
    nch = _CHUNKS_PER_WORKER
    base_chunk = wid * _CHUNKS_PER_WORKER
    base_row = base_chunk * _CB
    sgs = (sg0, sg1)
    sos = (so0, so1)
    zeros = jnp.zeros((_LANES,), jnp.float32)

    def zero_acc(b):
      def zrow(r, carry):
        for k in range(nout // _LANES):
          acc_v[b, r, pl.ds(k * _LANES, _LANES)] = zeros
        return carry
      lax.fori_loop(0, _CB, zrow, 0)

    def fire_chunk(b, cc):
      pltpu.sync_copy(idx_hbm.at[base_chunk + cc], idx_v.at[b])
      for f in range(f_vol):
        pltpu.async_copy(
            t_hbm.at[idx_v.at[b, f]], acc_v.at[b], sgs[b], add=True)
      if aux:
        pltpu.async_copy(
            a_hbm.at[idx_v.at[b, f_vol]], acc_v.at[b], sgs[b], add=True)

    def drain_chunk(b):
      for f in range(f_vol):
        pltpu.make_async_copy(
            t_hbm.at[idx_v.at[b, f]], acc_v.at[b], sgs[b]).wait()
      if aux:
        pltpu.make_async_copy(
            a_hbm.at[idx_v.at[b, f_vol]], acc_v.at[b], sgs[b]).wait()

    zero_acc(0)
    zero_acc(1)
    fire_chunk(0, 0)
    fire_chunk(1, 1)

    def step(g, carry):
      for b in range(2):
        cc = 2 * g + b
        drain_chunk(b)
        off = base_row + cc * _CB
        @pl.when(off + _CB <= n)
        def _full():
          pltpu.async_copy(
              acc_v.at[b], out_hbm.at[pl.ds(off, _CB)], sos[b]).wait()
        if rem:
          @pl.when(off == n - rem)
          def _partial():
            pltpu.async_copy(
                acc_v.at[b, pl.ds(0, rem)],
                out_hbm.at[pl.ds(n - rem, rem)], sos[b]).wait()
        @pl.when(cc + 2 < nch)
        def _prep():
          zero_acc(b)
          fire_chunk(b, cc + 2)
      return carry

    lax.fori_loop(0, nch // 2, step, 0)

  return gather_acc


def _chunked_idx(cols):
  k = cols.shape[0]
  return cols.reshape(k, _N_CHUNKS, _CB).transpose(1, 0, 2)


def kernel(features, neighbor_idx, weight, bias):
  n, nin = features.shape
  f_vol = weight.shape[0]
  nout = weight.shape[2]
  ka = _SPLIT
  kb = f_vol - ka

  wmat = weight.transpose(1, 0, 2).reshape(nin, f_vol * nout)
  bvec_a = jnp.concatenate(
      [bias, jnp.zeros(((ka - 1) * nout,), jnp.float32)])
  tab_a = _matmul_tables(features, wmat[:, :ka * nout], bvec_a)
  tab_b = _matmul_tables(features, wmat[:, ka * nout:],
                         jnp.zeros((kb * nout,), jnp.float32))

  sites = neighbor_idx.T.astype(jnp.int32)
  sites = jnp.pad(sites, ((0, 0), (0, _N_PAD - n)))
  foff = (jnp.arange(f_vol, dtype=jnp.int32) * n)[:, None]
  idx_a = _chunked_idx(sites[:ka] + foff[:ka])
  ident = jnp.where(jnp.arange(_N_PAD, dtype=jnp.int32) < n,
                    jnp.arange(_N_PAD, dtype=jnp.int32), 0)
  idx_b = _chunked_idx(
      jnp.concatenate([sites[ka:] + foff[:kb], ident[None, :]], axis=0))

  out_a = _make_gather_accumulate(ka, nout, n, False)(
      tab_a.reshape(ka * n, nout), idx_a)
  return _make_gather_accumulate(kb, nout, n, True)(
      tab_b.reshape(kb * n, nout), out_a, idx_b)

# --- scband reference (transcript-rebuilt; emitter-appended) ---
"""Pipeline reference for scband-submanifold-convolution-10934986735759 (READ-ONLY COPY).

The authoritative reference and input builder live on the scoring server;
editing this copy changes nothing except your own understanding.
"""

import jax, jax.numpy as jnp
import numpy as np

N = 50000
N_IN = 128
N_OUT = 128
FILTER_VOLUME = 9  # dimension=2, filter_size=3 -> 3*3


def setup_inputs(seed: int = 0) -> dict:
    key = jax.random.key(seed)
    k1, k2, k3 = jax.random.split(key, 3)
    features = jax.random.normal(k1, (N, N_IN), dtype=jnp.float32)
    # Precomputed submanifold 'rule maps': for each active output site and each of the
    # filter_volume offsets, the index of the active input site feeding it.
    neighbor_idx = jax.random.randint(k2, (N, FILTER_VOLUME), 0, N, dtype=jnp.int32)
    # Parameters, initialized exactly like the torch module:
    # weight ~ Normal(0, std) with std = (2 / nIn / filter_volume) ** 0.5, viewed as
    # (filter_volume, nIn, nOut); bias zero-initialized.
    std = (2.0 / N_IN / FILTER_VOLUME) ** 0.5
    weight = (jax.random.normal(k3, (FILTER_VOLUME, N_IN, N_OUT), dtype=jnp.float32) * std)
    bias = jnp.zeros((N_OUT,), dtype=jnp.float32)
    return {"features": features, "neighbor_idx": neighbor_idx, "weight": weight, "bias": bias}


def reference(features, neighbor_idx, weight, bias):
    # Submanifold convolution: output sites == input active sites.
    # For each filter offset f, gather the neighbor feature rows and multiply by the
    # per-offset weight slice W[f] (nIn x nOut), accumulating over offsets, then add bias.
    gathered = jnp.take(features, neighbor_idx, axis=0)  # [N, filter_volume, nIn]
    out = jnp.einsum('nfi,fio->no', gathered, weight) + bias  # [N, nOut]
    return out

if __name__ == "__main__":
    import jax
    _d = setup_inputs()
    print(jax.jit(kernel)(*tuple(_d.values())))

</pallas_src>

<mosaic_0001>
#map = affine_map<(d0, d1) -> (0, 0)>
#map1 = affine_map<(d0, d1) -> (0, 0, 0)>
module attributes {stable_mosaic.version = 14 : i64} {
  func.func @gather_acc(%arg0: i32, %arg1: i32, %arg2: memref<250000x128xf32, #tpu.memory_space<hbm>>, %arg3: memref<50000x128xf32, #tpu.memory_space<hbm>>, %arg4: memref<448x6x112xi32, #tpu.memory_space<hbm>>, %arg5: memref<50000x128xf32, #tpu.memory_space<hbm>>, %arg6: memref<2x6x112xi32, #tpu.memory_space<vmem>>, %arg7: memref<2x112x128xf32, #tpu.memory_space<vmem>>, %arg8: memref<!tpu.dma_semaphore, #tpu.memory_space<semaphore_mem>>, %arg9: memref<!tpu.dma_semaphore, #tpu.memory_space<semaphore_mem>>, %arg10: memref<!tpu.dma_semaphore, #tpu.memory_space<semaphore_mem>>, %arg11: memref<!tpu.dma_semaphore, #tpu.memory_space<semaphore_mem>>) attributes {dimension_semantics = [#tpu.dimension_semantics<core_parallel>, #tpu.dimension_semantics<subcore_parallel>], iteration_bounds = array<i64: 2, 16>, scalar_prefetch = 0 : i64, scratch_operands = 6 : i64, tpu.core_type = #tpu.core_type<sc_vector_subcore>, window_params = [{transform_indices = #map}, {transform_indices = #map}, {transform_indices = #map1}, {transform_indices = #map}]} {
    %mul3A = arith.constant 2 : i32
    %mul3A_0 = arith.muli %arg1, %mul3A : i32
    %add3A = arith.addi %mul3A_0, %arg0 : i32
    %mul3A_1 = arith.constant 14 : i32
    %mul3A_2 = arith.muli %add3A, %mul3A_1 : i32
    %mul3A_3 = arith.constant 112 : i32
    %mul3A_4 = arith.muli %mul3A_2, %mul3A_3 : i32
    %broadcast_in_dim3A = arith.constant 0.000000e+00 : f32
    %broadcast_in_dim3A_5 = vector.broadcast %broadcast_in_dim3A : f32 to vector<16xf32>
    %scan3A = arith.constant 0 : i32
    %scan3A_6 = arith.constant 0 : i32
    %scan3A_7 = arith.constant 112 : i32
    %scan3A_8 = arith.addi %scan3A_6, %scan3A_7 : i32
    %scan3A_9 = arith.constant 1 : i32
    scf.for %scan3A_183 = %scan3A_6 to %scan3A_8 step %scan3A_9  : i32 {
      %swap3A = arith.constant 0 : i32
      %swap3A_184 = arith.index_cast %swap3A : i32 to index
      %swap3A_185 = arith.index_cast %scan3A_183 : i32 to index
      %swap3A_186 = arith.constant 0 : index
      %swap3A_187 = tpu.vector_load %arg7[%swap3A_184, %swap3A_185, %swap3A_186] {strides = array<i32>} : memref<2x112x128xf32, #tpu.memory_space<vmem>>, vector<1x1x16xf32>,
      %swap3A_188 = vector.shape_cast %swap3A_187 : vector<1x1x16xf32> to vector<16xf32>
      %swap3A_189 = vector.shape_cast %broadcast_in_dim3A_5 : vector<16xf32> to vector<1x1x16xf32>
      tpu.vector_store %arg7[%swap3A_184, %swap3A_185, %swap3A_186], %swap3A_189 {strides = array<i32>} : memref<2x112x128xf32, #tpu.memory_space<vmem>>, vector<1x1x16xf32>,
      %swap3A_190 = arith.constant 0 : i32
      %swap3A_191 = arith.index_cast %swap3A_190 : i32 to index
      %swap3A_192 = arith.index_cast %scan3A_183 : i32 to index
      %swap3A_193 = arith.constant 16 : index
      %swap3A_194 = tpu.vector_load %arg7[%swap3A_191, %swap3A_192, %swap3A_193] {strides = array<i32>} : memref<2x112x128xf32, #tpu.memory_space<vmem>>, vector<1x1x16xf32>,
      %swap3A_195 = vector.shape_cast %swap3A_194 : vector<1x1x16xf32> to vector<16xf32>
      %swap3A_196 = vector.shape_cast %broadcast_in_dim3A_5 : vector<16xf32> to vector<1x1x16xf32>
      tpu.vector_store %arg7[%swap3A_191, %swap3A_192, %swap3A_193], %swap3A_196 {strides = array<i32>} : memref<2x112x128xf32, #tpu.memory_space<vmem>>, vector<1x1x16xf32>,
      %swap3A_197 = arith.constant 0 : i32
      %swap3A_198 = arith.index_cast %swap3A_197 : i32 to index
      %swap3A_199 = arith.index_cast %scan3A_183 : i32 to index
      %swap3A_200 = arith.constant 32 : index
      %swap3A_201 = tpu.vector_load %arg7[%swap3A_198, %swap3A_199, %swap3A_200] {strides = array<i32>} : memref<2x112x128xf32, #tpu.memory_space<vmem>>, vector<1x1x16xf32>,
      %swap3A_202 = vector.shape_cast %swap3A_201 : vector<1x1x16xf32> to vector<16xf32>
      %swap3A_203 = vector.shape_cast %broadcast_in_dim3A_5 : vector<16xf32> to vector<1x1x16xf32>
      tpu.vector_store %arg7[%swap3A_198, %swap3A_199, %swap3A_200], %swap3A_203 {strides = array<i32>} : memref<2x112x128xf32, #tpu.memory_space<vmem>>, vector<1x1x16xf32>,
      %swap3A_204 = arith.constant 0 : i32
      %swap3A_205 = arith.index_cast %swap3A_204 : i32 to index
      %swap3A_206 = arith.index_cast %scan3A_183 : i32 to index
      %swap3A_207 = arith.constant 48 : index
      %swap3A_208 = tpu.vector_load %arg7[%swap3A_205, %swap3A_206, %swap3A_207] {strides = array<i32>} : memref<2x112x128xf32, #tpu.memory_space<vmem>>, vector<1x1x16xf32>,
      %swap3A_209 = vector.shape_cast %swap3A_208 : vector<1x1x16xf32> to vector<16xf32>
      %swap3A_210 = vector.shape_cast %broadcast_in_dim3A_5 : vector<16xf32> to vector<1x1x16xf32>
      tpu.vector_store %arg7[%swap3A_205, %swap3A_206, %swap3A_207], %swap3A_210 {strides = array<i32>} : memref<2x112x128xf32, #tpu.memory_space<vmem>>, vector<1x1x16xf32>,
      %swap3A_211 = arith.constant 0 : i32
      %swap3A_212 = arith.index_cast %swap3A_211 : i32 to index
      %swap3A_213 = arith.index_cast %scan3A_183 : i32 to index
      %swap3A_214 = arith.constant 64 : index
      %swap3A_215 = tpu.vector_load %arg7[%swap3A_212, %swap3A_213, %swap3A_214] {strides = array<i32>} : memref<2x112x128xf32, #tpu.memory_space<vmem>>, vector<1x1x16xf32>,
      %swap3A_216 = vector.shape_cast %swap3A_215 : vector<1x1x16xf32> to vector<16xf32>
      %swap3A_217 = vector.shape_cast %broadcast_in_dim3A_5 : vector<16xf32> to vector<1x1x16xf32>
      tpu.vector_store %arg7[%swap3A_212, %swap3A_213, %swap3A_214], %swap3A_217 {strides = array<i32>} : memref<2x112x128xf32, #tpu.memory_space<vmem>>, vector<1x1x16xf32>,
      %swap3A_218 = arith.constant 0 : i32
      %swap3A_219 = arith.index_cast %swap3A_218 : i32 to index
      %swap3A_220 = arith.index_cast %scan3A_183 : i32 to index
      %swap3A_221 = arith.constant 80 : index
      %swap3A_222 = tpu.vector_load %arg7[%swap3A_219, %swap3A_220, %swap3A_221] {strides = array<i32>} : memref<2x112x128xf32, #tpu.memory_space<vmem>>, vector<1x1x16xf32>,
      %swap3A_223 = vector.shape_cast %swap3A_222 : vector<1x1x16xf32> to vector<16xf32>
      %swap3A_224 = vector.shape_cast %broadcast_in_dim3A_5 : vector<16xf32> to vector<1x1x16xf32>
      tpu.vector_store %arg7[%swap3A_219, %swap3A_220, %swap3A_221], %swap3A_224 {strides = array<i32>} : memref<2x112x128xf32, #tpu.memory_space<vmem>>, vector<1x1x16xf32>,
      %swap3A_225 = arith.constant 0 : i32
      %swap3A_226 = arith.index_cast %swap3A_225 : i32 to index
      %swap3A_227 = arith.index_cast %scan3A_183 : i32 to index
      %swap3A_228 = arith.constant 96 : index
      %swap3A_229 = tpu.vector_load %arg7[%swap3A_226, %swap3A_227, %swap3A_228] {strides = array<i32>} : memref<2x112x128xf32, #tpu.memory_space<vmem>>, vector<1x1x16xf32>,
      %swap3A_230 = vector.shape_cast %swap3A_229 : vector<1x1x16xf32> to vector<16xf32>
      %swap3A_231 = vector.shape_cast %broadcast_in_dim3A_5 : vector<16xf32> to vector<1x1x16xf32>
      tpu.vector_store %arg7[%swap3A_226, %swap3A_227, %swap3A_228], %swap3A_231 {strides = array<i32>} : memref<2x112x128xf32, #tpu.memory_space<vmem>>, vector<1x1x16xf32>,
      %swap3A_232 = arith.constant 0 : i32
      %swap3A_233 = arith.index_cast %swap3A_232 : i32 to index
      %swap3A_234 = arith.index_cast %scan3A_183 : i32 to index
      %swap3A_235 = arith.constant 112 : index
      %swap3A_236 = tpu.vector_load %arg7[%swap3A_233, %swap3A_234, %swap3A_235] {strides = array<i32>} : memref<2x112x128xf32, #tpu.memory_space<vmem>>, vector<1x1x16xf32>,
      %swap3A_237 = vector.shape_cast %swap3A_236 : vector<1x1x16xf32> to vector<16xf32>
      %swap3A_238 = vector.shape_cast %broadcast_in_dim3A_5 : vector<16xf32> to vector<1x1x16xf32>
      tpu.vector_store %arg7[%swap3A_233, %swap3A_234, %swap3A_235], %swap3A_238 {strides = array<i32>} : memref<2x112x128xf32, #tpu.memory_space<vmem>>, vector<1x1x16xf32>,
    }
    %scan3A_10 = arith.constant 112 : i32
    %scan3A_11 = arith.constant 0 : i32
    %scan3A_12 = arith.constant 0 : i32
    %scan3A_13 = arith.constant 112 : i32
    %scan3A_14 = arith.addi %scan3A_12, %scan3A_13 : i32
    %scan3A_15 = arith.constant 1 : i32
    scf.for %scan3A_183 = %scan3A_12 to %scan3A_14 step %scan3A_15  : i32 {
      %swap3A = arith.constant 1 : i32
      %swap3A_184 = arith.index_cast %swap3A : i32 to index
      %swap3A_185 = arith.index_cast %scan3A_183 : i32 to index
      %swap3A_186 = arith.constant 0 : index
      %swap3A_187 = tpu.vector_load %arg7[%swap3A_184, %swap3A_185, %swap3A_186] {strides = array<i32>} : memref<2x112x128xf32, #tpu.memory_space<vmem>>, vector<1x1x16xf32>,
      %swap3A_188 = vector.shape_cast %swap3A_187 : vector<1x1x16xf32> to vector<16xf32>
      %swap3A_189 = vector.shape_cast %broadcast_in_dim3A_5 : vector<16xf32> to vector<1x1x16xf32>
      tpu.vector_store %arg7[%swap3A_184, %swap3A_185, %swap3A_186], %swap3A_189 {strides = array<i32>} : memref<2x112x128xf32, #tpu.memory_space<vmem>>, vector<1x1x16xf32>,
      %swap3A_190 = arith.constant 1 : i32
      %swap3A_191 = arith.index_cast %swap3A_190 : i32 to index
      %swap3A_192 = arith.index_cast %scan3A_183 : i32 to index
      %swap3A_193 = arith.constant 16 : index
      %swap3A_194 = tpu.vector_load %arg7[%swap3A_191, %swap3A_192, %swap3A_193] {strides = array<i32>} : memref<2x112x128xf32, #tpu.memory_space<vmem>>, vector<1x1x16xf32>,
      %swap3A_195 = vector.shape_cast %swap3A_194 : vector<1x1x16xf32> to vector<16xf32>
      %swap3A_196 = vector.shape_cast %broadcast_in_dim3A_5 : vector<16xf32> to vector<1x1x16xf32>
      tpu.vector_store %arg7[%swap3A_191, %swap3A_192, %swap3A_193], %swap3A_196 {strides = array<i32>} : memref<2x112x128xf32, #tpu.memory_space<vmem>>, vector<1x1x16xf32>,
      %swap3A_197 = arith.constant 1 : i32
      %swap3A_198 = arith.index_cast %swap3A_197 : i32 to index
      %swap3A_199 = arith.index_cast %scan3A_183 : i32 to index
      %swap3A_200 = arith.constant 32 : index
      %swap3A_201 = tpu.vector_load %arg7[%swap3A_198, %swap3A_199, %swap3A_200] {strides = array<i32>} : memref<2x112x128xf32, #tpu.memory_space<vmem>>, vector<1x1x16xf32>,
      %swap3A_202 = vector.shape_cast %swap3A_201 : vector<1x1x16xf32> to vector<16xf32>
      %swap3A_203 = vector.shape_cast %broadcast_in_dim3A_5 : vector<16xf32> to vector<1x1x16xf32>
      tpu.vector_store %arg7[%swap3A_198, %swap3A_199, %swap3A_200], %swap3A_203 {strides = array<i32>} : memref<2x112x128xf32, #tpu.memory_space<vmem>>, vector<1x1x16xf32>,
      %swap3A_204 = arith.constant 1 : i32
      %swap3A_205 = arith.index_cast %swap3A_204 : i32 to index
      %swap3A_206 = arith.index_cast %scan3A_183 : i32 to index
      %swap3A_207 = arith.constant 48 : index
      %swap3A_208 = tpu.vector_load %arg7[%swap3A_205, %swap3A_206, %swap3A_207] {strides = array<i32>} : memref<2x112x128xf32, #tpu.memory_space<vmem>>, vector<1x1x16xf32>,
      %swap3A_209 = vector.shape_cast %swap3A_208 : vector<1x1x16xf32> to vector<16xf32>
      %swap3A_210 = vector.shape_cast %broadcast_in_dim3A_5 : vector<16xf32> to vector<1x1x16xf32>
      tpu.vector_store %arg7[%swap3A_205, %swap3A_206, %swap3A_207], %swap3A_210 {strides = array<i32>} : memref<2x112x128xf32, #tpu.memory_space<vmem>>, vector<1x1x16xf32>,
      %swap3A_211 = arith.constant 1 : i32
      %swap3A_212 = arith.index_cast %swap3A_211 : i32 to index
      %swap3A_213 = arith.index_cast %scan3A_183 : i32 to index
      %swap3A_214 = arith.constant 64 : index
      %swap3A_215 = tpu.vector_load %arg7[%swap3A_212, %swap3A_213, %swap3A_214] {strides = array<i32>} : memref<2x112x128xf32, #tpu.memory_space<vmem>>, vector<1x1x16xf32>,
      %swap3A_216 = vector.shape_cast %swap3A_215 : vector<1x1x16xf32> to vector<16xf32>
      %swap3A_217 = vector.shape_cast %broadcast_in_dim3A_5 : vector<16xf32> to vector<1x1x16xf32>
      tpu.vector_store %arg7[%swap3A_212, %swap3A_213, %swap3A_214], %swap3A_217 {strides = array<i32>} : memref<2x112x128xf32, #tpu.memory_space<vmem>>, vector<1x1x16xf32>,
      %swap3A_218 = arith.constant 1 : i32
      %swap3A_219 = arith.index_cast %swap3A_218 : i32 to index
      %swap3A_220 = arith.index_cast %scan3A_183 : i32 to index
      %swap3A_221 = arith.constant 80 : index
      %swap3A_222 = tpu.vector_load %arg7[%swap3A_219, %swap3A_220, %swap3A_221] {strides = array<i32>} : memref<2x112x128xf32, #tpu.memory_space<vmem>>, vector<1x1x16xf32>,
      %swap3A_223 = vector.shape_cast %swap3A_222 : vector<1x1x16xf32> to vector<16xf32>
      %swap3A_224 = vector.shape_cast %broadcast_in_dim3A_5 : vector<16xf32> to vector<1x1x16xf32>
      tpu.vector_store %arg7[%swap3A_219, %swap3A_220, %swap3A_221], %swap3A_224 {strides = array<i32>} : memref<2x112x128xf32, #tpu.memory_space<vmem>>, vector<1x1x16xf32>,
      %swap3A_225 = arith.constant 1 : i32
      %swap3A_226 = arith.index_cast %swap3A_225 : i32 to index
      %swap3A_227 = arith.index_cast %scan3A_183 : i32 to index
      %swap3A_228 = arith.constant 96 : index
      %swap3A_229 = tpu.vector_load %arg7[%swap3A_226, %swap3A_227, %swap3A_228] {strides = array<i32>} : memref<2x112x128xf32, #tpu.memory_space<vmem>>, vector<1x1x16xf32>,
      %swap3A_230 = vector.shape_cast %swap3A_229 : vector<1x1x16xf32> to vector<16xf32>
      %swap3A_231 = vector.shape_cast %broadcast_in_dim3A_5 : vector<16xf32> to vector<1x1x16xf32>
      tpu.vector_store %arg7[%swap3A_226, %swap3A_227, %swap3A_228], %swap3A_231 {strides = array<i32>} : memref<2x112x128xf32, #tpu.memory_space<vmem>>, vector<1x1x16xf32>,
      %swap3A_232 = arith.constant 1 : i32
      %swap3A_233 = arith.index_cast %swap3A_232 : i32 to index
      %swap3A_234 = arith.index_cast %scan3A_183 : i32 to index
      %swap3A_235 = arith.constant 112 : index
      %swap3A_236 = tpu.vector_load %arg7[%swap3A_233, %swap3A_234, %swap3A_235] {strides = array<i32>} : memref<2x112x128xf32, #tpu.memory_space<vmem>>, vector<1x1x16xf32>,
      %swap3A_237 = vector.shape_cast %swap3A_236 : vector<1x1x16xf32> to vector<16xf32>
      %swap3A_238 = vector.shape_cast %broadcast_in_dim3A_5 : vector<16xf32> to vector<1x1x16xf32>
      tpu.vector_store %arg7[%swap3A_233, %swap3A_234, %swap3A_235], %swap3A_238 {strides = array<i32>} : memref<2x112x128xf32, #tpu.memory_space<vmem>>, vector<1x1x16xf32>,
    }
    %scan3A_16 = arith.constant 112 : i32
    %add3A_17 = arith.constant 0 : i32
    %add3A_18 = arith.addi %mul3A_2, %add3A_17 : i32
    %run_scoped3A = arith.constant 0 : i32
    "tpu.region"() ({
      %run_scoped3A_183 = tpu.sem_alloc : memref<!tpu.dma_semaphore, #tpu.memory_space<semaphore_mem>>
      %dma_start3A_184 = arith.constant 0 : i32
      %dma_start3A_185 = arith.constant 0 : i32
      %dma_start3A_186 = tpu.memref_slice %arg6[%run_scoped3A, %dma_start3A_184, %dma_start3A_185] : memref<2x6x112xi32, #tpu.memory_space<vmem>> -> memref<1x6x112xi32, #tpu.memory_space<vmem>>
      %dma_start3A_187 = tpu.memref_squeeze %dma_start3A_186 : memref<1x6x112xi32, #tpu.memory_space<vmem>> -> memref<6x112xi32, #tpu.memory_space<vmem>>
      %dma_start3A_188 = arith.constant 0 : i32
      %dma_start3A_189 = arith.constant 0 : i32
      %dma_start3A_190 = tpu.memref_slice %arg4[%add3A_18, %dma_start3A_188, %dma_start3A_189] : memref<448x6x112xi32, #tpu.memory_space<hbm>> -> memref<1x6x112xi32, #tpu.memory_space<hbm>>
      %dma_start3A_191 = tpu.memref_squeeze %dma_start3A_190 : memref<1x6x112xi32, #tpu.memory_space<hbm>> -> memref<6x112xi32, #tpu.memory_space<hbm>>
      %dma_start3A_192 = arith.constant 0 : i32
      %dma_start3A_193 = arith.constant 0 : i32
      %dma_start3A_194 = tpu.memref_slice %arg6[%run_scoped3A, %dma_start3A_192, %dma_start3A_193] : memref<2x6x112xi32, #tpu.memory_space<vmem>> -> memref<1x6x112xi32, #tpu.memory_space<vmem>>
      %dma_start3A_195 = tpu.memref_squeeze %dma_start3A_194 : memref<1x6x112xi32, #tpu.memory_space<vmem>> -> memref<6x112xi32, #tpu.memory_space<vmem>>
      %dma_start3A_196 = arith.constant 0 : i32
      %dma_start3A_197 = arith.constant 0 : i32
      %dma_start3A_198 = tpu.memref_slice %arg4[%add3A_18, %dma_start3A_196, %dma_start3A_197] : memref<448x6x112xi32, #tpu.memory_space<hbm>> -> memref<1x6x112xi32, #tpu.memory_space<hbm>>
      %dma_start3A_199 = tpu.memref_squeeze %dma_start3A_198 : memref<1x6x112xi32, #tpu.memory_space<hbm>> -> memref<6x112xi32, #tpu.memory_space<hbm>>
      tpu.enqueue_dma source(%dma_start3A_199 : memref<6x112xi32, #tpu.memory_space<hbm>>) target(%dma_start3A_195 : memref<6x112xi32, #tpu.memory_space<vmem>>) target_semaphore(%run_scoped3A_183 : memref<!tpu.dma_semaphore, #tpu.memory_space<semaphore_mem>>)
      %dma_wait3A = arith.constant 0 : i32
      %dma_wait3A_200 = arith.constant 0 : i32
      %dma_wait3A_201 = tpu.memref_slice %arg6[%run_scoped3A, %dma_wait3A, %dma_wait3A_200] : memref<2x6x112xi32, #tpu.memory_space<vmem>> -> memref<1x6x112xi32, #tpu.memory_space<vmem>>
      %dma_wait3A_202 = tpu.memref_squeeze %dma_wait3A_201 : memref<1x6x112xi32, #tpu.memory_space<vmem>> -> memref<6x112xi32, #tpu.memory_space<vmem>>
      %dma_wait3A_203 = arith.constant 0 : i32
      %dma_wait3A_204 = arith.constant 0 : i32
      %dma_wait3A_205 = tpu.memref_slice %arg4[%add3A_18, %dma_wait3A_203, %dma_wait3A_204] : memref<448x6x112xi32, #tpu.memory_space<hbm>> -> memref<1x6x112xi32, #tpu.memory_space<hbm>>
      %dma_wait3A_206 = tpu.memref_squeeze %dma_wait3A_205 : memref<1x6x112xi32, #tpu.memory_space<hbm>> -> memref<6x112xi32, #tpu.memory_space<hbm>>
      %dma_wait3A_207 = arith.constant 0 : i32
      %dma_wait3A_208 = arith.constant 0 : i32
      %dma_wait3A_209 = tpu.memref_slice %arg6[%run_scoped3A, %dma_wait3A_207, %dma_wait3A_208] : memref<2x6x112xi32, #tpu.memory_space<vmem>> -> memref<1x6x112xi32, #tpu.memory_space<vmem>>
      %dma_wait3A_210 = tpu.memref_squeeze %dma_wait3A_209 : memref<1x6x112xi32, #tpu.memory_space<vmem>> -> memref<6x112xi32, #tpu.memory_space<vmem>>
      %dma_wait3A_211 = arith.constant 0 : i32
      %dma_wait3A_212 = arith.constant 0 : i32
      %dma_wait3A_213 = tpu.memref_slice %arg4[%add3A_18, %dma_wait3A_211, %dma_wait3A_212] : memref<448x6x112xi32, #tpu.memory_space<hbm>> -> memref<1x6x112xi32, #tpu.memory_space<hbm>>
      %dma_wait3A_214 = tpu.memref_squeeze %dma_wait3A_213 : memref<1x6x112xi32, #tpu.memory_space<hbm>> -> memref<6x112xi32, #tpu.memory_space<hbm>>
      tpu.wait_dma2 semaphore(%run_scoped3A_183 : memref<!tpu.dma_semaphore, #tpu.memory_space<semaphore_mem>>) src(%dma_wait3A_214 : memref<6x112xi32, #tpu.memory_space<hbm>>) dst(%dma_wait3A_210 : memref<6x112xi32, #tpu.memory_space<vmem>>)
      tpu.yield
    }) : () -> ()
    %dma_start3A = arith.constant 0 : i32
    %dma_start3A_19 = arith.constant 0 : i32
    %dma_start3A_20 = arith.constant 0 : i32
    %dma_start3A_21 = arith.constant 0 : i32
    %dma_start3A_22 = arith.constant 0 : i32
    %dma_start3A_23 = tpu.memref_slice %arg7[%dma_start3A_20, %dma_start3A_21, %dma_start3A_22] : memref<2x112x128xf32, #tpu.memory_space<vmem>> -> memref<1x112x128xf32, #tpu.memory_space<vmem>>
    %dma_start3A_24 = tpu.memref_squeeze %dma_start3A_23 : memref<1x112x128xf32, #tpu.memory_space<vmem>> -> memref<112x128xf32, #tpu.memory_space<vmem>>
    %dma_start3A_25 = arith.constant 0 : i32
    %dma_start3A_26 = tpu.memref_slice %arg6[%dma_start3A, %dma_start3A_19, %dma_start3A_25] : memref<2x6x112xi32, #tpu.memory_space<vmem>> -> memref<1x1x112xi32, #tpu.memory_space<vmem>>
    %dma_start3A_27 = tpu.memref_squeeze %dma_start3A_26 : memref<1x1x112xi32, #tpu.memory_space<vmem>> -> memref<112xi32, #tpu.memory_space<vmem>>
    %dma_start3A_28 = arith.constant 0 : i32
    %dma_start3A_29 = arith.constant 0 : i32
    %dma_start3A_30 = tpu.memref_slice %arg2[%dma_start3A_28, %dma_start3A_29] : memref<250000x128xf32, #tpu.memory_space<hbm>> -> memref<250000x128xf32, #tpu.memory_space<hbm>>
    tpu.enqueue_indirect_dma source(%dma_start3A_30 : memref<250000x128xf32, #tpu.memory_space<hbm>>) target(%dma_start3A_24 : memref<112x128xf32, #tpu.memory_space<vmem>>) offsets(%dma_start3A_27 : memref<112xi32, #tpu.memory_space<vmem>>) semaphore(%arg8 : memref<!tpu.dma_semaphore, #tpu.memory_space<semaphore_mem>>) {add = true}
    %dma_start3A_31 = arith.constant 0 : i32
    %dma_start3A_32 = arith.constant 1 : i32
    %dma_start3A_33 = arith.constant 0 : i32
    %dma_start3A_34 = arith.constant 0 : i32
    %dma_start3A_35 = arith.constant 0 : i32
    %dma_start3A_36 = tpu.memref_slice %arg7[%dma_start3A_33, %dma_start3A_34, %dma_start3A_35] : memref<2x112x128xf32, #tpu.memory_space<vmem>> -> memref<1x112x128xf32, #tpu.memory_space<vmem>>
    %dma_start3A_37 = tpu.memref_squeeze %dma_start3A_36 : memref<1x112x128xf32, #tpu.memory_space<vmem>> -> memref<112x128xf32, #tpu.memory_space<vmem>>
    %dma_start3A_38 = arith.constant 0 : i32
    %dma_start3A_39 = tpu.memref_slice %arg6[%dma_start3A_31, %dma_start3A_32, %dma_start3A_38] : memref<2x6x112xi32, #tpu.memory_space<vmem>> -> memref<1x1x112xi32, #tpu.memory_space<vmem>>
    %dma_start3A_40 = tpu.memref_squeeze %dma_start3A_39 : memref<1x1x112xi32, #tpu.memory_space<vmem>> -> memref<112xi32, #tpu.memory_space<vmem>>
    %dma_start3A_41 = arith.constant 0 : i32
    %dma_start3A_42 = arith.constant 0 : i32
    %dma_start3A_43 = tpu.memref_slice %arg2[%dma_start3A_41, %dma_start3A_42] : memref<250000x128xf32, #tpu.memory_space<hbm>> -> memref<250000x128xf32, #tpu.memory_space<hbm>>
    tpu.enqueue_indirect_dma source(%dma_start3A_43 : memref<250000x128xf32, #tpu.memory_space<hbm>>) target(%dma_start3A_37 : memref<112x128xf32, #tpu.memory_space<vmem>>) offsets(%dma_start3A_40 : memref<112xi32, #tpu.memory_space<vmem>>) semaphore(%arg8 : memref<!tpu.dma_semaphore, #tpu.memory_space<semaphore_mem>>) {add = true}
    %dma_start3A_44 = arith.constant 0 : i32
    %dma_start3A_45 = arith.constant 2 : i32
    %dma_start3A_46 = arith.constant 0 : i32
    %dma_start3A_47 = arith.constant 0 : i32
    %dma_start3A_48 = arith.constant 0 : i32
    %dma_start3A_49 = tpu.memref_slice %arg7[%dma_start3A_46, %dma_start3A_47, %dma_start3A_48] : memref<2x112x128xf32, #tpu.memory_space<vmem>> -> memref<1x112x128xf32, #tpu.memory_space<vmem>>
    %dma_start3A_50 = tpu.memref_squeeze %dma_start3A_49 : memref<1x112x128xf32, #tpu.memory_space<vmem>> -> memref<112x128xf32, #tpu.memory_space<vmem>>
    %dma_start3A_51 = arith.constant 0 : i32
    %dma_start3A_52 = tpu.memref_slice %arg6[%dma_start3A_44, %dma_start3A_45, %dma_start3A_51] : memref<2x6x112xi32, #tpu.memory_space<vmem>> -> memref<1x1x112xi32, #tpu.memory_space<vmem>>
    %dma_start3A_53 = tpu.memref_squeeze %dma_start3A_52 : memref<1x1x112xi32, #tpu.memory_space<vmem>> -> memref<112xi32, #tpu.memory_space<vmem>>
    %dma_start3A_54 = arith.constant 0 : i32
    %dma_start3A_55 = arith.constant 0 : i32
    %dma_start3A_56 = tpu.memref_slice %arg2[%dma_start3A_54, %dma_start3A_55] : memref<250000x128xf32, #tpu.memory_space<hbm>> -> memref<250000x128xf32, #tpu.memory_space<hbm>>
    tpu.enqueue_indirect_dma source(%dma_start3A_56 : memref<250000x128xf32, #tpu.memory_space<hbm>>) target(%dma_start3A_50 : memref<112x128xf32, #tpu.memory_space<vmem>>) offsets(%dma_start3A_53 : memref<112xi32, #tpu.memory_space<vmem>>) semaphore(%arg8 : memref<!tpu.dma_semaphore, #tpu.memory_space<semaphore_mem>>) {add = true}
    %dma_start3A_57 = arith.constant 0 : i32
    %dma_start3A_58 = arith.constant 3 : i32
    %dma_start3A_59 = arith.constant 0 : i32
    %dma_start3A_60 = arith.constant 0 : i32
    %dma_start3A_61 = arith.constant 0 : i32
    %dma_start3A_62 = tpu.memref_slice %arg7[%dma_start3A_59, %dma_start3A_60, %dma_start3A_61] : memref<2x112x128xf32, #tpu.memory_space<vmem>> -> memref<1x112x128xf32, #tpu.memory_space<vmem>>
    %dma_start3A_63 = tpu.memref_squeeze %dma_start3A_62 : memref<1x112x128xf32, #tpu.memory_space<vmem>> -> memref<112x128xf32, #tpu.memory_space<vmem>>
    %dma_start3A_64 = arith.constant 0 : i32
    %dma_start3A_65 = tpu.memref_slice %arg6[%dma_start3A_57, %dma_start3A_58, %dma_start3A_64] : memref<2x6x112xi32, #tpu.memory_space<vmem>> -> memref<1x1x112xi32, #tpu.memory_space<vmem>>
    %dma_start3A_66 = tpu.memref_squeeze %dma_start3A_65 : memref<1x1x112xi32, #tpu.memory_space<vmem>> -> memref<112xi32, #tpu.memory_space<vmem>>
    %dma_start3A_67 = arith.constant 0 : i32
    %dma_start3A_68 = arith.constant 0 : i32
    %dma_start3A_69 = tpu.memref_slice %arg2[%dma_start3A_67, %dma_start3A_68] : memref<250000x128xf32, #tpu.memory_space<hbm>> -> memref<250000x128xf32, #tpu.memory_space<hbm>>
    tpu.enqueue_indirect_dma source(%dma_start3A_69 : memref<250000x128xf32, #tpu.memory_space<hbm>>) target(%dma_start3A_63 : memref<112x128xf32, #tpu.memory_space<vmem>>) offsets(%dma_start3A_66 : memref<112xi32, #tpu.memory_space<vmem>>) semaphore(%arg8 : memref<!tpu.dma_semaphore, #tpu.memory_space<semaphore_mem>>) {add = true}
    %dma_start3A_70 = arith.constant 0 : i32
    %dma_start3A_71 = arith.constant 4 : i32
    %dma_start3A_72 = arith.constant 0 : i32
    %dma_start3A_73 = arith.constant 0 : i32
    %dma_start3A_74 = arith.constant 0 : i32
    %dma_start3A_75 = tpu.memref_slice %arg7[%dma_start3A_72, %dma_start3A_73, %dma_start3A_74] : memref<2x112x128xf32, #tpu.memory_space<vmem>> -> memref<1x112x128xf32, #tpu.memory_space<vmem>>
    %dma_start3A_76 = tpu.memref_squeeze %dma_start3A_75 : memref<1x112x128xf32, #tpu.memory_space<vmem>> -> memref<112x128xf32, #tpu.memory_space<vmem>>
    %dma_start3A_77 = arith.constant 0 : i32
    %dma_start3A_78 = tpu.memref_slice %arg6[%dma_start3A_70, %dma_start3A_71, %dma_start3A_77] : memref<2x6x112xi32, #tpu.memory_space<vmem>> -> memref<1x1x112xi32, #tpu.memory_space<vmem>>
    %dma_start3A_79 = tpu.memref_squeeze %dma_start3A_78 : memref<1x1x112xi32, #tpu.memory_space<vmem>> -> memref<112xi32, #tpu.memory_space<vmem>>
    %dma_start3A_80 = arith.constant 0 : i32
    %dma_start3A_81 = arith.constant 0 : i32
    %dma_start3A_82 = tpu.memref_slice %arg2[%dma_start3A_80, %dma_start3A_81] : memref<250000x128xf32, #tpu.memory_space<hbm>> -> memref<250000x128xf32, #tpu.memory_space<hbm>>
    tpu.enqueue_indirect_dma source(%dma_start3A_82 : memref<250000x128xf32, #tpu.memory_space<hbm>>) target(%dma_start3A_76 : memref<112x128xf32, #tpu.memory_space<vmem>>) offsets(%dma_start3A_79 : memref<112xi32, #tpu.memory_space<vmem>>) semaphore(%arg8 : memref<!tpu.dma_semaphore, #tpu.memory_space<semaphore_mem>>) {add = true}
    %dma_start3A_83 = arith.constant 0 : i32
    %dma_start3A_84 = arith.constant 5 : i32
    %dma_start3A_85 = arith.constant 0 : i32
    %dma_start3A_86 = arith.constant 0 : i32
    %dma_start3A_87 = arith.constant 0 : i32
    %dma_start3A_88 = tpu.memref_slice %arg7[%dma_start3A_85, %dma_start3A_86, %dma_start3A_87] : memref<2x112x128xf32, #tpu.memory_space<vmem>> -> memref<1x112x128xf32, #tpu.memory_space<vmem>>
    %dma_start3A_89 = tpu.memref_squeeze %dma_start3A_88 : memref<1x112x128xf32, #tpu.memory_space<vmem>> -> memref<112x128xf32, #tpu.memory_space<vmem>>
    %dma_start3A_90 = arith.constant 0 : i32
    %dma_start3A_91 = tpu.memref_slice %arg6[%dma_start3A_83, %dma_start3A_84, %dma_start3A_90] : memref<2x6x112xi32, #tpu.memory_space<vmem>> -> memref<1x1x112xi32, #tpu.memory_space<vmem>>
    %dma_start3A_92 = tpu.memref_squeeze %dma_start3A_91 : memref<1x1x112xi32, #tpu.memory_space<vmem>> -> memref<112xi32, #tpu.memory_space<vmem>>
    %dma_start3A_93 = arith.constant 0 : i32
    %dma_start3A_94 = arith.constant 0 : i32
    %dma_start3A_95 = tpu.memref_slice %arg3[%dma_start3A_93, %dma_start3A_94] : memref<50000x128xf32, #tpu.memory_space<hbm>> -> memref<50000x128xf32, #tpu.memory_space<hbm>>
    tpu.enqueue_indirect_dma source(%dma_start3A_95 : memref<50000x128xf32, #tpu.memory_space<hbm>>) target(%dma_start3A_89 : memref<112x128xf32, #tpu.memory_space<vmem>>) offsets(%dma_start3A_92 : memref<112xi32, #tpu.memory_space<vmem>>) semaphore(%arg8 : memref<!tpu.dma_semaphore, #tpu.memory_space<semaphore_mem>>) {add = true}
    %add3A_96 = arith.constant 1 : i32
    %add3A_97 = arith.addi %mul3A_2, %add3A_96 : i32
    %run_scoped3A_98 = arith.constant 1 : i32
    "tpu.region"() ({
      %run_scoped3A_183 = tpu.sem_alloc : memref<!tpu.dma_semaphore, #tpu.memory_space<semaphore_mem>>
      %dma_start3A_184 = arith.constant 0 : i32
      %dma_start3A_185 = arith.constant 0 : i32
      %dma_start3A_186 = tpu.memref_slice %arg6[%run_scoped3A_98, %dma_start3A_184, %dma_start3A_185] : memref<2x6x112xi32, #tpu.memory_space<vmem>> -> memref<1x6x112xi32, #tpu.memory_space<vmem>>
      %dma_start3A_187 = tpu.memref_squeeze %dma_start3A_186 : memref<1x6x112xi32, #tpu.memory_space<vmem>> -> memref<6x112xi32, #tpu.memory_space<vmem>>
      %dma_start3A_188 = arith.constant 0 : i32
      %dma_start3A_189 = arith.constant 0 : i32
      %dma_start3A_190 = tpu.memref_slice %arg4[%add3A_97, %dma_start3A_188, %dma_start3A_189] : memref<448x6x112xi32, #tpu.memory_space<hbm>> -> memref<1x6x112xi32, #tpu.memory_space<hbm>>
      %dma_start3A_191 = tpu.memref_squeeze %dma_start3A_190 : memref<1x6x112xi32, #tpu.memory_space<hbm>> -> memref<6x112xi32, #tpu.memory_space<hbm>>
      %dma_start3A_192 = arith.constant 0 : i32
      %dma_start3A_193 = arith.constant 0 : i32
      %dma_start3A_194 = tpu.memref_slice %arg6[%run_scoped3A_98, %dma_start3A_192, %dma_start3A_193] : memref<2x6x112xi32, #tpu.memory_space<vmem>> -> memref<1x6x112xi32, #tpu.memory_space<vmem>>
      %dma_start3A_195 = tpu.memref_squeeze %dma_start3A_194 : memref<1x6x112xi32, #tpu.memory_space<vmem>> -> memref<6x112xi32, #tpu.memory_space<vmem>>
      %dma_start3A_196 = arith.constant 0 : i32
      %dma_start3A_197 = arith.constant 0 : i32
      %dma_start3A_198 = tpu.memref_slice %arg4[%add3A_97, %dma_start3A_196, %dma_start3A_197] : memref<448x6x112xi32, #tpu.memory_space<hbm>> -> memref<1x6x112xi32, #tpu.memory_space<hbm>>
      %dma_start3A_199 = tpu.memref_squeeze %dma_start3A_198 : memref<1x6x112xi32, #tpu.memory_space<hbm>> -> memref<6x112xi32, #tpu.memory_space<hbm>>
      tpu.enqueue_dma source(%dma_start3A_199 : memref<6x112xi32, #tpu.memory_space<hbm>>) target(%dma_start3A_195 : memref<6x112xi32, #tpu.memory_space<vmem>>) target_semaphore(%run_scoped3A_183 : memref<!tpu.dma_semaphore, #tpu.memory_space<semaphore_mem>>)
      %dma_wait3A = arith.constant 0 : i32
      %dma_wait3A_200 = arith.constant 0 : i32
      %dma_wait3A_201 = tpu.memref_slice %arg6[%run_scoped3A_98, %dma_wait3A, %dma_wait3A_200] : memref<2x6x112xi32, #tpu.memory_space<vmem>> -> memref<1x6x112xi32, #tpu.memory_space<vmem>>
      %dma_wait3A_202 = tpu.memref_squeeze %dma_wait3A_201 : memref<1x6x112xi32, #tpu.memory_space<vmem>> -> memref<6x112xi32, #tpu.memory_space<vmem>>
      %dma_wait3A_203 = arith.constant 0 : i32
      %dma_wait3A_204 = arith.constant 0 : i32
      %dma_wait3A_205 = tpu.memref_slice %arg4[%add3A_97, %dma_wait3A_203, %dma_wait3A_204] : memref<448x6x112xi32, #tpu.memory_space<hbm>> -> memref<1x6x112xi32, #tpu.memory_space<hbm>>
      %dma_wait3A_206 = tpu.memref_squeeze %dma_wait3A_205 : memref<1x6x112xi32, #tpu.memory_space<hbm>> -> memref<6x112xi32, #tpu.memory_space<hbm>>
      %dma_wait3A_207 = arith.constant 0 : i32
      %dma_wait3A_208 = arith.constant 0 : i32
      %dma_wait3A_209 = tpu.memref_slice %arg6[%run_scoped3A_98, %dma_wait3A_207, %dma_wait3A_208] : memref<2x6x112xi32, #tpu.memory_space<vmem>> -> memref<1x6x112xi32, #tpu.memory_space<vmem>>
      %dma_wait3A_210 = tpu.memref_squeeze %dma_wait3A_209 : memref<1x6x112xi32, #tpu.memory_space<vmem>> -> memref<6x112xi32, #tpu.memory_space<vmem>>
      %dma_wait3A_211 = arith.constant 0 : i32
      %dma_wait3A_212 = arith.constant 0 : i32
      %dma_wait3A_213 = tpu.memref_slice %arg4[%add3A_97, %dma_wait3A_211, %dma_wait3A_212] : memref<448x6x112xi32, #tpu.memory_space<hbm>> -> memref<1x6x112xi32, #tpu.memory_space<hbm>>
      %dma_wait3A_214 = tpu.memref_squeeze %dma_wait3A_213 : memref<1x6x112xi32, #tpu.memory_space<hbm>> -> memref<6x112xi32, #tpu.memory_space<hbm>>
      tpu.wait_dma2 semaphore(%run_scoped3A_183 : memref<!tpu.dma_semaphore, #tpu.memory_space<semaphore_mem>>) src(%dma_wait3A_214 : memref<6x112xi32, #tpu.memory_space<hbm>>) dst(%dma_wait3A_210 : memref<6x112xi32, #tpu.memory_space<vmem>>)
      tpu.yield
    }) : () -> ()
    %dma_start3A_99 = arith.constant 1 : i32
    %dma_start3A_100 = arith.constant 0 : i32
    %dma_start3A_101 = arith.constant 1 : i32
    %dma_start3A_102 = arith.constant 0 : i32
    %dma_start3A_103 = arith.constant 0 : i32
    %dma_start3A_104 = tpu.memref_slice %arg7[%dma_start3A_101, %dma_start3A_102, %dma_start3A_103] : memref<2x112x128xf32, #tpu.memory_space<vmem>> -> memref<1x112x128xf32, #tpu.memory_space<vmem>>
    %dma_start3A_105 = tpu.memref_squeeze %dma_start3A_104 : memref<1x112x128xf32, #tpu.memory_space<vmem>> -> memref<112x128xf32, #tpu.memory_space<vmem>>
    %dma_start3A_106 = arith.constant 0 : i32
    %dma_start3A_107 = tpu.memref_slice %arg6[%dma_start3A_99, %dma_start3A_100, %dma_start3A_106] : memref<2x6x112xi32, #tpu.memory_space<vmem>> -> memref<1x1x112xi32, #tpu.memory_space<vmem>>
    %dma_start3A_108 = tpu.memref_squeeze %dma_start3A_107 : memref<1x1x112xi32, #tpu.memory_space<vmem>> -> memref<112xi32, #tpu.memory_space<vmem>>
    %dma_start3A_109 = arith.constant 0 : i32
    %dma_start3A_110 = arith.constant 0 : i32
    %dma_start3A_111 = tpu.memref_slice %arg2[%dma_start3A_109, %dma_start3A_110] : memref<250000x128xf32, #tpu.memory_space<hbm>> -> memref<250000x128xf32, #tpu.memory_space<hbm>>
    tpu.enqueue_indirect_dma source(%dma_start3A_111 : memref<250000x128xf32, #tpu.memory_space<hbm>>) target(%dma_start3A_105 : memref<112x128xf32, #tpu.memory_space<vmem>>) offsets(%dma_start3A_108 : memref<112xi32, #tpu.memory_space<vmem>>) semaphore(%arg9 : memref<!tpu.dma_semaphore, #tpu.memory_space<semaphore_mem>>) {add = true}
    %dma_start3A_112 = arith.constant 1 : i32
    %dma_start3A_113 = arith.constant 1 : i32
    %dma_start3A_114 = arith.constant 1 : i32
    %dma_start3A_115 = arith.constant 0 : i32
    %dma_start3A_116 = arith.constant 0 : i32
    %dma_start3A_117 = tpu.memref_slice %arg7[%dma_start3A_114, %dma_start3A_115, %dma_start3A_116] : memref<2x112x128xf32, #tpu.memory_space<vmem>> -> memref<1x112x128xf32, #tpu.memory_space<vmem>>
    %dma_start3A_118 = tpu.memref_squeeze %dma_start3A_117 : memref<1x112x128xf32, #tpu.memory_space<vmem>> -> memref<112x128xf32, #tpu.memory_space<vmem>>
    %dma_start3A_119 = arith.constant 0 : i32
    %dma_start3A_120 = tpu.memref_slice %arg6[%dma_start3A_112, %dma_start3A_113, %dma_start3A_119] : memref<2x6x112xi32, #tpu.memory_space<vmem>> -> memref<1x1x112xi32, #tpu.memory_space<vmem>>
    %dma_start3A_121 = tpu.memref_squeeze %dma_start3A_120 : memref<1x1x112xi32, #tpu.memory_space<vmem>> -> memref<112xi32, #tpu.memory_space<vmem>>
    %dma_start3A_122 = arith.constant 0 : i32
    %dma_start3A_123 = arith.constant 0 : i32
    %dma_start3A_124 = tpu.memref_slice %arg2[%dma_start3A_122, %dma_start3A_123] : memref<250000x128xf32, #tpu.memory_space<hbm>> -> memref<250000x128xf32, #tpu.memory_space<hbm>>
    tpu.enqueue_indirect_dma source(%dma_start3A_124 : memref<250000x128xf32, #tpu.memory_space<hbm>>) target(%dma_start3A_118 : memref<112x128xf32, #tpu.memory_space<vmem>>) offsets(%dma_start3A_121 : memref<112xi32, #tpu.memory_space<vmem>>) semaphore(%arg9 : memref<!tpu.dma_semaphore, #tpu.memory_space<semaphore_mem>>) {add = true}
    %dma_start3A_125 = arith.constant 1 : i32
    %dma_start3A_126 = arith.constant 2 : i32
    %dma_start3A_127 = arith.constant 1 : i32
    %dma_start3A_128 = arith.constant 0 : i32
    %dma_start3A_129 = arith.constant 0 : i32
    %dma_start3A_130 = tpu.memref_slice %arg7[%dma_start3A_127, %dma_start3A_128, %dma_start3A_129] : memref<2x112x128xf32, #tpu.memory_space<vmem>> -> memref<1x112x128xf32, #tpu.memory_space<vmem>>
    %dma_start3A_131 = tpu.memref_squeeze %dma_start3A_130 : memref<1x112x128xf32, #tpu.memory_space<vmem>> -> memref<112x128xf32, #tpu.memory_space<vmem>>
    %dma_start3A_132 = arith.constant 0 : i32
    %dma_start3A_133 = tpu.memref_slice %arg6[%dma_start3A_125, %dma_start3A_126, %dma_start3A_132] : memref<2x6x112xi32, #tpu.memory_space<vmem>> -> memref<1x1x112xi32, #tpu.memory_space<vmem>>
    %dma_start3A_134 = tpu.memref_squeeze %dma_start3A_133 : memref<1x1x112xi32, #tpu.memory_space<vmem>> -> memref<112xi32, #tpu.memory_space<vmem>>
    %dma_start3A_135 = arith.constant 0 : i32
    %dma_start3A_136 = arith.constant 0 : i32
    %dma_start3A_137 = tpu.memref_slice %arg2[%dma_start3A_135, %dma_start3A_136] : memref<250000x128xf32, #tpu.memory_space<hbm>> -> memref<250000x128xf32, #tpu.memory_space<hbm>>
    tpu.enqueue_indirect_dma source(%dma_start3A_137 : memref<250000x128xf32, #tpu.memory_space<hbm>>) target(%dma_start3A_131 : memref<112x128xf32, #tpu.memory_space<vmem>>) offsets(%dma_start3A_134 : memref<112xi32, #tpu.memory_space<vmem>>) semaphore(%arg9 : memref<!tpu.dma_semaphore, #tpu.memory_space<semaphore_mem>>) {add = true}
    %dma_start3A_138 = arith.constant 1 : i32
    %dma_start3A_139 = arith.constant 3 : i32
    %dma_start3A_140 = arith.constant 1 : i32
    %dma_start3A_141 = arith.constant 0 : i32
    %dma_start3A_142 = arith.constant 0 : i32
    %dma_start3A_143 = tpu.memref_slice %arg7[%dma_start3A_140, %dma_start3A_141, %dma_start3A_142] : memref<2x112x128xf32, #tpu.memory_space<vmem>> -> memref<1x112x128xf32, #tpu.memory_space<vmem>>
    %dma_start3A_144 = tpu.memref_squeeze %dma_start3A_143 : memref<1x112x128xf32, #tpu.memory_space<vmem>> -> memref<112x128xf32, #tpu.memory_space<vmem>>
    %dma_start3A_145 = arith.constant 0 : i32
    %dma_start3A_146 = tpu.memref_slice %arg6[%dma_start3A_138, %dma_start3A_139, %dma_start3A_145] : memref<2x6x112xi32, #tpu.memory_space<vmem>> -> memref<1x1x112xi32, #tpu.memory_space<vmem>>
    %dma_start3A_147 = tpu.memref_squeeze %dma_start3A_146 : memref<1x1x112xi32, #tpu.memory_space<vmem>> -> memref<112xi32, #tpu.memory_space<vmem>>
    %dma_start3A_148 = arith.constant 0 : i32
    %dma_start3A_149 = arith.constant 0 : i32
    %dma_start3A_150 = tpu.memref_slice %arg2[%dma_start3A_148, %dma_start3A_149] : memref<250000x128xf32, #tpu.memory_space<hbm>> -> memref<250000x128xf32, #tpu.memory_space<hbm>>
    tpu.enqueue_indirect_dma source(%dma_start3A_150 : memref<250000x128xf32, #tpu.memory_space<hbm>>) target(%dma_start3A_144 : memref<112x128xf32, #tpu.memory_space<vmem>>) offsets(%dma_start3A_147 : memref<112xi32, #tpu.memory_space<vmem>>) semaphore(%arg9 : memref<!tpu.dma_semaphore, #tpu.memory_space<semaphore_mem>>) {add = true}
    %dma_start3A_151 = arith.constant 1 : i32
    %dma_start3A_152 = arith.constant 4 : i32
    %dma_start3A_153 = arith.constant 1 : i32
    %dma_start3A_154 = arith.constant 0 : i32
    %dma_start3A_155 = arith.constant 0 : i32
    %dma_start3A_156 = tpu.memref_slice %arg7[%dma_start3A_153, %dma_start3A_154, %dma_start3A_155] : memref<2x112x128xf32, #tpu.memory_space<vmem>> -> memref<1x112x128xf32, #tpu.memory_space<vmem>>
    %dma_start3A_157 = tpu.memref_squeeze %dma_start3A_156 : memref<1x112x128xf32, #tpu.memory_space<vmem>> -> memref<112x128xf32, #tpu.memory_space<vmem>>
    %dma_start3A_158 = arith.constant 0 : i32
    %dma_start3A_159 = tpu.memref_slice %arg6[%dma_start3A_151, %dma_start3A_152, %dma_start3A_158] : memref<2x6x112xi32, #tpu.memory_space<vmem>> -> memref<1x1x112xi32, #tpu.memory_space<vmem>>
    %dma_start3A_160 = tpu.memref_squeeze %dma_start3A_159 : memref<1x1x112xi32, #tpu.memory_space<vmem>> -> memref<112xi32, #tpu.memory_space<vmem>>
    %dma_start3A_161 = arith.constant 0 : i32
    %dma_start3A_162 = arith.constant 0 : i32
    %dma_start3A_163 = tpu.memref_slice %arg2[%dma_start3A_161, %dma_start3A_162] : memref<250000x128xf32, #tpu.memory_space<hbm>> -> memref<250000x128xf32, #tpu.memory_space<hbm>>
    tpu.enqueue_indirect_dma source(%dma_start3A_163 : memref<250000x128xf32, #tpu.memory_space<hbm>>) target(%dma_start3A_157 : memref<112x128xf32, #tpu.memory_space<vmem>>) offsets(%dma_start3A_160 : memref<112xi32, #tpu.memory_space<vmem>>) semaphore(%arg9 : memref<!tpu.dma_semaphore, #tpu.memory_space<semaphore_mem>>) {add = true}
    %dma_start3A_164 = arith.constant 1 : i32
    %dma_start3A_165 = arith.constant 5 : i32
    %dma_start3A_166 = arith.constant 1 : i32
    %dma_start3A_167 = arith.constant 0 : i32
    %dma_start3A_168 = arith.constant 0 : i32
    %dma_start3A_169 = tpu.memref_slice %arg7[%dma_start3A_166, %dma_start3A_167, %dma_start3A_168] : memref<2x112x128xf32, #tpu.memory_space<vmem>> -> memref<1x112x128xf32, #tpu.memory_space<vmem>>
    %dma_start3A_170 = tpu.memref_squeeze %dma_start3A_169 : memref<1x112x128xf32, #tpu.memory_space<vmem>> -> memref<112x128xf32, #tpu.memory_space<vmem>>
    %dma_start3A_171 = arith.constant 0 : i32
    %dma_start3A_172 = tpu.memref_slice %arg6[%dma_start3A_164, %dma_start3A_165, %dma_start3A_171] : memref<2x6x112xi32, #tpu.memory_space<vmem>> -> memref<1x1x112xi32, #tpu.memory_space<vmem>>
    %dma_start3A_173 = tpu.memref_squeeze %dma_start3A_172 : memref<1x1x112xi32, #tpu.memory_space<vmem>> -> memref<112xi32, #tpu.memory_space<vmem>>
    %dma_start3A_174 = arith.constant 0 : i32
    %dma_start3A_175 = arith.constant 0 : i32
    %dma_start3A_176 = tpu.memref_slice %arg3[%dma_start3A_174, %dma_start3A_175] : memref<50000x128xf32, #tpu.memory_space<hbm>> -> memref<50000x128xf32, #tpu.memory_space<hbm>>
    tpu.enqueue_indirect_dma source(%dma_start3A_176 : memref<50000x128xf32, #tpu.memory_space<hbm>>) target(%dma_start3A_170 : memref<112x128xf32, #tpu.memory_space<vmem>>) offsets(%dma_start3A_173 : memref<112xi32, #tpu.memory_space<vmem>>) semaphore(%arg9 : memref<!tpu.dma_semaphore, #tpu.memory_space<semaphore_mem>>) {add = true}
    %scan3A_177 = arith.constant 0 : i32
    %scan3A_178 = arith.constant 0 : i32
    %scan3A_179 = arith.constant 7 : i32
    %scan3A_180 = arith.addi %scan3A_178, %scan3A_179 : i32
    %scan3A_181 = arith.constant 1 : i32
    scf.for %scan3A_183 = %scan3A_178 to %scan3A_180 step %scan3A_181  : i32 {
      %mul3A_184 = arith.constant 2 : i32
      %mul3A_185 = arith.muli %mul3A_184, %scan3A_183 : i32
      %add3A_186 = arith.constant 0 : i32
      %add3A_187 = arith.addi %mul3A_185, %add3A_186 : i32
      %dma_wait3A = arith.constant 0 : i32
      %dma_wait3A_188 = arith.constant 0 : i32
      %dma_wait3A_189 = arith.constant 0 : i32
      %dma_wait3A_190 = arith.constant 0 : i32
      %dma_wait3A_191 = arith.constant 0 : i32
      %dma_wait3A_192 = tpu.memref_slice %arg7[%dma_wait3A_189, %dma_wait3A_190, %dma_wait3A_191] : memref<2x112x128xf32, #tpu.memory_space<vmem>> -> memref<1x112x128xf32, #tpu.memory_space<vmem>>
      %dma_wait3A_193 = tpu.memref_squeeze %dma_wait3A_192 : memref<1x112x128xf32, #tpu.memory_space<vmem>> -> memref<112x128xf32, #tpu.memory_space<vmem>>
      %dma_wait3A_194 = arith.constant 0 : i32
      %dma_wait3A_195 = tpu.memref_slice %arg6[%dma_wait3A, %dma_wait3A_188, %dma_wait3A_194] : memref<2x6x112xi32, #tpu.memory_space<vmem>> -> memref<1x1x112xi32, #tpu.memory_space<vmem>>
      %dma_wait3A_196 = tpu.memref_squeeze %dma_wait3A_195 : memref<1x1x112xi32, #tpu.memory_space<vmem>> -> memref<112xi32, #tpu.memory_space<vmem>>
      %dma_wait3A_197 = arith.constant 0 : i32
      %dma_wait3A_198 = arith.constant 0 : i32
      %dma_wait3A_199 = tpu.memref_slice %arg2[%dma_wait3A_197, %dma_wait3A_198] : memref<250000x128xf32, #tpu.memory_space<hbm>> -> memref<250000x128xf32, #tpu.memory_space<hbm>>
      tpu.wait_indirect_dma semaphore(%arg8 : memref<!tpu.dma_semaphore, #tpu.memory_space<semaphore_mem>>) src(%dma_wait3A_199 : memref<250000x128xf32, #tpu.memory_space<hbm>>) dst(%dma_wait3A_193 : memref<112x128xf32, #tpu.memory_space<vmem>>)
      %dma_wait3A_200 = arith.constant 0 : i32
      %dma_wait3A_201 = arith.constant 1 : i32
      %dma_wait3A_202 = arith.constant 0 : i32
      %dma_wait3A_203 = arith.constant 0 : i32
      %dma_wait3A_204 = arith.constant 0 : i32
      %dma_wait3A_205 = tpu.memref_slice %arg7[%dma_wait3A_202, %dma_wait3A_203, %dma_wait3A_204] : memref<2x112x128xf32, #tpu.memory_space<vmem>> -> memref<1x112x128xf32, #tpu.memory_space<vmem>>
      %dma_wait3A_206 = tpu.memref_squeeze %dma_wait3A_205 : memref<1x112x128xf32, #tpu.memory_space<vmem>> -> memref<112x128xf32, #tpu.memory_space<vmem>>
      %dma_wait3A_207 = arith.constant 0 : i32
      %dma_wait3A_208 = tpu.memref_slice %arg6[%dma_wait3A_200, %dma_wait3A_201, %dma_wait3A_207] : memref<2x6x112xi32, #tpu.memory_space<vmem>> -> memref<1x1x112xi32, #tpu.memory_space<vmem>>
      %dma_wait3A_209 = tpu.memref_squeeze %dma_wait3A_208 : memref<1x1x112xi32, #tpu.memory_space<vmem>> -> memref<112xi32, #tpu.memory_space<vmem>>
      %dma_wait3A_210 = arith.constant 0 : i32
      %dma_wait3A_211 = arith.constant 0 : i32
      %dma_wait3A_212 = tpu.memref_slice %arg2[%dma_wait3A_210, %dma_wait3A_211] : memref<250000x128xf32, #tpu.memory_space<hbm>> -> memref<250000x128xf32, #tpu.memory_space<hbm>>
      tpu.wait_indirect_dma semaphore(%arg8 : memref<!tpu.dma_semaphore, #tpu.memory_space<semaphore_mem>>) src(%dma_wait3A_212 : memref<250000x128xf32, #tpu.memory_space<hbm>>) dst(%dma_wait3A_206 : memref<112x128xf32, #tpu.memory_space<vmem>>)
      %dma_wait3A_213 = arith.constant 0 : i32
      %dma_wait3A_214 = arith.constant 2 : i32
      %dma_wait3A_215 = arith.constant 0 : i32
      %dma_wait3A_216 = arith.constant 0 : i32
      %dma_wait3A_217 = arith.constant 0 : i32
      %dma_wait3A_218 = tpu.memref_slice %arg7[%dma_wait3A_215, %dma_wait3A_216, %dma_wait3A_217] : memref<2x112x128xf32, #tpu.memory_space<vmem>> -> memref<1x112x128xf32, #tpu.memory_space<vmem>>
      %dma_wait3A_219 = tpu.memref_squeeze %dma_wait3A_218 : memref<1x112x128xf32, #tpu.memory_space<vmem>> -> memref<112x128xf32, #tpu.memory_space<vmem>>
      %dma_wait3A_220 = arith.constant 0 : i32
      %dma_wait3A_221 = tpu.memref_slice %arg6[%dma_wait3A_213, %dma_wait3A_214, %dma_wait3A_220] : memref<2x6x112xi32, #tpu.memory_space<vmem>> -> memref<1x1x112xi32, #tpu.memory_space<vmem>>
      %dma_wait3A_222 = tpu.memref_squeeze %dma_wait3A_221 : memref<1x1x112xi32, #tpu.memory_space<vmem>> -> memref<112xi32, #tpu.memory_space<vmem>>
      %dma_wait3A_223 = arith.constant 0 : i32
      %dma_wait3A_224 = arith.constant 0 : i32
      %dma_wait3A_225 = tpu.memref_slice %arg2[%dma_wait3A_223, %dma_wait3A_224] : memref<250000x128xf32, #tpu.memory_space<hbm>> -> memref<250000x128xf32, #tpu.memory_space<hbm>>
      tpu.wait_indirect_dma semaphore(%arg8 : memref<!tpu.dma_semaphore, #tpu.memory_space<semaphore_mem>>) src(%dma_wait3A_225 : memref<250000x128xf32, #tpu.memory_space<hbm>>) dst(%dma_wait3A_219 : memref<112x128xf32, #tpu.memory_space<vmem>>)
      %dma_wait3A_226 = arith.constant 0 : i32
      %dma_wait3A_227 = arith.constant 3 : i32
      %dma_wait3A_228 = arith.constant 0 : i32
      %dma_wait3A_229 = arith.constant 0 : i32
      %dma_wait3A_230 = arith.constant 0 : i32
      %dma_wait3A_231 = tpu.memref_slice %arg7[%dma_wait3A_228, %dma_wait3A_229, %dma_wait3A_230] : memref<2x112x128xf32, #tpu.memory_space<vmem>> -> memref<1x112x128xf32, #tpu.memory_space<vmem>>
      %dma_wait3A_232 = tpu.memref_squeeze %dma_wait3A_231 : memref<1x112x128xf32, #tpu.memory_space<vmem>> -> memref<112x128xf32, #tpu.memory_space<vmem>>
      %dma_wait3A_233 = arith.constant 0 : i32
      %dma_wait3A_234 = tpu.memref_slice %arg6[%dma_wait3A_226, %dma_wait3A_227, %dma_wait3A_233] : memref<2x6x112xi32, #tpu.memory_space<vmem>> -> memref<1x1x112xi32, #tpu.memory_space<vmem>>
      %dma_wait3A_235 = tpu.memref_squeeze %dma_wait3A_234 : memref<1x1x112xi32, #tpu.memory_space<vmem>> -> memref<112xi32, #tpu.memory_space<vmem>>
      %dma_wait3A_236 = arith.constant 0 : i32
      %dma_wait3A_237 = arith.constant 0 : i32
      %dma_wait3A_238 = tpu.memref_slice %arg2[%dma_wait3A_236, %dma_wait3A_237] : memref<250000x128xf32, #tpu.memory_space<hbm>> -> memref<250000x128xf32, #tpu.memory_space<hbm>>
      tpu.wait_indirect_dma semaphore(%arg8 : memref<!tpu.dma_semaphore, #tpu.memory_space<semaphore_mem>>) src(%dma_wait3A_238 : memref<250000x128xf32, #tpu.memory_space<hbm>>) dst(%dma_wait3A_232 : memref<112x128xf32, #tpu.memory_space<vmem>>)
      %dma_wait3A_239 = arith.constant 0 : i32
      %dma_wait3A_240 = arith.constant 4 : i32
      %dma_wait3A_241 = arith.constant 0 : i32
      %dma_wait3A_242 = arith.constant 0 : i32
      %dma_wait3A_243 = arith.constant 0 : i32
      %dma_wait3A_244 = tpu.memref_slice %arg7[%dma_wait3A_241, %dma_wait3A_242, %dma_wait3A_243] : memref<2x112x128xf32, #tpu.memory_space<vmem>> -> memref<1x112x128xf32, #tpu.memory_space<vmem>>
      %dma_wait3A_245 = tpu.memref_squeeze %dma_wait3A_244 : memref<1x112x128xf32, #tpu.memory_space<vmem>> -> memref<112x128xf32, #tpu.memory_space<vmem>>
      %dma_wait3A_246 = arith.constant 0 : i32
      %dma_wait3A_247 = tpu.memref_slice %arg6[%dma_wait3A_239, %dma_wait3A_240, %dma_wait3A_246] : memref<2x6x112xi32, #tpu.memory_space<vmem>> -> memref<1x1x112xi32, #tpu.memory_space<vmem>>
      %dma_wait3A_248 = tpu.memref_squeeze %dma_wait3A_247 : memref<1x1x112xi32, #tpu.memory_space<vmem>> -> memref<112xi32, #tpu.memory_space<vmem>>
      %dma_wait3A_249 = arith.constant 0 : i32
      %dma_wait3A_250 = arith.constant 0 : i32
      %dma_wait3A_251 = tpu.memref_slice %arg2[%dma_wait3A_249, %dma_wait3A_250] : memref<250000x128xf32, #tpu.memory_space<hbm>> -> memref<250000x128xf32, #tpu.memory_space<hbm>>
      tpu.wait_indirect_dma semaphore(%arg8 : memref<!tpu.dma_semaphore, #tpu.memory_space<semaphore_mem>>) src(%dma_wait3A_251 : memref<250000x128xf32, #tpu.memory_space<hbm>>) dst(%dma_wait3A_245 : memref<112x128xf32, #tpu.memory_space<vmem>>)
      %dma_wait3A_252 = arith.constant 0 : i32
      %dma_wait3A_253 = arith.constant 5 : i32
      %dma_wait3A_254 = arith.constant 0 : i32
      %dma_wait3A_255 = arith.constant 0 : i32
      %dma_wait3A_256 = arith.constant 0 : i32
      %dma_wait3A_257 = tpu.memref_slice %arg7[%dma_wait3A_254, %dma_wait3A_255, %dma_wait3A_256] : memref<2x112x128xf32, #tpu.memory_space<vmem>> -> memref<1x112x128xf32, #tpu.memory_space<vmem>>
      %dma_wait3A_258 = tpu.memref_squeeze %dma_wait3A_257 : memref<1x112x128xf32, #tpu.memory_space<vmem>> -> memref<112x128xf32, #tpu.memory_space<vmem>>
      %dma_wait3A_259 = arith.constant 0 : i32
      %dma_wait3A_260 = tpu.memref_slice %arg6[%dma_wait3A_252, %dma_wait3A_253, %dma_wait3A_259] : memref<2x6x112xi32, #tpu.memory_space<vmem>> -> memref<1x1x112xi32, #tpu.memory_space<vmem>>
      %dma_wait3A_261 = tpu.memref_squeeze %dma_wait3A_260 : memref<1x1x112xi32, #tpu.memory_space<vmem>> -> memref<112xi32, #tpu.memory_space<vmem>>
      %dma_wait3A_262 = arith.constant 0 : i32
      %dma_wait3A_263 = arith.constant 0 : i32
      %dma_wait3A_264 = tpu.memref_slice %arg3[%dma_wait3A_262, %dma_wait3A_263] : memref<50000x128xf32, #tpu.memory_space<hbm>> -> memref<50000x128xf32, #tpu.memory_space<hbm>>
      tpu.wait_indirect_dma semaphore(%arg8 : memref<!tpu.dma_semaphore, #tpu.memory_space<semaphore_mem>>) src(%dma_wait3A_264 : memref<50000x128xf32, #tpu.memory_space<hbm>>) dst(%dma_wait3A_258 : memref<112x128xf32, #tpu.memory_space<vmem>>)
      %mul3A_265 = arith.constant 112 : i32
      %mul3A_266 = arith.muli %add3A_187, %mul3A_265 : i32
      %add3A_267 = arith.addi %mul3A_4, %mul3A_266 : i32
      %add3A_268 = arith.constant 112 : i32
      %add3A_269 = arith.addi %add3A_267, %add3A_268 : i32
      %le3A = arith.constant 50000 : i32
      %le3A_270 = arith.cmpi sle, %add3A_269, %le3A : i32
      %convert_element_type3A = arith.extui %le3A_270 : i1 to i32
      %cond3A = arith.constant 0 : i32
      %cond3A_271 = arith.cmpi ne, %convert_element_type3A, %cond3A : i32
      scf.if %cond3A_271 {
        %dma_start3A_386 = arith.constant 0 : i32
        %dma_start3A_387 = arith.constant 0 : i32
        %dma_start3A_388 = arith.constant 0 : i32
        %dma_start3A_389 = tpu.memref_slice %arg7[%dma_start3A_386, %dma_start3A_387, %dma_start3A_388] : memref<2x112x128xf32, #tpu.memory_space<vmem>> -> memref<1x112x128xf32, #tpu.memory_space<vmem>>
        %dma_start3A_390 = tpu.memref_squeeze %dma_start3A_389 : memref<1x112x128xf32, #tpu.memory_space<vmem>> -> memref<112x128xf32, #tpu.memory_space<vmem>>
        %dma_start3A_391 = arith.constant 0 : i32
        %dma_start3A_392 = tpu.memref_slice %arg5[%add3A_267, %dma_start3A_391] : memref<50000x128xf32, #tpu.memory_space<hbm>> -> memref<112x128xf32, #tpu.memory_space<hbm>>
        %dma_start3A_393 = arith.constant 0 : i32
        %dma_start3A_394 = tpu.memref_slice %arg5[%add3A_267, %dma_start3A_393] : memref<50000x128xf32, #tpu.memory_space<hbm>> -> memref<112x128xf32, #tpu.memory_space<hbm>>
        %dma_start3A_395 = arith.constant 0 : i32
        %dma_start3A_396 = arith.constant 0 : i32
        %dma_start3A_397 = tpu.memref_slice %arg7[%dma_start3A_386, %dma_start3A_395, %dma_start3A_396] : memref<2x112x128xf32, #tpu.memory_space<vmem>> -> memref<1x112x128xf32, #tpu.memory_space<vmem>>
        %dma_start3A_398 = tpu.memref_squeeze %dma_start3A_397 : memref<1x112x128xf32, #tpu.memory_space<vmem>> -> memref<112x128xf32, #tpu.memory_space<vmem>>
        tpu.enqueue_dma source(%dma_start3A_398 : memref<112x128xf32, #tpu.memory_space<vmem>>) target(%dma_start3A_394 : memref<112x128xf32, #tpu.memory_space<hbm>>) target_semaphore(%arg10 : memref<!tpu.dma_semaphore, #tpu.memory_space<semaphore_mem>>)
        %dma_wait3A_399 = arith.constant 0 : i32
        %dma_wait3A_400 = arith.constant 0 : i32
        %dma_wait3A_401 = arith.constant 0 : i32
        %dma_wait3A_402 = tpu.memref_slice %arg7[%dma_wait3A_399, %dma_wait3A_400, %dma_wait3A_401] : memref<2x112x128xf32, #tpu.memory_space<vmem>> -> memref<1x112x128xf32, #tpu.memory_space<vmem>>
        %dma_wait3A_403 = tpu.memref_squeeze %dma_wait3A_402 : memref<1x112x128xf32, #tpu.memory_space<vmem>> -> memref<112x128xf32, #tpu.memory_space<vmem>>
        %dma_wait3A_404 = arith.constant 0 : i32
        %dma_wait3A_405 = tpu.memref_slice %arg5[%add3A_267, %dma_wait3A_404] : memref<50000x128xf32, #tpu.memory_space<hbm>> -> memref<112x128xf32, #tpu.memory_space<hbm>>
        %dma_wait3A_406 = arith.constant 0 : i32
        %dma_wait3A_407 = tpu.memref_slice %arg5[%add3A_267, %dma_wait3A_406] : memref<50000x128xf32, #tpu.memory_space<hbm>> -> memref<112x128xf32, #tpu.memory_space<hbm>>
        %dma_wait3A_408 = arith.constant 0 : i32
        %dma_wait3A_409 = arith.constant 0 : i32
        %dma_wait3A_410 = tpu.memref_slice %arg7[%dma_wait3A_399, %dma_wait3A_408, %dma_wait3A_409] : memref<2x112x128xf32, #tpu.memory_space<vmem>> -> memref<1x112x128xf32, #tpu.memory_space<vmem>>
        %dma_wait3A_411 = tpu.memref_squeeze %dma_wait3A_410 : memref<1x112x128xf32, #tpu.memory_space<vmem>> -> memref<112x128xf32, #tpu.memory_space<vmem>>
        tpu.wait_dma2 semaphore(%arg10 : memref<!tpu.dma_semaphore, #tpu.memory_space<semaphore_mem>>) src(%dma_wait3A_411 : memref<112x128xf32, #tpu.memory_space<vmem>>) dst(%dma_wait3A_407 : memref<112x128xf32, #tpu.memory_space<hbm>>)
      } else {
      }
      %eq3A = arith.constant 49952 : i32
      %eq3A_272 = arith.cmpi eq, %add3A_267, %eq3A : i32
      %convert_element_type3A_273 = arith.extui %eq3A_272 : i1 to i32
      %cond3A_274 = arith.constant 0 : i32
      %cond3A_275 = arith.cmpi ne, %convert_element_type3A_273, %cond3A_274 : i32
      scf.if %cond3A_275 {
        %dma_start3A_386 = arith.constant 0 : i32
        %dma_start3A_387 = arith.constant 0 : i32
        %dma_start3A_388 = arith.constant 0 : i32
        %dma_start3A_389 = tpu.memref_slice %arg7[%dma_start3A_386, %dma_start3A_387, %dma_start3A_388] : memref<2x112x128xf32, #tpu.memory_space<vmem>> -> memref<1x48x128xf32, #tpu.memory_space<vmem>>
        %dma_start3A_390 = tpu.memref_squeeze %dma_start3A_389 : memref<1x48x128xf32, #tpu.memory_space<vmem>> -> memref<48x128xf32, #tpu.memory_space<vmem>>
        %dma_start3A_391 = arith.constant 49952 : i32
        %dma_start3A_392 = arith.constant 0 : i32
        %dma_start3A_393 = tpu.memref_slice %arg5[%dma_start3A_391, %dma_start3A_392] : memref<50000x128xf32, #tpu.memory_space<hbm>> -> memref<48x128xf32, #tpu.memory_space<hbm>>
        %dma_start3A_394 = arith.constant 49952 : i32
        %dma_start3A_395 = arith.constant 0 : i32
        %dma_start3A_396 = tpu.memref_slice %arg5[%dma_start3A_394, %dma_start3A_395] : memref<50000x128xf32, #tpu.memory_space<hbm>> -> memref<48x128xf32, #tpu.memory_space<hbm>>
        %dma_start3A_397 = arith.constant 0 : i32
        %dma_start3A_398 = arith.constant 0 : i32
        %dma_start3A_399 = tpu.memref_slice %arg7[%dma_start3A_386, %dma_start3A_397, %dma_start3A_398] : memref<2x112x128xf32, #tpu.memory_space<vmem>> -> memref<1x48x128xf32, #tpu.memory_space<vmem>>
        %dma_start3A_400 = tpu.memref_squeeze %dma_start3A_399 : memref<1x48x128xf32, #tpu.memory_space<vmem>> -> memref<48x128xf32, #tpu.memory_space<vmem>>
        tpu.enqueue_dma source(%dma_start3A_400 : memref<48x128xf32, #tpu.memory_space<vmem>>) target(%dma_start3A_396 : memref<48x128xf32, #tpu.memory_space<hbm>>) target_semaphore(%arg10 : memref<!tpu.dma_semaphore, #tpu.memory_space<semaphore_mem>>)
        %dma_wait3A_401 = arith.constant 0 : i32
        %dma_wait3A_402 = arith.constant 0 : i32
        %dma_wait3A_403 = arith.constant 0 : i32
        %dma_wait3A_404 = tpu.memref_slice %arg7[%dma_wait3A_401, %dma_wait3A_402, %dma_wait3A_403] : memref<2x112x128xf32, #tpu.memory_space<vmem>> -> memref<1x48x128xf32, #tpu.memory_space<vmem>>
        %dma_wait3A_405 = tpu.memref_squeeze %dma_wait3A_404 : memref<1x48x128xf32, #tpu.memory_space<vmem>> -> memref<48x128xf32, #tpu.memory_space<vmem>>
        %dma_wait3A_406 = arith.constant 49952 : i32
        %dma_wait3A_407 = arith.constant 0 : i32
        %dma_wait3A_408 = tpu.memref_slice %arg5[%dma_wait3A_406, %dma_wait3A_407] : memref<50000x128xf32, #tpu.memory_space<hbm>> -> memref<48x128xf32, #tpu.memory_space<hbm>>
        %dma_wait3A_409 = arith.constant 49952 : i32
        %dma_wait3A_410 = arith.constant 0 : i32
        %dma_wait3A_411 = tpu.memref_slice %arg5[%dma_wait3A_409, %dma_wait3A_410] : memref<50000x128xf32, #tpu.memory_space<hbm>> -> memref<48x128xf32, #tpu.memory_space<hbm>>
        %dma_wait3A_412 = arith.constant 0 : i32
        %dma_wait3A_413 = arith.constant 0 : i32
        %dma_wait3A_414 = tpu.memref_slice %arg7[%dma_wait3A_401, %dma_wait3A_412, %dma_wait3A_413] : memref<2x112x128xf32, #tpu.memory_space<vmem>> -> memref<1x48x128xf32, #tpu.memory_space<vmem>>
        %dma_wait3A_415 = tpu.memref_squeeze %dma_wait3A_414 : memref<1x48x128xf32, #tpu.memory_space<vmem>> -> memref<48x128xf32, #tpu.memory_space<vmem>>
        tpu.wait_dma2 semaphore(%arg10 : memref<!tpu.dma_semaphore, #tpu.memory_space<semaphore_mem>>) src(%dma_wait3A_415 : memref<48x128xf32, #tpu.memory_space<vmem>>) dst(%dma_wait3A_411 : memref<48x128xf32, #tpu.memory_space<hbm>>)
      } else {
      }
      %add3A_276 = arith.constant 2 : i32
      %add3A_277 = arith.addi %add3A_187, %add3A_276 : i32
      %lt3A = arith.constant 14 : i32
      %lt3A_278 = arith.cmpi slt, %add3A_277, %lt3A : i32
      %convert_element_type3A_279 = arith.extui %lt3A_278 : i1 to i32
      %cond3A_280 = arith.constant 0 : i32
      %cond3A_281 = arith.cmpi ne, %convert_element_type3A_279, %cond3A_280 : i32
      scf.if %cond3A_281 {
        %scan3A_386 = arith.constant 0 : i32
        %scan3A_387 = arith.constant 0 : i32
        %scan3A_388 = arith.constant 112 : i32
        %scan3A_389 = arith.addi %scan3A_387, %scan3A_388 : i32
        %scan3A_390 = arith.constant 1 : i32
        scf.for %scan3A_474 = %scan3A_387 to %scan3A_389 step %scan3A_390  : i32 {
          %swap3A = arith.constant 0 : i32
          %swap3A_475 = arith.index_cast %swap3A : i32 to index
          %swap3A_476 = arith.index_cast %scan3A_474 : i32 to index
          %swap3A_477 = arith.constant 0 : index
          %swap3A_478 = tpu.vector_load %arg7[%swap3A_475, %swap3A_476, %swap3A_477] {strides = array<i32>} : memref<2x112x128xf32, #tpu.memory_space<vmem>>, vector<1x1x16xf32>,
          %swap3A_479 = vector.shape_cast %swap3A_478 : vector<1x1x16xf32> to vector<16xf32>
          %swap3A_480 = vector.shape_cast %broadcast_in_dim3A_5 : vector<16xf32> to vector<1x1x16xf32>
          tpu.vector_store %arg7[%swap3A_475, %swap3A_476, %swap3A_477], %swap3A_480 {strides = array<i32>} : memref<2x112x128xf32, #tpu.memory_space<vmem>>, vector<1x1x16xf32>,
          %swap3A_481 = arith.constant 0 : i32
          %swap3A_482 = arith.index_cast %swap3A_481 : i32 to index
          %swap3A_483 = arith.index_cast %scan3A_474 : i32 to index
          %swap3A_484 = arith.constant 16 : index
          %swap3A_485 = tpu.vector_load %arg7[%swap3A_482, %swap3A_483, %swap3A_484] {strides = array<i32>} : memref<2x112x128xf32, #tpu.memory_space<vmem>>, vector<1x1x16xf32>,
          %swap3A_486 = vector.shape_cast %swap3A_485 : vector<1x1x16xf32> to vector<16xf32>
          %swap3A_487 = vector.shape_cast %broadcast_in_dim3A_5 : vector<16xf32> to vector<1x1x16xf32>
          tpu.vector_store %arg7[%swap3A_482, %swap3A_483, %swap3A_484], %swap3A_487 {strides = array<i32>} : memref<2x112x128xf32, #tpu.memory_space<vmem>>, vector<1x1x16xf32>,
          %swap3A_488 = arith.constant 0 : i32
          %swap3A_489 = arith.index_cast %swap3A_488 : i32 to index
          %swap3A_490 = arith.index_cast %scan3A_474 : i32 to index
          %swap3A_491 = arith.constant 32 : index
          %swap3A_492 = tpu.vector_load %arg7[%swap3A_489, %swap3A_490, %swap3A_491] {strides = array<i32>} : memref<2x112x128xf32, #tpu.memory_space<vmem>>, vector<1x1x16xf32>,
          %swap3A_493 = vector.shape_cast %swap3A_492 : vector<1x1x16xf32> to vector<16xf32>
          %swap3A_494 = vector.shape_cast %broadcast_in_dim3A_5 : vector<16xf32> to vector<1x1x16xf32>
          tpu.vector_store %arg7[%swap3A_489, %swap3A_490, %swap3A_491], %swap3A_494 {strides = array<i32>} : memref<2x112x128xf32, #tpu.memory_space<vmem>>, vector<1x1x16xf32>,
          %swap3A_495 = arith.constant 0 : i32
          %swap3A_496 = arith.index_cast %swap3A_495 : i32 to index
          %swap3A_497 = arith.index_cast %scan3A_474 : i32 to index
          %swap3A_498 = arith.constant 48 : index
          %swap3A_499 = tpu.vector_load %arg7[%swap3A_496, %swap3A_497, %swap3A_498] {strides = array<i32>} : memref<2x112x128xf32, #tpu.memory_space<vmem>>, vector<1x1x16xf32>,
          %swap3A_500 = vector.shape_cast %swap3A_499 : vector<1x1x16xf32> to vector<16xf32>
          %swap3A_501 = vector.shape_cast %broadcast_in_dim3A_5 : vector<16xf32> to vector<1x1x16xf32>
          tpu.vector_store %arg7[%swap3A_496, %swap3A_497, %swap3A_498], %swap3A_501 {strides = array<i32>} : memref<2x112x128xf32, #tpu.memory_space<vmem>>, vector<1x1x16xf32>,
          %swap3A_502 = arith.constant 0 : i32
          %swap3A_503 = arith.index_cast %swap3A_502 : i32 to index
          %swap3A_504 = arith.index_cast %scan3A_474 : i32 to index
          %swap3A_505 = arith.constant 64 : index
          %swap3A_506 = tpu.vector_load %arg7[%swap3A_503, %swap3A_504, %swap3A_505] {strides = array<i32>} : memref<2x112x128xf32, #tpu.memory_space<vmem>>, vector<1x1x16xf32>,
          %swap3A_507 = vector.shape_cast %swap3A_506 : vector<1x1x16xf32> to vector<16xf32>
          %swap3A_508 = vector.shape_cast %broadcast_in_dim3A_5 : vector<16xf32> to vector<1x1x16xf32>
          tpu.vector_store %arg7[%swap3A_503, %swap3A_504, %swap3A_505], %swap3A_508 {strides = array<i32>} : memref<2x112x128xf32, #tpu.memory_space<vmem>>, vector<1x1x16xf32>,
          %swap3A_509 = arith.constant 0 : i32
          %swap3A_510 = arith.index_cast %swap3A_509 : i32 to index
          %swap3A_511 = arith.index_cast %scan3A_474 : i32 to index
          %swap3A_512 = arith.constant 80 : index
          %swap3A_513 = tpu.vector_load %arg7[%swap3A_510, %swap3A_511, %swap3A_512] {strides = array<i32>} : memref<2x112x128xf32, #tpu.memory_space<vmem>>, vector<1x1x16xf32>,
          %swap3A_514 = vector.shape_cast %swap3A_513 : vector<1x1x16xf32> to vector<16xf32>
          %swap3A_515 = vector.shape_cast %broadcast_in_dim3A_5 : vector<16xf32> to vector<1x1x16xf32>
          tpu.vector_store %arg7[%swap3A_510, %swap3A_511, %swap3A_512], %swap3A_515 {strides = array<i32>} : memref<2x112x128xf32, #tpu.memory_space<vmem>>, vector<1x1x16xf32>,
          %swap3A_516 = arith.constant 0 : i32
          %swap3A_517 = arith.index_cast %swap3A_516 : i32 to index
          %swap3A_518 = arith.index_cast %scan3A_474 : i32 to index
          %swap3A_519 = arith.constant 96 : index
          %swap3A_520 = tpu.vector_load %arg7[%swap3A_517, %swap3A_518, %swap3A_519] {strides = array<i32>} : memref<2x112x128xf32, #tpu.memory_space<vmem>>, vector<1x1x16xf32>,
          %swap3A_521 = vector.shape_cast %swap3A_520 : vector<1x1x16xf32> to vector<16xf32>
          %swap3A_522 = vector.shape_cast %broadcast_in_dim3A_5 : vector<16xf32> to vector<1x1x16xf32>
          tpu.vector_store %arg7[%swap3A_517, %swap3A_518, %swap3A_519], %swap3A_522 {strides = array<i32>} : memref<2x112x128xf32, #tpu.memory_space<vmem>>, vector<1x1x16xf32>,
          %swap3A_523 = arith.constant 0 : i32
          %swap3A_524 = arith.index_cast %swap3A_523 : i32 to index
          %swap3A_525 = arith.index_cast %scan3A_474 : i32 to index
          %swap3A_526 = arith.constant 112 : index
          %swap3A_527 = tpu.vector_load %arg7[%swap3A_524, %swap3A_525, %swap3A_526] {strides = array<i32>} : memref<2x112x128xf32, #tpu.memory_space<vmem>>, vector<1x1x16xf32>,
          %swap3A_528 = vector.shape_cast %swap3A_527 : vector<1x1x16xf32> to vector<16xf32>
          %swap3A_529 = vector.shape_cast %broadcast_in_dim3A_5 : vector<16xf32> to vector<1x1x16xf32>
          tpu.vector_store %arg7[%swap3A_524, %swap3A_525, %swap3A_526], %swap3A_529 {strides = array<i32>} : memref<2x112x128xf32, #tpu.memory_space<vmem>>, vector<1x1x16xf32>,
        }
        %scan3A_391 = arith.constant 112 : i32
        %add3A_392 = arith.constant 2 : i32
        %add3A_393 = arith.addi %add3A_187, %add3A_392 : i32
        %add3A_394 = arith.addi %mul3A_2, %add3A_393 : i32
        %run_scoped3A_395 = arith.constant 0 : i32
        "tpu.region"() ({
          %run_scoped3A_474 = tpu.sem_alloc : memref<!tpu.dma_semaphore, #tpu.memory_space<semaphore_mem>>
          %dma_start3A_475 = arith.constant 0 : i32
          %dma_start3A_476 = arith.constant 0 : i32
          %dma_start3A_477 = tpu.memref_slice %arg6[%run_scoped3A_395, %dma_start3A_475, %dma_start3A_476] : memref<2x6x112xi32, #tpu.memory_space<vmem>> -> memref<1x6x112xi32, #tpu.memory_space<vmem>>
          %dma_start3A_478 = tpu.memref_squeeze %dma_start3A_477 : memref<1x6x112xi32, #tpu.memory_space<vmem>> -> memref<6x112xi32, #tpu.memory_space<vmem>>
          %dma_start3A_479 = arith.constant 0 : i32
          %dma_start3A_480 = arith.constant 0 : i32
          %dma_start3A_481 = tpu.memref_slice %arg4[%add3A_394, %dma_start3A_479, %dma_start3A_480] : memref<448x6x112xi32, #tpu.memory_space<hbm>> -> memref<1x6x112xi32, #tpu.memory_space<hbm>>
          %dma_start3A_482 = tpu.memref_squeeze %dma_start3A_481 : memref<1x6x112xi32, #tpu.memory_space<hbm>> -> memref<6x112xi32, #tpu.memory_space<hbm>>
          %dma_start3A_483 = arith.constant 0 : i32
          %dma_start3A_484 = arith.constant 0 : i32
          %dma_start3A_485 = tpu.memref_slice %arg6[%run_scoped3A_395, %dma_start3A_483, %dma_start3A_484] : memref<2x6x112xi32, #tpu.memory_space<vmem>> -> memref<1x6x112xi32, #tpu.memory_space<vmem>>
          %dma_start3A_486 = tpu.memref_squeeze %dma_start3A_485 : memref<1x6x112xi32, #tpu.memory_space<vmem>> -> memref<6x112xi32, #tpu.memory_space<vmem>>
          %dma_start3A_487 = arith.constant 0 : i32
          %dma_start3A_488 = arith.constant 0 : i32
          %dma_start3A_489 = tpu.memref_slice %arg4[%add3A_394, %dma_start3A_487, %dma_start3A_488] : memref<448x6x112xi32, #tpu.memory_space<hbm>> -> memref<1x6x112xi32, #tpu.memory_space<hbm>>
          %dma_start3A_490 = tpu.memref_squeeze %dma_start3A_489 : memref<1x6x112xi32, #tpu.memory_space<hbm>> -> memref<6x112xi32, #tpu.memory_space<hbm>>
          tpu.enqueue_dma source(%dma_start3A_490 : memref<6x112xi32, #tpu.memory_space<hbm>>) target(%dma_start3A_486 : memref<6x112xi32, #tpu.memory_space<vmem>>) target_semaphore(%run_scoped3A_474 : memref<!tpu.dma_semaphore, #tpu.memory_space<semaphore_mem>>)
          %dma_wait3A_491 = arith.constant 0 : i32
          %dma_wait3A_492 = arith.constant 0 : i32
          %dma_wait3A_493 = tpu.memref_slice %arg6[%run_scoped3A_395, %dma_wait3A_491, %dma_wait3A_492] : memref<2x6x112xi32, #tpu.memory_space<vmem>> -> memref<1x6x112xi32, #tpu.memory_space<vmem>>
          %dma_wait3A_494 = tpu.memref_squeeze %dma_wait3A_493 : memref<1x6x112xi32, #tpu.memory_space<vmem>> -> memref<6x112xi32, #tpu.memory_space<vmem>>
          %dma_wait3A_495 = arith.constant 0 : i32
          %dma_wait3A_496 = arith.constant 0 : i32
          %dma_wait3A_497 = tpu.memref_slice %arg4[%add3A_394, %dma_wait3A_495, %dma_wait3A_496] : memref<448x6x112xi32, #tpu.memory_space<hbm>> -> memref<1x6x112xi32, #tpu.memory_space<hbm>>
          %dma_wait3A_498 = tpu.memref_squeeze %dma_wait3A_497 : memref<1x6x112xi32, #tpu.memory_space<hbm>> -> memref<6x112xi32, #tpu.memory_space<hbm>>
          %dma_wait3A_499 = arith.constant 0 : i32
          %dma_wait3A_500 = arith.constant 0 : i32
          %dma_wait3A_501 = tpu.memref_slice %arg6[%run_scoped3A_395, %dma_wait3A_499, %dma_wait3A_500] : memref<2x6x112xi32, #tpu.memory_space<vmem>> -> memref<1x6x112xi32, #tpu.memory_space<vmem>>
          %dma_wait3A_502 = tpu.memref_squeeze %dma_wait3A_501 : memref<1x6x112xi32, #tpu.memory_space<vmem>> -> memref<6x112xi32, #tpu.memory_space<vmem>>
          %dma_wait3A_503 = arith.constant 0 : i32
          %dma_wait3A_504 = arith.constant 0 : i32
          %dma_wait3A_505 = tpu.memref_slice %arg4[%add3A_394, %dma_wait3A_503, %dma_wait3A_504] : memref<448x6x112xi32, #tpu.memory_space<hbm>> -> memref<1x6x112xi32, #tpu.memory_space<hbm>>
          %dma_wait3A_506 = tpu.memref_squeeze %dma_wait3A_505 : memref<1x6x112xi32, #tpu.memory_space<hbm>> -> memref<6x112xi32, #tpu.memory_space<hbm>>
          tpu.wait_dma2 semaphore(%run_scoped3A_474 : memref<!tpu.dma_semaphore, #tpu.memory_space<semaphore_mem>>) src(%dma_wait3A_506 : memref<6x112xi32, #tpu.memory_space<hbm>>) dst(%dma_wait3A_502 : memref<6x112xi32, #tpu.memory_space<vmem>>)
          tpu.yield
        }) : () -> ()
        %dma_start3A_396 = arith.constant 0 : i32
        %dma_start3A_397 = arith.constant 0 : i32
        %dma_start3A_398 = arith.constant 0 : i32
        %dma_start3A_399 = arith.constant 0 : i32
        %dma_start3A_400 = arith.constant 0 : i32
        %dma_start3A_401 = tpu.memref_slice %arg7[%dma_start3A_398, %dma_start3A_399, %dma_start3A_400] : memref<2x112x128xf32, #tpu.memory_space<vmem>> -> memref<1x112x128xf32, #tpu.memory_space<vmem>>
        %dma_start3A_402 = tpu.memref_squeeze %dma_start3A_401 : memref<1x112x128xf32, #tpu.memory_space<vmem>> -> memref<112x128xf32, #tpu.memory_space<vmem>>
        %dma_start3A_403 = arith.constant 0 : i32
        %dma_start3A_404 = tpu.memref_slice %arg6[%dma_start3A_396, %dma_start3A_397, %dma_start3A_403] : memref<2x6x112xi32, #tpu.memory_space<vmem>> -> memref<1x1x112xi32, #tpu.memory_space<vmem>>
        %dma_start3A_405 = tpu.memref_squeeze %dma_start3A_404 : memref<1x1x112xi32, #tpu.memory_space<vmem>> -> memref<112xi32, #tpu.memory_space<vmem>>
        %dma_start3A_406 = arith.constant 0 : i32
        %dma_start3A_407 = arith.constant 0 : i32
        %dma_start3A_408 = tpu.memref_slice %arg2[%dma_start3A_406, %dma_start3A_407] : memref<250000x128xf32, #tpu.memory_space<hbm>> -> memref<250000x128xf32, #tpu.memory_space<hbm>>
        tpu.enqueue_indirect_dma source(%dma_start3A_408 : memref<250000x128xf32, #tpu.memory_space<hbm>>) target(%dma_start3A_402 : memref<112x128xf32, #tpu.memory_space<vmem>>) offsets(%dma_start3A_405 : memref<112xi32, #tpu.memory_space<vmem>>) semaphore(%arg8 : memref<!tpu.dma_semaphore, #tpu.memory_space<semaphore_mem>>) {add = true}
        %dma_start3A_409 = arith.constant 0 : i32
        %dma_start3A_410 = arith.constant 1 : i32
        %dma_start3A_411 = arith.constant 0 : i32
        %dma_start3A_412 = arith.constant 0 : i32
        %dma_start3A_413 = arith.constant 0 : i32
        %dma_start3A_414 = tpu.memref_slice %arg7[%dma_start3A_411, %dma_start3A_412, %dma_start3A_413] : memref<2x112x128xf32, #tpu.memory_space<vmem>> -> memref<1x112x128xf32, #tpu.memory_space<vmem>>
        %dma_start3A_415 = tpu.memref_squeeze %dma_start3A_414 : memref<1x112x128xf32, #tpu.memory_space<vmem>> -> memref<112x128xf32, #tpu.memory_space<vmem>>
        %dma_start3A_416 = arith.constant 0 : i32
        %dma_start3A_417 = tpu.memref_slice %arg6[%dma_start3A_409, %dma_start3A_410, %dma_start3A_416] : memref<2x6x112xi32, #tpu.memory_space<vmem>> -> memref<1x1x112xi32, #tpu.memory_space<vmem>>
        %dma_start3A_418 = tpu.memref_squeeze %dma_start3A_417 : memref<1x1x112xi32, #tpu.memory_space<vmem>> -> memref<112xi32, #tpu.memory_space<vmem>>
        %dma_start3A_419 = arith.constant 0 : i32
        %dma_start3A_420 = arith.constant 0 : i32
        %dma_start3A_421 = tpu.memref_slice %arg2[%dma_start3A_419, %dma_start3A_420] : memref<250000x128xf32, #tpu.memory_space<hbm>> -> memref<250000x128xf32, #tpu.memory_space<hbm>>
        tpu.enqueue_indirect_dma source(%dma_start3A_421 : memref<250000x128xf32, #tpu.memory_space<hbm>>) target(%dma_start3A_415 : memref<112x128xf32, #tpu.memory_space<vmem>>) offsets(%dma_start3A_418 : memref<112xi32, #tpu.memory_space<vmem>>) semaphore(%arg8 : memref<!tpu.dma_semaphore, #tpu.memory_space<semaphore_mem>>) {add = true}
        %dma_start3A_422 = arith.constant 0 : i32
        %dma_start3A_423 = arith.constant 2 : i32
        %dma_start3A_424 = arith.constant 0 : i32
        %dma_start3A_425 = arith.constant 0 : i32
        %dma_start3A_426 = arith.constant 0 : i32
        %dma_start3A_427 = tpu.memref_slice %arg7[%dma_start3A_424, %dma_start3A_425, %dma_start3A_426] : memref<2x112x128xf32, #tpu.memory_space<vmem>> -> memref<1x112x128xf32, #tpu.memory_space<vmem>>
        %dma_start3A_428 = tpu.memref_squeeze %dma_start3A_427 : memref<1x112x128xf32, #tpu.memory_space<vmem>> -> memref<112x128xf32, #tpu.memory_space<vmem>>
        %dma_start3A_429 = arith.constant 0 : i32
        %dma_start3A_430 = tpu.memref_slice %arg6[%dma_start3A_422, %dma_start3A_423, %dma_start3A_429] : memref<2x6x112xi32, #tpu.memory_space<vmem>> -> memref<1x1x112xi32, #tpu.memory_space<vmem>>
        %dma_start3A_431 = tpu.memref_squeeze %dma_start3A_430 : memref<1x1x112xi32, #tpu.memory_space<vmem>> -> memref<112xi32, #tpu.memory_space<vmem>>
        %dma_start3A_432 = arith.constant 0 : i32
        %dma_start3A_433 = arith.constant 0 : i32
        %dma_start3A_434 = tpu.memref_slice %arg2[%dma_start3A_432, %dma_start3A_433] : memref<250000x128xf32, #tpu.memory_space<hbm>> -> memref<250000x128xf32, #tpu.memory_space<hbm>>
        tpu.enqueue_indirect_dma source(%dma_start3A_434 : memref<250000x128xf32, #tpu.memory_space<hbm>>) target(%dma_start3A_428 : memref<112x128xf32, #tpu.memory_space<vmem>>) offsets(%dma_start3A_431 : memref<112xi32, #tpu.memory_space<vmem>>) semaphore(%arg8 : memref<!tpu.dma_semaphore, #tpu.memory_space<semaphore_mem>>) {add = true}
        %dma_start3A_435 = arith.constant 0 : i32
        %dma_start3A_436 = arith.constant 3 : i32
        %dma_start3A_437 = arith.constant 0 : i32
        %dma_start3A_438 = arith.constant 0 : i32
        %dma_start3A_439 = arith.constant 0 : i32
        %dma_start3A_440 = tpu.memref_slice %arg7[%dma_start3A_437, %dma_start3A_438, %dma_start3A_439] : memref<2x112x128xf32, #tpu.memory_space<vmem>> -> memref<1x112x128xf32, #tpu.memory_space<vmem>>
        %dma_start3A_441 = tpu.memref_squeeze %dma_start3A_440 : memref<1x112x128xf32, #tpu.memory_space<vmem>> -> memref<112x128xf32, #tpu.memory_space<vmem>>
        %dma_start3A_442 = arith.constant 0 : i32
        %dma_start3A_443 = tpu.memref_slice %arg6[%dma_start3A_435, %dma_start3A_436, %dma_start3A_442] : memref<2x6x112xi32, #tpu.memory_space<vmem>> -> memref<1x1x112xi32, #tpu.memory_space<vmem>>
        %dma_start3A_444 = tpu.memref_squeeze %dma_start3A_443 : memref<1x1x112xi32, #tpu.memory_space<vmem>> -> memref<112xi32, #tpu.memory_space<vmem>>
        %dma_start3A_445 = arith.constant 0 : i32
        %dma_start3A_446 = arith.constant 0 : i32
        %dma_start3A_447 = tpu.memref_slice %arg2[%dma_start3A_445, %dma_start3A_446] : memref<250000x128xf32, #tpu.memory_space<hbm>> -> memref<250000x128xf32, #tpu.memory_space<hbm>>
        tpu.enqueue_indirect_dma source(%dma_start3A_447 : memref<250000x128xf32, #tpu.memory_space<hbm>>) target(%dma_start3A_441 : memref<112x128xf32, #tpu.memory_space<vmem>>) offsets(%dma_start3A_444 : memref<112xi32, #tpu.memory_space<vmem>>) semaphore(%arg8 : memref<!tpu.dma_semaphore, #tpu.memory_space<semaphore_mem>>) {add = true}
        %dma_start3A_448 = arith.constant 0 : i32
        %dma_start3A_449 = arith.constant 4 : i32
        %dma_start3A_450 = arith.constant 0 : i32
        %dma_start3A_451 = arith.constant 0 : i32
        %dma_start3A_452 = arith.constant 0 : i32
        %dma_start3A_453 = tpu.memref_slice %arg7[%dma_start3A_450, %dma_start3A_451, %dma_start3A_452] : memref<2x112x128xf32, #tpu.memory_space<vmem>> -> memref<1x112x128xf32, #tpu.memory_space<vmem>>
        %dma_start3A_454 = tpu.memref_squeeze %dma_start3A_453 : memref<1x112x128xf32, #tpu.memory_space<vmem>> -> memref<112x128xf32, #tpu.memory_space<vmem>>
        %dma_start3A_455 = arith.constant 0 : i32
        %dma_start3A_456 = tpu.memref_slice %arg6[%dma_start3A_448, %dma_start3A_449, %dma_start3A_455] : memref<2x6x112xi32, #tpu.memory_space<vmem>> -> memref<1x1x112xi32, #tpu.memory_space<vmem>>
        %dma_start3A_457 = tpu.memref_squeeze %dma_start3A_456 : memref<1x1x112xi32, #tpu.memory_space<vmem>> -> memref<112xi32, #tpu.memory_space<vmem>>
        %dma_start3A_458 = arith.constant 0 : i32
        %dma_start3A_459 = arith.constant 0 : i32
        %dma_start3A_460 = tpu.memref_slice %arg2[%dma_start3A_458, %dma_start3A_459] : memref<250000x128xf32, #tpu.memory_space<hbm>> -> memref<250000x128xf32, #tpu.memory_space<hbm>>
        tpu.enqueue_indirect_dma source(%dma_start3A_460 : memref<250000x128xf32, #tpu.memory_space<hbm>>) target(%dma_start3A_454 : memref<112x128xf32, #tpu.memory_space<vmem>>) offsets(%dma_start3A_457 : memref<112xi32, #tpu.memory_space<vmem>>) semaphore(%arg8 : memref<!tpu.dma_semaphore, #tpu.memory_space<semaphore_mem>>) {add = true}
        %dma_start3A_461 = arith.constant 0 : i32
        %dma_start3A_462 = arith.constant 5 : i32
        %dma_start3A_463 = arith.constant 0 : i32
        %dma_start3A_464 = arith.constant 0 : i32
        %dma_start3A_465 = arith.constant 0 : i32
        %dma_start3A_466 = tpu.memref_slice %arg7[%dma_start3A_463, %dma_start3A_464, %dma_start3A_465] : memref<2x112x128xf32, #tpu.memory_space<vmem>> -> memref<1x112x128xf32, #tpu.memory_space<vmem>>
        %dma_start3A_467 = tpu.memref_squeeze %dma_start3A_466 : memref<1x112x128xf32, #tpu.memory_space<vmem>> -> memref<112x128xf32, #tpu.memory_space<vmem>>
        %dma_start3A_468 = arith.constant 0 : i32
        %dma_start3A_469 = tpu.memref_slice %arg6[%dma_start3A_461, %dma_start3A_462, %dma_start3A_468] : memref<2x6x112xi32, #tpu.memory_space<vmem>> -> memref<1x1x112xi32, #tpu.memory_space<vmem>>
        %dma_start3A_470 = tpu.memref_squeeze %dma_start3A_469 : memref<1x1x112xi32, #tpu.memory_space<vmem>> -> memref<112xi32, #tpu.memory_space<vmem>>
        %dma_start3A_471 = arith.constant 0 : i32
        %dma_start3A_472 = arith.constant 0 : i32
        %dma_start3A_473 = tpu.memref_slice %arg3[%dma_start3A_471, %dma_start3A_472] : memref<50000x128xf32, #tpu.memory_space<hbm>> -> memref<50000x128xf32, #tpu.memory_space<hbm>>
        tpu.enqueue_indirect_dma source(%dma_start3A_473 : memref<50000x128xf32, #tpu.memory_space<hbm>>) target(%dma_start3A_467 : memref<112x128xf32, #tpu.memory_space<vmem>>) offsets(%dma_start3A_470 : memref<112xi32, #tpu.memory_space<vmem>>) semaphore(%arg8 : memref<!tpu.dma_semaphore, #tpu.memory_space<semaphore_mem>>) {add = true}
      } else {
      }
      %mul3A_282 = arith.constant 2 : i32
      %mul3A_283 = arith.muli %mul3A_282, %scan3A_183 : i32
      %add3A_284 = arith.constant 1 : i32
      %add3A_285 = arith.addi %mul3A_283, %add3A_284 : i32
      %dma_wait3A_286 = arith.constant 1 : i32
      %dma_wait3A_287 = arith.constant 0 : i32
      %dma_wait3A_288 = arith.constant 1 : i32
      %dma_wait3A_289 = arith.constant 0 : i32
      %dma_wait3A_290 = arith.constant 0 : i32
      %dma_wait3A_291 = tpu.memref_slice %arg7[%dma_wait3A_288, %dma_wait3A_289, %dma_wait3A_290] : memref<2x112x128xf32, #tpu.memory_space<vmem>> -> memref<1x112x128xf32, #tpu.memory_space<vmem>>
      %dma_wait3A_292 = tpu.memref_squeeze %dma_wait3A_291 : memref<1x112x128xf32, #tpu.memory_space<vmem>> -> memref<112x128xf32, #tpu.memory_space<vmem>>
      %dma_wait3A_293 = arith.constant 0 : i32
      %dma_wait3A_294 = tpu.memref_slice %arg6[%dma_wait3A_286, %dma_wait3A_287, %dma_wait3A_293] : memref<2x6x112xi32, #tpu.memory_space<vmem>> -> memref<1x1x112xi32, #tpu.memory_space<vmem>>
      %dma_wait3A_295 = tpu.memref_squeeze %dma_wait3A_294 : memref<1x1x112xi32, #tpu.memory_space<vmem>> -> memref<112xi32, #tpu.memory_space<vmem>>
      %dma_wait3A_296 = arith.constant 0 : i32
      %dma_wait3A_297 = arith.constant 0 : i32
      %dma_wait3A_298 = tpu.memref_slice %arg2[%dma_wait3A_296, %dma_wait3A_297] : memref<250000x128xf32, #tpu.memory_space<hbm>> -> memref<250000x128xf32, #tpu.memory_space<hbm>>
      tpu.wait_indirect_dma semaphore(%arg9 : memref<!tpu.dma_semaphore, #tpu.memory_space<semaphore_mem>>) src(%dma_wait3A_298 : memref<250000x128xf32, #tpu.memory_space<hbm>>) dst(%dma_wait3A_292 : memref<112x128xf32, #tpu.memory_space<vmem>>)
      %dma_wait3A_299 = arith.constant 1 : i32
      %dma_wait3A_300 = arith.constant 1 : i32
      %dma_wait3A_301 = arith.constant 1 : i32
      %dma_wait3A_302 = arith.constant 0 : i32
      %dma_wait3A_303 = arith.constant 0 : i32
      %dma_wait3A_304 = tpu.memref_slice %arg7[%dma_wait3A_301, %dma_wait3A_302, %dma_wait3A_303] : memref<2x112x128xf32, #tpu.memory_space<vmem>> -> memref<1x112x128xf32, #tpu.memory_space<vmem>>
      %dma_wait3A_305 = tpu.memref_squeeze %dma_wait3A_304 : memref<1x112x128xf32, #tpu.memory_space<vmem>> -> memref<112x128xf32, #tpu.memory_space<vmem>>
      %dma_wait3A_306 = arith.constant 0 : i32
      %dma_wait3A_307 = tpu.memref_slice %arg6[%dma_wait3A_299, %dma_wait3A_300, %dma_wait3A_306] : memref<2x6x112xi32, #tpu.memory_space<vmem>> -> memref<1x1x112xi32, #tpu.memory_space<vmem>>
      %dma_wait3A_308 = tpu.memref_squeeze %dma_wait3A_307 : memref<1x1x112xi32, #tpu.memory_space<vmem>> -> memref<112xi32, #tpu.memory_space<vmem>>
      %dma_wait3A_309 = arith.constant 0 : i32
      %dma_wait3A_310 = arith.constant 0 : i32
      %dma_wait3A_311 = tpu.memref_slice %arg2[%dma_wait3A_309, %dma_wait3A_310] : memref<250000x128xf32, #tpu.memory_space<hbm>> -> memref<250000x128xf32, #tpu.memory_space<hbm>>
      tpu.wait_indirect_dma semaphore(%arg9 : memref<!tpu.dma_semaphore, #tpu.memory_space<semaphore_mem>>) src(%dma_wait3A_311 : memref<250000x128xf32, #tpu.memory_space<hbm>>) dst(%dma_wait3A_305 : memref<112x128xf32, #tpu.memory_space<vmem>>)
      %dma_wait3A_312 = arith.constant 1 : i32
      %dma_wait3A_313 = arith.constant 2 : i32
      %dma_wait3A_314 = arith.constant 1 : i32
      %dma_wait3A_315 = arith.constant 0 : i32
      %dma_wait3A_316 = arith.constant 0 : i32
      %dma_wait3A_317 = tpu.memref_slice %arg7[%dma_wait3A_314, %dma_wait3A_315, %dma_wait3A_316] : memref<2x112x128xf32, #tpu.memory_space<vmem>> -> memref<1x112x128xf32, #tpu.memory_space<vmem>>
      %dma_wait3A_318 = tpu.memref_squeeze %dma_wait3A_317 : memref<1x112x128xf32, #tpu.memory_space<vmem>> -> memref<112x128xf32, #tpu.memory_space<vmem>>
      %dma_wait3A_319 = arith.constant 0 : i32
      %dma_wait3A_320 = tpu.memref_slice %arg6[%dma_wait3A_312, %dma_wait3A_313, %dma_wait3A_319] : memref<2x6x112xi32, #tpu.memory_space<vmem>> -> memref<1x1x112xi32, #tpu.memory_space<vmem>>
      %dma_wait3A_321 = tpu.memref_squeeze %dma_wait3A_320 : memref<1x1x112xi32, #tpu.memory_space<vmem>> -> memref<112xi32, #tpu.memory_space<vmem>>
      %dma_wait3A_322 = arith.constant 0 : i32
      %dma_wait3A_323 = arith.constant 0 : i32
      %dma_wait3A_324 = tpu.memref_slice %arg2[%dma_wait3A_322, %dma_wait3A_323] : memref<250000x128xf32, #tpu.memory_space<hbm>> -> memref<250000x128xf32, #tpu.memory_space<hbm>>
      tpu.wait_indirect_dma semaphore(%arg9 : memref<!tpu.dma_semaphore, #tpu.memory_space<semaphore_mem>>) src(%dma_wait3A_324 : memref<250000x128xf32, #tpu.memory_space<hbm>>) dst(%dma_wait3A_318 : memref<112x128xf32, #tpu.memory_space<vmem>>)
      %dma_wait3A_325 = arith.constant 1 : i32
      %dma_wait3A_326 = arith.constant 3 : i32
      %dma_wait3A_327 = arith.constant 1 : i32
      %dma_wait3A_328 = arith.constant 0 : i32
      %dma_wait3A_329 = arith.constant 0 : i32
      %dma_wait3A_330 = tpu.memref_slice %arg7[%dma_wait3A_327, %dma_wait3A_328, %dma_wait3A_329] : memref<2x112x128xf32, #tpu.memory_space<vmem>> -> memref<1x112x128xf32, #tpu.memory_space<vmem>>
      %dma_wait3A_331 = tpu.memref_squeeze %dma_wait3A_330 : memref<1x112x128xf32, #tpu.memory_space<vmem>> -> memref<112x128xf32, #tpu.memory_space<vmem>>
      %dma_wait3A_332 = arith.constant 0 : i32
      %dma_wait3A_333 = tpu.memref_slice %arg6[%dma_wait3A_325, %dma_wait3A_326, %dma_wait3A_332] : memref<2x6x112xi32, #tpu.memory_space<vmem>> -> memref<1x1x112xi32, #tpu.memory_space<vmem>>
      %dma_wait3A_334 = tpu.memref_squeeze %dma_wait3A_333 : memref<1x1x112xi32, #tpu.memory_space<vmem>> -> memref<112xi32, #tpu.memory_space<vmem>>
      %dma_wait3A_335 = arith.constant 0 : i32
      %dma_wait3A_336 = arith.constant 0 : i32
      %dma_wait3A_337 = tpu.memref_slice %arg2[%dma_wait3A_335, %dma_wait3A_336] : memref<250000x128xf32, #tpu.memory_space<hbm>> -> memref<250000x128xf32, #tpu.memory_space<hbm>>
      tpu.wait_indirect_dma semaphore(%arg9 : memref<!tpu.dma_semaphore, #tpu.memory_space<semaphore_mem>>) src(%dma_wait3A_337 : memref<250000x128xf32, #tpu.memory_space<hbm>>) dst(%dma_wait3A_331 : memref<112x128xf32, #tpu.memory_space<vmem>>)
      %dma_wait3A_338 = arith.constant 1 : i32
      %dma_wait3A_339 = arith.constant 4 : i32
      %dma_wait3A_340 = arith.constant 1 : i32
      %dma_wait3A_341 = arith.constant 0 : i32
      %dma_wait3A_342 = arith.constant 0 : i32
      %dma_wait3A_343 = tpu.memref_slice %arg7[%dma_wait3A_340, %dma_wait3A_341, %dma_wait3A_342] : memref<2x112x128xf32, #tpu.memory_space<vmem>> -> memref<1x112x128xf32, #tpu.memory_space<vmem>>
      %dma_wait3A_344 = tpu.memref_squeeze %dma_wait3A_343 : memref<1x112x128xf32, #tpu.memory_space<vmem>> -> memref<112x128xf32, #tpu.memory_space<vmem>>
      %dma_wait3A_345 = arith.constant 0 : i32
      %dma_wait3A_346 = tpu.memref_slice %arg6[%dma_wait3A_338, %dma_wait3A_339, %dma_wait3A_345] : memref<2x6x112xi32, #tpu.memory_space<vmem>> -> memref<1x1x112xi32, #tpu.memory_space<vmem>>
      %dma_wait3A_347 = tpu.memref_squeeze %dma_wait3A_346 : memref<1x1x112xi32, #tpu.memory_space<vmem>> -> memref<112xi32, #tpu.memory_space<vmem>>
      %dma_wait3A_348 = arith.constant 0 : i32
      %dma_wait3A_349 = arith.constant 0 : i32
      %dma_wait3A_350 = tpu.memref_slice %arg2[%dma_wait3A_348, %dma_wait3A_349] : memref<250000x128xf32, #tpu.memory_space<hbm>> -> memref<250000x128xf32, #tpu.memory_space<hbm>>
      tpu.wait_indirect_dma semaphore(%arg9 : memref<!tpu.dma_semaphore, #tpu.memory_space<semaphore_mem>>) src(%dma_wait3A_350 : memref<250000x128xf32, #tpu.memory_space<hbm>>) dst(%dma_wait3A_344 : memref<112x128xf32, #tpu.memory_space<vmem>>)
      %dma_wait3A_351 = arith.constant 1 : i32
      %dma_wait3A_352 = arith.constant 5 : i32
      %dma_wait3A_353 = arith.constant 1 : i32
      %dma_wait3A_354 = arith.constant 0 : i32
      %dma_wait3A_355 = arith.constant 0 : i32
      %dma_wait3A_356 = tpu.memref_slice %arg7[%dma_wait3A_353, %dma_wait3A_354, %dma_wait3A_355] : memref<2x112x128xf32, #tpu.memory_space<vmem>> -> memref<1x112x128xf32, #tpu.memory_space<vmem>>
      %dma_wait3A_357 = tpu.memref_squeeze %dma_wait3A_356 : memref<1x112x128xf32, #tpu.memory_space<vmem>> -> memref<112x128xf32, #tpu.memory_space<vmem>>
      %dma_wait3A_358 = arith.constant 0 : i32
      %dma_wait3A_359 = tpu.memref_slice %arg6[%dma_wait3A_351, %dma_wait3A_352, %dma_wait3A_358] : memref<2x6x112xi32, #tpu.memory_space<vmem>> -> memref<1x1x112xi32, #tpu.memory_space<vmem>>
      %dma_wait3A_360 = tpu.memref_squeeze %dma_wait3A_359 : memref<1x1x112xi32, #tpu.memory_space<vmem>> -> memref<112xi32, #tpu.memory_space<vmem>>
      %dma_wait3A_361 = arith.constant 0 : i32
      %dma_wait3A_362 = arith.constant 0 : i32
      %dma_wait3A_363 = tpu.memref_slice %arg3[%dma_wait3A_361, %dma_wait3A_362] : memref<50000x128xf32, #tpu.memory_space<hbm>> -> memref<50000x128xf32, #tpu.memory_space<hbm>>
      tpu.wait_indirect_dma semaphore(%arg9 : memref<!tpu.dma_semaphore, #tpu.memory_space<semaphore_mem>>) src(%dma_wait3A_363 : memref<50000x128xf32, #tpu.memory_space<hbm>>) dst(%dma_wait3A_357 : memref<112x128xf32, #tpu.memory_space<vmem>>)
      %mul3A_364 = arith.constant 112 : i32
      %mul3A_365 = arith.muli %add3A_285, %mul3A_364 : i32
      %add3A_366 = arith.addi %mul3A_4, %mul3A_365 : i32
      %add3A_367 = arith.constant 112 : i32
      %add3A_368 = arith.addi %add3A_366, %add3A_367 : i32
      %le3A_369 = arith.constant 50000 : i32
      %le3A_370 = arith.cmpi sle, %add3A_368, %le3A_369 : i32
      %convert_element_type3A_371 = arith.extui %le3A_370 : i1 to i32
      %cond3A_372 = arith.constant 0 : i32
      %cond3A_373 = arith.cmpi ne, %convert_element_type3A_371, %cond3A_372 : i32
      scf.if %cond3A_373 {
        %dma_start3A_386 = arith.constant 1 : i32
        %dma_start3A_387 = arith.constant 0 : i32
        %dma_start3A_388 = arith.constant 0 : i32
        %dma_start3A_389 = tpu.memref_slice %arg7[%dma_start3A_386, %dma_start3A_387, %dma_start3A_388] : memref<2x112x128xf32, #tpu.memory_space<vmem>> -> memref<1x112x128xf32, #tpu.memory_space<vmem>>
        %dma_start3A_390 = tpu.memref_squeeze %dma_start3A_389 : memref<1x112x128xf32, #tpu.memory_space<vmem>> -> memref<112x128xf32, #tpu.memory_space<vmem>>
        %dma_start3A_391 = arith.constant 0 : i32
        %dma_start3A_392 = tpu.memref_slice %arg5[%add3A_366, %dma_start3A_391] : memref<50000x128xf32, #tpu.memory_space<hbm>> -> memref<112x128xf32, #tpu.memory_space<hbm>>
        %dma_start3A_393 = arith.constant 0 : i32
        %dma_start3A_394 = tpu.memref_slice %arg5[%add3A_366, %dma_start3A_393] : memref<50000x128xf32, #tpu.memory_space<hbm>> -> memref<112x128xf32, #tpu.memory_space<hbm>>
        %dma_start3A_395 = arith.constant 0 : i32
        %dma_start3A_396 = arith.constant 0 : i32
        %dma_start3A_397 = tpu.memref_slice %arg7[%dma_start3A_386, %dma_start3A_395, %dma_start3A_396] : memref<2x112x128xf32, #tpu.memory_space<vmem>> -> memref<1x112x128xf32, #tpu.memory_space<vmem>>
        %dma_start3A_398 = tpu.memref_squeeze %dma_start3A_397 : memref<1x112x128xf32, #tpu.memory_space<vmem>> -> memref<112x128xf32, #tpu.memory_space<vmem>>
        tpu.enqueue_dma source(%dma_start3A_398 : memref<112x128xf32, #tpu.memory_space<vmem>>) target(%dma_start3A_394 : memref<112x128xf32, #tpu.memory_space<hbm>>) target_semaphore(%arg11 : memref<!tpu.dma_semaphore, #tpu.memory_space<semaphore_mem>>)
        %dma_wait3A_399 = arith.constant 1 : i32
        %dma_wait3A_400 = arith.constant 0 : i32
        %dma_wait3A_401 = arith.constant 0 : i32
        %dma_wait3A_402 = tpu.memref_slice %arg7[%dma_wait3A_399, %dma_wait3A_400, %dma_wait3A_401] : memref<2x112x128xf32, #tpu.memory_space<vmem>> -> memref<1x112x128xf32, #tpu.memory_space<vmem>>
        %dma_wait3A_403 = tpu.memref_squeeze %dma_wait3A_402 : memref<1x112x128xf32, #tpu.memory_space<vmem>> -> memref<112x128xf32, #tpu.memory_space<vmem>>
        %dma_wait3A_404 = arith.constant 0 : i32
        %dma_wait3A_405 = tpu.memref_slice %arg5[%add3A_366, %dma_wait3A_404] : memref<50000x128xf32, #tpu.memory_space<hbm>> -> memref<112x128xf32, #tpu.memory_space<hbm>>
        %dma_wait3A_406 = arith.constant 0 : i32
        %dma_wait3A_407 = tpu.memref_slice %arg5[%add3A_366, %dma_wait3A_406] : memref<50000x128xf32, #tpu.memory_space<hbm>> -> memref<112x128xf32, #tpu.memory_space<hbm>>
        %dma_wait3A_408 = arith.constant 0 : i32
        %dma_wait3A_409 = arith.constant 0 : i32
        %dma_wait3A_410 = tpu.memref_slice %arg7[%dma_wait3A_399, %dma_wait3A_408, %dma_wait3A_409] : memref<2x112x128xf32, #tpu.memory_space<vmem>> -> memref<1x112x128xf32, #tpu.memory_space<vmem>>
        %dma_wait3A_411 = tpu.memref_squeeze %dma_wait3A_410 : memref<1x112x128xf32, #tpu.memory_space<vmem>> -> memref<112x128xf32, #tpu.memory_space<vmem>>
        tpu.wait_dma2 semaphore(%arg11 : memref<!tpu.dma_semaphore, #tpu.memory_space<semaphore_mem>>) src(%dma_wait3A_411 : memref<112x128xf32, #tpu.memory_space<vmem>>) dst(%dma_wait3A_407 : memref<112x128xf32, #tpu.memory_space<hbm>>)
      } else {
      }
      %eq3A_374 = arith.constant 49952 : i32
      %eq3A_375 = arith.cmpi eq, %add3A_366, %eq3A_374 : i32
      %convert_element_type3A_376 = arith.extui %eq3A_375 : i1 to i32
      %cond3A_377 = arith.constant 0 : i32
      %cond3A_378 = arith.cmpi ne, %convert_element_type3A_376, %cond3A_377 : i32
      scf.if %cond3A_378 {
        %dma_start3A_386 = arith.constant 1 : i32
        %dma_start3A_387 = arith.constant 0 : i32
        %dma_start3A_388 = arith.constant 0 : i32
        %dma_start3A_389 = tpu.memref_slice %arg7[%dma_start3A_386, %dma_start3A_387, %dma_start3A_388] : memref<2x112x128xf32, #tpu.memory_space<vmem>> -> memref<1x48x128xf32, #tpu.memory_space<vmem>>
        %dma_start3A_390 = tpu.memref_squeeze %dma_start3A_389 : memref<1x48x128xf32, #tpu.memory_space<vmem>> -> memref<48x128xf32, #tpu.memory_space<vmem>>
        %dma_start3A_391 = arith.constant 49952 : i32
        %dma_start3A_392 = arith.constant 0 : i32
        %dma_start3A_393 = tpu.memref_slice %arg5[%dma_start3A_391, %dma_start3A_392] : memref<50000x128xf32, #tpu.memory_space<hbm>> -> memref<48x128xf32, #tpu.memory_space<hbm>>
        %dma_start3A_394 = arith.constant 49952 : i32
        %dma_start3A_395 = arith.constant 0 : i32
        %dma_start3A_396 = tpu.memref_slice %arg5[%dma_start3A_394, %dma_start3A_395] : memref<50000x128xf32, #tpu.memory_space<hbm>> -> memref<48x128xf32, #tpu.memory_space<hbm>>
        %dma_start3A_397 = arith.constant 0 : i32
        %dma_start3A_398 = arith.constant 0 : i32
        %dma_start3A_399 = tpu.memref_slice %arg7[%dma_start3A_386, %dma_start3A_397, %dma_start3A_398] : memref<2x112x128xf32, #tpu.memory_space<vmem>> -> memref<1x48x128xf32, #tpu.memory_space<vmem>>
        %dma_start3A_400 = tpu.memref_squeeze %dma_start3A_399 : memref<1x48x128xf32, #tpu.memory_space<vmem>> -> memref<48x128xf32, #tpu.memory_space<vmem>>
        tpu.enqueue_dma source(%dma_start3A_400 : memref<48x128xf32, #tpu.memory_space<vmem>>) target(%dma_start3A_396 : memref<48x128xf32, #tpu.memory_space<hbm>>) target_semaphore(%arg11 : memref<!tpu.dma_semaphore, #tpu.memory_space<semaphore_mem>>)
        %dma_wait3A_401 = arith.constant 1 : i32
        %dma_wait3A_402 = arith.constant 0 : i32
        %dma_wait3A_403 = arith.constant 0 : i32
        %dma_wait3A_404 = tpu.memref_slice %arg7[%dma_wait3A_401, %dma_wait3A_402, %dma_wait3A_403] : memref<2x112x128xf32, #tpu.memory_space<vmem>> -> memref<1x48x128xf32, #tpu.memory_space<vmem>>
        %dma_wait3A_405 = tpu.memref_squeeze %dma_wait3A_404 : memref<1x48x128xf32, #tpu.memory_space<vmem>> -> memref<48x128xf32, #tpu.memory_space<vmem>>
        %dma_wait3A_406 = arith.constant 49952 : i32
        %dma_wait3A_407 = arith.constant 0 : i32
        %dma_wait3A_408 = tpu.memref_slice %arg5[%dma_wait3A_406, %dma_wait3A_407] : memref<50000x128xf32, #tpu.memory_space<hbm>> -> memref<48x128xf32, #tpu.memory_space<hbm>>
        %dma_wait3A_409 = arith.constant 49952 : i32
        %dma_wait3A_410 = arith.constant 0 : i32
        %dma_wait3A_411 = tpu.memref_slice %arg5[%dma_wait3A_409, %dma_wait3A_410] : memref<50000x128xf32, #tpu.memory_space<hbm>> -> memref<48x128xf32, #tpu.memory_space<hbm>>
        %dma_wait3A_412 = arith.constant 0 : i32
        %dma_wait3A_413 = arith.constant 0 : i32
        %dma_wait3A_414 = tpu.memref_slice %arg7[%dma_wait3A_401, %dma_wait3A_412, %dma_wait3A_413] : memref<2x112x128xf32, #tpu.memory_space<vmem>> -> memref<1x48x128xf32, #tpu.memory_space<vmem>>
        %dma_wait3A_415 = tpu.memref_squeeze %dma_wait3A_414 : memref<1x48x128xf32, #tpu.memory_space<vmem>> -> memref<48x128xf32, #tpu.memory_space<vmem>>
        tpu.wait_dma2 semaphore(%arg11 : memref<!tpu.dma_semaphore, #tpu.memory_space<semaphore_mem>>) src(%dma_wait3A_415 : memref<48x128xf32, #tpu.memory_space<vmem>>) dst(%dma_wait3A_411 : memref<48x128xf32, #tpu.memory_space<hbm>>)
      } else {
      }
      %add3A_379 = arith.constant 2 : i32
      %add3A_380 = arith.addi %add3A_285, %add3A_379 : i32
      %lt3A_381 = arith.constant 14 : i32
      %lt3A_382 = arith.cmpi slt, %add3A_380, %lt3A_381 : i32
      %convert_element_type3A_383 = arith.extui %lt3A_382 : i1 to i32
      %cond3A_384 = arith.constant 0 : i32
      %cond3A_385 = arith.cmpi ne, %convert_element_type3A_383, %cond3A_384 : i32
      scf.if %cond3A_385 {
        %scan3A_386 = arith.constant 0 : i32
        %scan3A_387 = arith.constant 0 : i32
        %scan3A_388 = arith.constant 112 : i32
        %scan3A_389 = arith.addi %scan3A_387, %scan3A_388 : i32
        %scan3A_390 = arith.constant 1 : i32
        scf.for %scan3A_474 = %scan3A_387 to %scan3A_389 step %scan3A_390  : i32 {
          %swap3A = arith.constant 1 : i32
          %swap3A_475 = arith.index_cast %swap3A : i32 to index
          %swap3A_476 = arith.index_cast %scan3A_474 : i32 to index
          %swap3A_477 = arith.constant 0 : index
          %swap3A_478 = tpu.vector_load %arg7[%swap3A_475, %swap3A_476, %swap3A_477] {strides = array<i32>} : memref<2x112x128xf32, #tpu.memory_space<vmem>>, vector<1x1x16xf32>,
          %swap3A_479 = vector.shape_cast %swap3A_478 : vector<1x1x16xf32> to vector<16xf32>
          %swap3A_480 = vector.shape_cast %broadcast_in_dim3A_5 : vector<16xf32> to vector<1x1x16xf32>
          tpu.vector_store %arg7[%swap3A_475, %swap3A_476, %swap3A_477], %swap3A_480 {strides = array<i32>} : memref<2x112x128xf32, #tpu.memory_space<vmem>>, vector<1x1x16xf32>,
          %swap3A_481 = arith.constant 1 : i32
          %swap3A_482 = arith.index_cast %swap3A_481 : i32 to index
          %swap3A_483 = arith.index_cast %scan3A_474 : i32 to index
          %swap3A_484 = arith.constant 16 : index
          %swap3A_485 = tpu.vector_load %arg7[%swap3A_482, %swap3A_483, %swap3A_484] {strides = array<i32>} : memref<2x112x128xf32, #tpu.memory_space<vmem>>, vector<1x1x16xf32>,
          %swap3A_486 = vector.shape_cast %swap3A_485 : vector<1x1x16xf32> to vector<16xf32>
          %swap3A_487 = vector.shape_cast %broadcast_in_dim3A_5 : vector<16xf32> to vector<1x1x16xf32>
          tpu.vector_store %arg7[%swap3A_482, %swap3A_483, %swap3A_484], %swap3A_487 {strides = array<i32>} : memref<2x112x128xf32, #tpu.memory_space<vmem>>, vector<1x1x16xf32>,
          %swap3A_488 = arith.constant 1 : i32
          %swap3A_489 = arith.index_cast %swap3A_488 : i32 to index
          %swap3A_490 = arith.index_cast %scan3A_474 : i32 to index
          %swap3A_491 = arith.constant 32 : index
          %swap3A_492 = tpu.vector_load %arg7[%swap3A_489, %swap3A_490, %swap3A_491] {strides = array<i32>} : memref<2x112x128xf32, #tpu.memory_space<vmem>>, vector<1x1x16xf32>,
          %swap3A_493 = vector.shape_cast %swap3A_492 : vector<1x1x16xf32> to vector<16xf32>
          %swap3A_494 = vector.shape_cast %broadcast_in_dim3A_5 : vector<16xf32> to vector<1x1x16xf32>
          tpu.vector_store %arg7[%swap3A_489, %swap3A_490, %swap3A_491], %swap3A_494 {strides = array<i32>} : memref<2x112x128xf32, #tpu.memory_space<vmem>>, vector<1x1x16xf32>,
          %swap3A_495 = arith.constant 1 : i32
          %swap3A_496 = arith.index_cast %swap3A_495 : i32 to index
          %swap3A_497 = arith.index_cast %scan3A_474 : i32 to index
          %swap3A_498 = arith.constant 48 : index
          %swap3A_499 = tpu.vector_load %arg7[%swap3A_496, %swap3A_497, %swap3A_498] {strides = array<i32>} : memref<2x112x128xf32, #tpu.memory_space<vmem>>, vector<1x1x16xf32>,
          %swap3A_500 = vector.shape_cast %swap3A_499 : vector<1x1x16xf32> to vector<16xf32>
          %swap3A_501 = vector.shape_cast %broadcast_in_dim3A_5 : vector<16xf32> to vector<1x1x16xf32>
          tpu.vector_store %arg7[%swap3A_496, %swap3A_497, %swap3A_498], %swap3A_501 {strides = array<i32>} : memref<2x112x128xf32, #tpu.memory_space<vmem>>, vector<1x1x16xf32>,
          %swap3A_502 = arith.constant 1 : i32
          %swap3A_503 = arith.index_cast %swap3A_502 : i32 to index
          %swap3A_504 = arith.index_cast %scan3A_474 : i32 to index
          %swap3A_505 = arith.constant 64 : index
          %swap3A_506 = tpu.vector_load %arg7[%swap3A_503, %swap3A_504, %swap3A_505] {strides = array<i32>} : memref<2x112x128xf32, #tpu.memory_space<vmem>>, vector<1x1x16xf32>,
          %swap3A_507 = vector.shape_cast %swap3A_506 : vector<1x1x16xf32> to vector<16xf32>
          %swap3A_508 = vector.shape_cast %broadcast_in_dim3A_5 : vector<16xf32> to vector<1x1x16xf32>
          tpu.vector_store %arg7[%swap3A_503, %swap3A_504, %swap3A_505], %swap3A_508 {strides = array<i32>} : memref<2x112x128xf32, #tpu.memory_space<vmem>>, vector<1x1x16xf32>,
          %swap3A_509 = arith.constant 1 : i32
          %swap3A_510 = arith.index_cast %swap3A_509 : i32 to index
          %swap3A_511 = arith.index_cast %scan3A_474 : i32 to index
          %swap3A_512 = arith.constant 80 : index
          %swap3A_513 = tpu.vector_load %arg7[%swap3A_510, %swap3A_511, %swap3A_512] {strides = array<i32>} : memref<2x112x128xf32, #tpu.memory_space<vmem>>, vector<1x1x16xf32>,
          %swap3A_514 = vector.shape_cast %swap3A_513 : vector<1x1x16xf32> to vector<16xf32>
          %swap3A_515 = vector.shape_cast %broadcast_in_dim3A_5 : vector<16xf32> to vector<1x1x16xf32>
          tpu.vector_store %arg7[%swap3A_510, %swap3A_511, %swap3A_512], %swap3A_515 {strides = array<i32>} : memref<2x112x128xf32, #tpu.memory_space<vmem>>, vector<1x1x16xf32>,
          %swap3A_516 = arith.constant 1 : i32
          %swap3A_517 = arith.index_cast %swap3A_516 : i32 to index
          %swap3A_518 = arith.index_cast %scan3A_474 : i32 to index
          %swap3A_519 = arith.constant 96 : index
          %swap3A_520 = tpu.vector_load %arg7[%swap3A_517, %swap3A_518, %swap3A_519] {strides = array<i32>} : memref<2x112x128xf32, #tpu.memory_space<vmem>>, vector<1x1x16xf32>,
          %swap3A_521 = vector.shape_cast %swap3A_520 : vector<1x1x16xf32> to vector<16xf32>
          %swap3A_522 = vector.shape_cast %broadcast_in_dim3A_5 : vector<16xf32> to vector<1x1x16xf32>
          tpu.vector_store %arg7[%swap3A_517, %swap3A_518, %swap3A_519], %swap3A_522 {strides = array<i32>} : memref<2x112x128xf32, #tpu.memory_space<vmem>>, vector<1x1x16xf32>,
          %swap3A_523 = arith.constant 1 : i32
          %swap3A_524 = arith.index_cast %swap3A_523 : i32 to index
          %swap3A_525 = arith.index_cast %scan3A_474 : i32 to index
          %swap3A_526 = arith.constant 112 : index
          %swap3A_527 = tpu.vector_load %arg7[%swap3A_524, %swap3A_525, %swap3A_526] {strides = array<i32>} : memref<2x112x128xf32, #tpu.memory_space<vmem>>, vector<1x1x16xf32>,
          %swap3A_528 = vector.shape_cast %swap3A_527 : vector<1x1x16xf32> to vector<16xf32>
          %swap3A_529 = vector.shape_cast %broadcast_in_dim3A_5 : vector<16xf32> to vector<1x1x16xf32>
          tpu.vector_store %arg7[%swap3A_524, %swap3A_525, %swap3A_526], %swap3A_529 {strides = array<i32>} : memref<2x112x128xf32, #tpu.memory_space<vmem>>, vector<1x1x16xf32>,
        }
        %scan3A_391 = arith.constant 112 : i32
        %add3A_392 = arith.constant 2 : i32
        %add3A_393 = arith.addi %add3A_285, %add3A_392 : i32
        %add3A_394 = arith.addi %mul3A_2, %add3A_393 : i32
        %run_scoped3A_395 = arith.constant 1 : i32
        "tpu.region"() ({
          %run_scoped3A_474 = tpu.sem_alloc : memref<!tpu.dma_semaphore, #tpu.memory_space<semaphore_mem>>
          %dma_start3A_475 = arith.constant 0 : i32
          %dma_start3A_476 = arith.constant 0 : i32
          %dma_start3A_477 = tpu.memref_slice %arg6[%run_scoped3A_395, %dma_start3A_475, %dma_start3A_476] : memref<2x6x112xi32, #tpu.memory_space<vmem>> -> memref<1x6x112xi32, #tpu.memory_space<vmem>>
          %dma_start3A_478 = tpu.memref_squeeze %dma_start3A_477 : memref<1x6x112xi32, #tpu.memory_space<vmem>> -> memref<6x112xi32, #tpu.memory_space<vmem>>
          %dma_start3A_479 = arith.constant 0 : i32
          %dma_start3A_480 = arith.constant 0 : i32
          %dma_start3A_481 = tpu.memref_slice %arg4[%add3A_394, %dma_start3A_479, %dma_start3A_480] : memref<448x6x112xi32, #tpu.memory_space<hbm>> -> memref<1x6x112xi32, #tpu.memory_space<hbm>>
          %dma_start3A_482 = tpu.memref_squeeze %dma_start3A_481 : memref<1x6x112xi32, #tpu.memory_space<hbm>> -> memref<6x112xi32, #tpu.memory_space<hbm>>
          %dma_start3A_483 = arith.constant 0 : i32
          %dma_start3A_484 = arith.constant 0 : i32
          %dma_start3A_485 = tpu.memref_slice %arg6[%run_scoped3A_395, %dma_start3A_483, %dma_start3A_484] : memref<2x6x112xi32, #tpu.memory_space<vmem>> -> memref<1x6x112xi32, #tpu.memory_space<vmem>>
          %dma_start3A_486 = tpu.memref_squeeze %dma_start3A_485 : memref<1x6x112xi32, #tpu.memory_space<vmem>> -> memref<6x112xi32, #tpu.memory_space<vmem>>
          %dma_start3A_487 = arith.constant 0 : i32
          %dma_start3A_488 = arith.constant 0 : i32
          %dma_start3A_489 = tpu.memref_slice %arg4[%add3A_394, %dma_start3A_487, %dma_start3A_488] : memref<448x6x112xi32, #tpu.memory_space<hbm>> -> memref<1x6x112xi32, #tpu.memory_space<hbm>>
          %dma_start3A_490 = tpu.memref_squeeze %dma_start3A_489 : memref<1x6x112xi32, #tpu.memory_space<hbm>> -> memref<6x112xi32, #tpu.memory_space<hbm>>
          tpu.enqueue_dma source(%dma_start3A_490 : memref<6x112xi32, #tpu.memory_space<hbm>>) target(%dma_start3A_486 : memref<6x112xi32, #tpu.memory_space<vmem>>) target_semaphore(%run_scoped3A_474 : memref<!tpu.dma_semaphore, #tpu.memory_space<semaphore_mem>>)
          %dma_wait3A_491 = arith.constant 0 : i32
          %dma_wait3A_492 = arith.constant 0 : i32
          %dma_wait3A_493 = tpu.memref_slice %arg6[%run_scoped3A_395, %dma_wait3A_491, %dma_wait3A_492] : memref<2x6x112xi32, #tpu.memory_space<vmem>> -> memref<1x6x112xi32, #tpu.memory_space<vmem>>
          %dma_wait3A_494 = tpu.memref_squeeze %dma_wait3A_493 : memref<1x6x112xi32, #tpu.memory_space<vmem>> -> memref<6x112xi32, #tpu.memory_space<vmem>>
          %dma_wait3A_495 = arith.constant 0 : i32
          %dma_wait3A_496 = arith.constant 0 : i32
          %dma_wait3A_497 = tpu.memref_slice %arg4[%add3A_394, %dma_wait3A_495, %dma_wait3A_496] : memref<448x6x112xi32, #tpu.memory_space<hbm>> -> memref<1x6x112xi32, #tpu.memory_space<hbm>>
          %dma_wait3A_498 = tpu.memref_squeeze %dma_wait3A_497 : memref<1x6x112xi32, #tpu.memory_space<hbm>> -> memref<6x112xi32, #tpu.memory_space<hbm>>
          %dma_wait3A_499 = arith.constant 0 : i32
          %dma_wait3A_500 = arith.constant 0 : i32
          %dma_wait3A_501 = tpu.memref_slice %arg6[%run_scoped3A_395, %dma_wait3A_499, %dma_wait3A_500] : memref<2x6x112xi32, #tpu.memory_space<vmem>> -> memref<1x6x112xi32, #tpu.memory_space<vmem>>
          %dma_wait3A_502 = tpu.memref_squeeze %dma_wait3A_501 : memref<1x6x112xi32, #tpu.memory_space<vmem>> -> memref<6x112xi32, #tpu.memory_space<vmem>>
          %dma_wait3A_503 = arith.constant 0 : i32
          %dma_wait3A_504 = arith.constant 0 : i32
          %dma_wait3A_505 = tpu.memref_slice %arg4[%add3A_394, %dma_wait3A_503, %dma_wait3A_504] : memref<448x6x112xi32, #tpu.memory_space<hbm>> -> memref<1x6x112xi32, #tpu.memory_space<hbm>>
          %dma_wait3A_506 = tpu.memref_squeeze %dma_wait3A_505 : memref<1x6x112xi32, #tpu.memory_space<hbm>> -> memref<6x112xi32, #tpu.memory_space<hbm>>
          tpu.wait_dma2 semaphore(%run_scoped3A_474 : memref<!tpu.dma_semaphore, #tpu.memory_space<semaphore_mem>>) src(%dma_wait3A_506 : memref<6x112xi32, #tpu.memory_space<hbm>>) dst(%dma_wait3A_502 : memref<6x112xi32, #tpu.memory_space<vmem>>)
          tpu.yield
        }) : () -> ()
        %dma_start3A_396 = arith.constant 1 : i32
        %dma_start3A_397 = arith.constant 0 : i32
        %dma_start3A_398 = arith.constant 1 : i32
        %dma_start3A_399 = arith.constant 0 : i32
        %dma_start3A_400 = arith.constant 0 : i32
        %dma_start3A_401 = tpu.memref_slice %arg7[%dma_start3A_398, %dma_start3A_399, %dma_start3A_400] : memref<2x112x128xf32, #tpu.memory_space<vmem>> -> memref<1x112x128xf32, #tpu.memory_space<vmem>>
        %dma_start3A_402 = tpu.memref_squeeze %dma_start3A_401 : memref<1x112x128xf32, #tpu.memory_space<vmem>> -> memref<112x128xf32, #tpu.memory_space<vmem>>
        %dma_start3A_403 = arith.constant 0 : i32
        %dma_start3A_404 = tpu.memref_slice %arg6[%dma_start3A_396, %dma_start3A_397, %dma_start3A_403] : memref<2x6x112xi32, #tpu.memory_space<vmem>> -> memref<1x1x112xi32, #tpu.memory_space<vmem>>
        %dma_start3A_405 = tpu.memref_squeeze %dma_start3A_404 : memref<1x1x112xi32, #tpu.memory_space<vmem>> -> memref<112xi32, #tpu.memory_space<vmem>>
        %dma_start3A_406 = arith.constant 0 : i32
        %dma_start3A_407 = arith.constant 0 : i32
        %dma_start3A_408 = tpu.memref_slice %arg2[%dma_start3A_406, %dma_start3A_407] : memref<250000x128xf32, #tpu.memory_space<hbm>> -> memref<250000x128xf32, #tpu.memory_space<hbm>>
        tpu.enqueue_indirect_dma source(%dma_start3A_408 : memref<250000x128xf32, #tpu.memory_space<hbm>>) target(%dma_start3A_402 : memref<112x128xf32, #tpu.memory_space<vmem>>) offsets(%dma_start3A_405 : memref<112xi32, #tpu.memory_space<vmem>>) semaphore(%arg9 : memref<!tpu.dma_semaphore, #tpu.memory_space<semaphore_mem>>) {add = true}
        %dma_start3A_409 = arith.constant 1 : i32
        %dma_start3A_410 = arith.constant 1 : i32
        %dma_start3A_411 = arith.constant 1 : i32
        %dma_start3A_412 = arith.constant 0 : i32
        %dma_start3A_413 = arith.constant 0 : i32
        %dma_start3A_414 = tpu.memref_slice %arg7[%dma_start3A_411, %dma_start3A_412, %dma_start3A_413] : memref<2x112x128xf32, #tpu.memory_space<vmem>> -> memref<1x112x128xf32, #tpu.memory_space<vmem>>
        %dma_start3A_415 = tpu.memref_squeeze %dma_start3A_414 : memref<1x112x128xf32, #tpu.memory_space<vmem>> -> memref<112x128xf32, #tpu.memory_space<vmem>>
        %dma_start3A_416 = arith.constant 0 : i32
        %dma_start3A_417 = tpu.memref_slice %arg6[%dma_start3A_409, %dma_start3A_410, %dma_start3A_416] : memref<2x6x112xi32, #tpu.memory_space<vmem>> -> memref<1x1x112xi32, #tpu.memory_space<vmem>>
        %dma_start3A_418 = tpu.memref_squeeze %dma_start3A_417 : memref<1x1x112xi32, #tpu.memory_space<vmem>> -> memref<112xi32, #tpu.memory_space<vmem>>
        %dma_start3A_419 = arith.constant 0 : i32
        %dma_start3A_420 = arith.constant 0 : i32
        %dma_start3A_421 = tpu.memref_slice %arg2[%dma_start3A_419, %dma_start3A_420] : memref<250000x128xf32, #tpu.memory_space<hbm>> -> memref<250000x128xf32, #tpu.memory_space<hbm>>
        tpu.enqueue_indirect_dma source(%dma_start3A_421 : memref<250000x128xf32, #tpu.memory_space<hbm>>) target(%dma_start3A_415 : memref<112x128xf32, #tpu.memory_space<vmem>>) offsets(%dma_start3A_418 : memref<112xi32, #tpu.memory_space<vmem>>) semaphore(%arg9 : memref<!tpu.dma_semaphore, #tpu.memory_space<semaphore_mem>>) {add = true}
        %dma_start3A_422 = arith.constant 1 : i32
        %dma_start3A_423 = arith.constant 2 : i32
        %dma_start3A_424 = arith.constant 1 : i32
        %dma_start3A_425 = arith.constant 0 : i32
        %dma_start3A_426 = arith.constant 0 : i32
        %dma_start3A_427 = tpu.memref_slice %arg7[%dma_start3A_424, %dma_start3A_425, %dma_start3A_426] : memref<2x112x128xf32, #tpu.memory_space<vmem>> -> memref<1x112x128xf32, #tpu.memory_space<vmem>>
        %dma_start3A_428 = tpu.memref_squeeze %dma_start3A_427 : memref<1x112x128xf32, #tpu.memory_space<vmem>> -> memref<112x128xf32, #tpu.memory_space<vmem>>
        %dma_start3A_429 = arith.constant 0 : i32
        %dma_start3A_430 = tpu.memref_slice %arg6[%dma_start3A_422, %dma_start3A_423, %dma_start3A_429] : memref<2x6x112xi32, #tpu.memory_space<vmem>> -> memref<1x1x112xi32, #tpu.memory_space<vmem>>
        %dma_start3A_431 = tpu.memref_squeeze %dma_start3A_430 : memref<1x1x112xi32, #tpu.memory_space<vmem>> -> memref<112xi32, #tpu.memory_space<vmem>>
        %dma_start3A_432 = arith.constant 0 : i32
        %dma_start3A_433 = arith.constant 0 : i32
        %dma_start3A_434 = tpu.memref_slice %arg2[%dma_start3A_432, %dma_start3A_433] : memref<250000x128xf32, #tpu.memory_space<hbm>> -> memref<250000x128xf32, #tpu.memory_space<hbm>>
        tpu.enqueue_indirect_dma source(%dma_start3A_434 : memref<250000x128xf32, #tpu.memory_space<hbm>>) target(%dma_start3A_428 : memref<112x128xf32, #tpu.memory_space<vmem>>) offsets(%dma_start3A_431 : memref<112xi32, #tpu.memory_space<vmem>>) semaphore(%arg9 : memref<!tpu.dma_semaphore, #tpu.memory_space<semaphore_mem>>) {add = true}
        %dma_start3A_435 = arith.constant 1 : i32
        %dma_start3A_436 = arith.constant 3 : i32
        %dma_start3A_437 = arith.constant 1 : i32
        %dma_start3A_438 = arith.constant 0 : i32
        %dma_start3A_439 = arith.constant 0 : i32
        %dma_start3A_440 = tpu.memref_slice %arg7[%dma_start3A_437, %dma_start3A_438, %dma_start3A_439] : memref<2x112x128xf32, #tpu.memory_space<vmem>> -> memref<1x112x128xf32, #tpu.memory_space<vmem>>
        %dma_start3A_441 = tpu.memref_squeeze %dma_start3A_440 : memref<1x112x128xf32, #tpu.memory_space<vmem>> -> memref<112x128xf32, #tpu.memory_space<vmem>>
        %dma_start3A_442 = arith.constant 0 : i32
        %dma_start3A_443 = tpu.memref_slice %arg6[%dma_start3A_435, %dma_start3A_436, %dma_start3A_442] : memref<2x6x112xi32, #tpu.memory_space<vmem>> -> memref<1x1x112xi32, #tpu.memory_space<vmem>>
        %dma_start3A_444 = tpu.memref_squeeze %dma_start3A_443 : memref<1x1x112xi32, #tpu.memory_space<vmem>> -> memref<112xi32, #tpu.memory_space<vmem>>
        %dma_start3A_445 = arith.constant 0 : i32
        %dma_start3A_446 = arith.constant 0 : i32
        %dma_start3A_447 = tpu.memref_slice %arg2[%dma_start3A_445, %dma_start3A_446] : memref<250000x128xf32, #tpu.memory_space<hbm>> -> memref<250000x128xf32, #tpu.memory_space<hbm>>
        tpu.enqueue_indirect_dma source(%dma_start3A_447 : memref<250000x128xf32, #tpu.memory_space<hbm>>) target(%dma_start3A_441 : memref<112x128xf32, #tpu.memory_space<vmem>>) offsets(%dma_start3A_444 : memref<112xi32, #tpu.memory_space<vmem>>) semaphore(%arg9 : memref<!tpu.dma_semaphore, #tpu.memory_space<semaphore_mem>>) {add = true}
        %dma_start3A_448 = arith.constant 1 : i32
        %dma_start3A_449 = arith.constant 4 : i32
        %dma_start3A_450 = arith.constant 1 : i32
        %dma_start3A_451 = arith.constant 0 : i32
        %dma_start3A_452 = arith.constant 0 : i32
        %dma_start3A_453 = tpu.memref_slice %arg7[%dma_start3A_450, %dma_start3A_451, %dma_start3A_452] : memref<2x112x128xf32, #tpu.memory_space<vmem>> -> memref<1x112x128xf32, #tpu.memory_space<vmem>>
        %dma_start3A_454 = tpu.memref_squeeze %dma_start3A_453 : memref<1x112x128xf32, #tpu.memory_space<vmem>> -> memref<112x128xf32, #tpu.memory_space<vmem>>
        %dma_start3A_455 = arith.constant 0 : i32
        %dma_start3A_456 = tpu.memref_slice %arg6[%dma_start3A_448, %dma_start3A_449, %dma_start3A_455] : memref<2x6x112xi32, #tpu.memory_space<vmem>> -> memref<1x1x112xi32, #tpu.memory_space<vmem>>
        %dma_start3A_457 = tpu.memref_squeeze %dma_start3A_456 : memref<1x1x112xi32, #tpu.memory_space<vmem>> -> memref<112xi32, #tpu.memory_space<vmem>>
        %dma_start3A_458 = arith.constant 0 : i32
        %dma_start3A_459 = arith.constant 0 : i32
        %dma_start3A_460 = tpu.memref_slice %arg2[%dma_start3A_458, %dma_start3A_459] : memref<250000x128xf32, #tpu.memory_space<hbm>> -> memref<250000x128xf32, #tpu.memory_space<hbm>>
        tpu.enqueue_indirect_dma source(%dma_start3A_460 : memref<250000x128xf32, #tpu.memory_space<hbm>>) target(%dma_start3A_454 : memref<112x128xf32, #tpu.memory_space<vmem>>) offsets(%dma_start3A_457 : memref<112xi32, #tpu.memory_space<vmem>>) semaphore(%arg9 : memref<!tpu.dma_semaphore, #tpu.memory_space<semaphore_mem>>) {add = true}
        %dma_start3A_461 = arith.constant 1 : i32
        %dma_start3A_462 = arith.constant 5 : i32
        %dma_start3A_463 = arith.constant 1 : i32
        %dma_start3A_464 = arith.constant 0 : i32
        %dma_start3A_465 = arith.constant 0 : i32
        %dma_start3A_466 = tpu.memref_slice %arg7[%dma_start3A_463, %dma_start3A_464, %dma_start3A_465] : memref<2x112x128xf32, #tpu.memory_space<vmem>> -> memref<1x112x128xf32, #tpu.memory_space<vmem>>
        %dma_start3A_467 = tpu.memref_squeeze %dma_start3A_466 : memref<1x112x128xf32, #tpu.memory_space<vmem>> -> memref<112x128xf32, #tpu.memory_space<vmem>>
        %dma_start3A_468 = arith.constant 0 : i32
        %dma_start3A_469 = tpu.memref_slice %arg6[%dma_start3A_461, %dma_start3A_462, %dma_start3A_468] : memref<2x6x112xi32, #tpu.memory_space<vmem>> -> memref<1x1x112xi32, #tpu.memory_space<vmem>>
        %dma_start3A_470 = tpu.memref_squeeze %dma_start3A_469 : memref<1x1x112xi32, #tpu.memory_space<vmem>> -> memref<112xi32, #tpu.memory_space<vmem>>
        %dma_start3A_471 = arith.constant 0 : i32
        %dma_start3A_472 = arith.constant 0 : i32
        %dma_start3A_473 = tpu.memref_slice %arg3[%dma_start3A_471, %dma_start3A_472] : memref<50000x128xf32, #tpu.memory_space<hbm>> -> memref<50000x128xf32, #tpu.memory_space<hbm>>
        tpu.enqueue_indirect_dma source(%dma_start3A_473 : memref<50000x128xf32, #tpu.memory_space<hbm>>) target(%dma_start3A_467 : memref<112x128xf32, #tpu.memory_space<vmem>>) offsets(%dma_start3A_470 : memref<112xi32, #tpu.memory_space<vmem>>) semaphore(%arg9 : memref<!tpu.dma_semaphore, #tpu.memory_space<semaphore_mem>>) {add = true}
      } else {
      }
    }
    %scan3A_182 = arith.constant 7 : i32
    return
  }
}

#map = affine_map<(d0, d1) -> (0, 0)>
#map1 = affine_map<(d0, d1) -> (0, 0, 0)>
module attributes {stable_mosaic.version = 14 : i64} {
  func.func @gather_acc(%arg0: i32, %arg1: i32, %arg2: memref<200000x128xf32, #tpu.memory_space<hbm>>, %arg3: memref<448x4x112xi32, #tpu.memory_space<hbm>>, %arg4: memref<50000x128xf32, #tpu.memory_space<hbm>>, %arg5: memref<2x4x112xi32, #tpu.memory_space<vmem>>, %arg6: memref<2x112x128xf32, #tpu.memory_space<vmem>>, %arg7: memref<!tpu.dma_semaphore, #tpu.memory_space<semaphore_mem>>, %arg8: memref<!tpu.dma_semaphore, #tpu.memory_space<semaphore_mem>>, %arg9: memref<!tpu.dma_semaphore, #tpu.memory_space<semaphore_mem>>, %arg10: memref<!tpu.dma_semaphore, #tpu.memory_space<semaphore_mem>>) attributes {dimension_semantics = [#tpu.dimension_semantics<core_parallel>, #tpu.dimension_semantics<subcore_parallel>], iteration_bounds = array<i64: 2, 16>, scalar_prefetch = 0 : i64, scratch_operands = 6 : i64, tpu.core_type = #tpu.core_type<sc_vector_subcore>, window_params = [{transform_indices = #map}, {transform_indices = #map1}, {transform_indices = #map}]} {
    %mul3A = arith.constant 2 : i32
    %mul3A_0 = arith.muli %arg1, %mul3A : i32
    %add3A = arith.addi %mul3A_0, %arg0 : i32
    %mul3A_1 = arith.constant 14 : i32
    %mul3A_2 = arith.muli %add3A, %mul3A_1 : i32
    %mul3A_3 = arith.constant 112 : i32
    %mul3A_4 = arith.muli %mul3A_2, %mul3A_3 : i32
    %broadcast_in_dim3A = arith.constant 0.000000e+00 : f32
    %broadcast_in_dim3A_5 = vector.broadcast %broadcast_in_dim3A : f32 to vector<16xf32>
    %scan3A = arith.constant 0 : i32
    %scan3A_6 = arith.constant 0 : i32
    %scan3A_7 = arith.constant 112 : i32
    %scan3A_8 = arith.addi %scan3A_6, %scan3A_7 : i32
    %scan3A_9 = arith.constant 1 : i32
    scf.for %scan3A_131 = %scan3A_6 to %scan3A_8 step %scan3A_9  : i32 {
      %swap3A = arith.constant 0 : i32
      %swap3A_132 = arith.index_cast %swap3A : i32 to index
      %swap3A_133 = arith.index_cast %scan3A_131 : i32 to index
      %swap3A_134 = arith.constant 0 : index
      %swap3A_135 = tpu.vector_load %arg6[%swap3A_132, %swap3A_133, %swap3A_134] {strides = array<i32>} : memref<2x112x128xf32, #tpu.memory_space<vmem>>, vector<1x1x16xf32>,
      %swap3A_136 = vector.shape_cast %swap3A_135 : vector<1x1x16xf32> to vector<16xf32>
      %swap3A_137 = vector.shape_cast %broadcast_in_dim3A_5 : vector<16xf32> to vector<1x1x16xf32>
      tpu.vector_store %arg6[%swap3A_132, %swap3A_133, %swap3A_134], %swap3A_137 {strides = array<i32>} : memref<2x112x128xf32, #tpu.memory_space<vmem>>, vector<1x1x16xf32>,
      %swap3A_138 = arith.constant 0 : i32
      %swap3A_139 = arith.index_cast %swap3A_138 : i32 to index
      %swap3A_140 = arith.index_cast %scan3A_131 : i32 to index
      %swap3A_141 = arith.constant 16 : index
      %swap3A_142 = tpu.vector_load %arg6[%swap3A_139, %swap3A_140, %swap3A_141] {strides = array<i32>} : memref<2x112x128xf32, #tpu.memory_space<vmem>>, vector<1x1x16xf32>,
      %swap3A_143 = vector.shape_cast %swap3A_142 : vector<1x1x16xf32> to vector<16xf32>
      %swap3A_144 = vector.shape_cast %broadcast_in_dim3A_5 : vector<16xf32> to vector<1x1x16xf32>
      tpu.vector_store %arg6[%swap3A_139, %swap3A_140, %swap3A_141], %swap3A_144 {strides = array<i32>} : memref<2x112x128xf32, #tpu.memory_space<vmem>>, vector<1x1x16xf32>,
      %swap3A_145 = arith.constant 0 : i32
      %swap3A_146 = arith.index_cast %swap3A_145 : i32 to index
      %swap3A_147 = arith.index_cast %scan3A_131 : i32 to index
      %swap3A_148 = arith.constant 32 : index
      %swap3A_149 = tpu.vector_load %arg6[%swap3A_146, %swap3A_147, %swap3A_148] {strides = array<i32>} : memref<2x112x128xf32, #tpu.memory_space<vmem>>, vector<1x1x16xf32>,
      %swap3A_150 = vector.shape_cast %swap3A_149 : vector<1x1x16xf32> to vector<16xf32>
      %swap3A_151 = vector.shape_cast %broadcast_in_dim3A_5 : vector<16xf32> to vector<1x1x16xf32>
      tpu.vector_store %arg6[%swap3A_146, %swap3A_147, %swap3A_148], %swap3A_151 {strides = array<i32>} : memref<2x112x128xf32, #tpu.memory_space<vmem>>, vector<1x1x16xf32>,
      %swap3A_152 = arith.constant 0 : i32
      %swap3A_153 = arith.index_cast %swap3A_152 : i32 to index
      %swap3A_154 = arith.index_cast %scan3A_131 : i32 to index
      %swap3A_155 = arith.constant 48 : index
      %swap3A_156 = tpu.vector_load %arg6[%swap3A_153, %swap3A_154, %swap3A_155] {strides = array<i32>} : memref<2x112x128xf32, #tpu.memory_space<vmem>>, vector<1x1x16xf32>,
      %swap3A_157 = vector.shape_cast %swap3A_156 : vector<1x1x16xf32> to vector<16xf32>
      %swap3A_158 = vector.shape_cast %broadcast_in_dim3A_5 : vector<16xf32> to vector<1x1x16xf32>
      tpu.vector_store %arg6[%swap3A_153, %swap3A_154, %swap3A_155], %swap3A_158 {strides = array<i32>} : memref<2x112x128xf32, #tpu.memory_space<vmem>>, vector<1x1x16xf32>,
      %swap3A_159 = arith.constant 0 : i32
      %swap3A_160 = arith.index_cast %swap3A_159 : i32 to index
      %swap3A_161 = arith.index_cast %scan3A_131 : i32 to index
      %swap3A_162 = arith.constant 64 : index
      %swap3A_163 = tpu.vector_load %arg6[%swap3A_160, %swap3A_161, %swap3A_162] {strides = array<i32>} : memref<2x112x128xf32, #tpu.memory_space<vmem>>, vector<1x1x16xf32>,
      %swap3A_164 = vector.shape_cast %swap3A_163 : vector<1x1x16xf32> to vector<16xf32>
      %swap3A_165 = vector.shape_cast %broadcast_in_dim3A_5 : vector<16xf32> to vector<1x1x16xf32>
      tpu.vector_store %arg6[%swap3A_160, %swap3A_161, %swap3A_162], %swap3A_165 {strides = array<i32>} : memref<2x112x128xf32, #tpu.memory_space<vmem>>, vector<1x1x16xf32>,
      %swap3A_166 = arith.constant 0 : i32
      %swap3A_167 = arith.index_cast %swap3A_166 : i32 to index
      %swap3A_168 = arith.index_cast %scan3A_131 : i32 to index
      %swap3A_169 = arith.constant 80 : index
      %swap3A_170 = tpu.vector_load %arg6[%swap3A_167, %swap3A_168, %swap3A_169] {strides = array<i32>} : memref<2x112x128xf32, #tpu.memory_space<vmem>>, vector<1x1x16xf32>,
      %swap3A_171 = vector.shape_cast %swap3A_170 : vector<1x1x16xf32> to vector<16xf32>
      %swap3A_172 = vector.shape_cast %broadcast_in_dim3A_5 : vector<16xf32> to vector<1x1x16xf32>
      tpu.vector_store %arg6[%swap3A_167, %swap3A_168, %swap3A_169], %swap3A_172 {strides = array<i32>} : memref<2x112x128xf32, #tpu.memory_space<vmem>>, vector<1x1x16xf32>,
      %swap3A_173 = arith.constant 0 : i32
      %swap3A_174 = arith.index_cast %swap3A_173 : i32 to index
      %swap3A_175 = arith.index_cast %scan3A_131 : i32 to index
      %swap3A_176 = arith.constant 96 : index
      %swap3A_177 = tpu.vector_load %arg6[%swap3A_174, %swap3A_175, %swap3A_176] {strides = array<i32>} : memref<2x112x128xf32, #tpu.memory_space<vmem>>, vector<1x1x16xf32>,
      %swap3A_178 = vector.shape_cast %swap3A_177 : vector<1x1x16xf32> to vector<16xf32>
      %swap3A_179 = vector.shape_cast %broadcast_in_dim3A_5 : vector<16xf32> to vector<1x1x16xf32>
      tpu.vector_store %arg6[%swap3A_174, %swap3A_175, %swap3A_176], %swap3A_179 {strides = array<i32>} : memref<2x112x128xf32, #tpu.memory_space<vmem>>, vector<1x1x16xf32>,
      %swap3A_180 = arith.constant 0 : i32
      %swap3A_181 = arith.index_cast %swap3A_180 : i32 to index
      %swap3A_182 = arith.index_cast %scan3A_131 : i32 to index
      %swap3A_183 = arith.constant 112 : index
      %swap3A_184 = tpu.vector_load %arg6[%swap3A_181, %swap3A_182, %swap3A_183] {strides = array<i32>} : memref<2x112x128xf32, #tpu.memory_space<vmem>>, vector<1x1x16xf32>,
      %swap3A_185 = vector.shape_cast %swap3A_184 : vector<1x1x16xf32> to vector<16xf32>
      %swap3A_186 = vector.shape_cast %broadcast_in_dim3A_5 : vector<16xf32> to vector<1x1x16xf32>
      tpu.vector_store %arg6[%swap3A_181, %swap3A_182, %swap3A_183], %swap3A_186 {strides = array<i32>} : memref<2x112x128xf32, #tpu.memory_space<vmem>>, vector<1x1x16xf32>,
    }
    %scan3A_10 = arith.constant 112 : i32
    %scan3A_11 = arith.constant 0 : i32
    %scan3A_12 = arith.constant 0 : i32
    %scan3A_13 = arith.constant 112 : i32
    %scan3A_14 = arith.addi %scan3A_12, %scan3A_13 : i32
    %scan3A_15 = arith.constant 1 : i32
    scf.for %scan3A_131 = %scan3A_12 to %scan3A_14 step %scan3A_15  : i32 {
      %swap3A = arith.constant 1 : i32
      %swap3A_132 = arith.index_cast %swap3A : i32 to index
      %swap3A_133 = arith.index_cast %scan3A_131 : i32 to index
      %swap3A_134 = arith.constant 0 : index
      %swap3A_135 = tpu.vector_load %arg6[%swap3A_132, %swap3A_133, %swap3A_134] {strides = array<i32>} : memref<2x112x128xf32, #tpu.memory_space<vmem>>, vector<1x1x16xf32>,
      %swap3A_136 = vector.shape_cast %swap3A_135 : vector<1x1x16xf32> to vector<16xf32>
      %swap3A_137 = vector.shape_cast %broadcast_in_dim3A_5 : vector<16xf32> to vector<1x1x16xf32>
      tpu.vector_store %arg6[%swap3A_132, %swap3A_133, %swap3A_134], %swap3A_137 {strides = array<i32>} : memref<2x112x128xf32, #tpu.memory_space<vmem>>, vector<1x1x16xf32>,
      %swap3A_138 = arith.constant 1 : i32
      %swap3A_139 = arith.index_cast %swap3A_138 : i32 to index
      %swap3A_140 = arith.index_cast %scan3A_131 : i32 to index
      %swap3A_141 = arith.constant 16 : index
      %swap3A_142 = tpu.vector_load %arg6[%swap3A_139, %swap3A_140, %swap3A_141] {strides = array<i32>} : memref<2x112x128xf32, #tpu.memory_space<vmem>>, vector<1x1x16xf32>,
      %swap3A_143 = vector.shape_cast %swap3A_142 : vector<1x1x16xf32> to vector<16xf32>
      %swap3A_144 = vector.shape_cast %broadcast_in_dim3A_5 : vector<16xf32> to vector<1x1x16xf32>
      tpu.vector_store %arg6[%swap3A_139, %swap3A_140, %swap3A_141], %swap3A_144 {strides = array<i32>} : memref<2x112x128xf32, #tpu.memory_space<vmem>>, vector<1x1x16xf32>,
      %swap3A_145 = arith.constant 1 : i32
      %swap3A_146 = arith.index_cast %swap3A_145 : i32 to index
      %swap3A_147 = arith.index_cast %scan3A_131 : i32 to index
      %swap3A_148 = arith.constant 32 : index
      %swap3A_149 = tpu.vector_load %arg6[%swap3A_146, %swap3A_147, %swap3A_148] {strides = array<i32>} : memref<2x112x128xf32, #tpu.memory_space<vmem>>, vector<1x1x16xf32>,
      %swap3A_150 = vector.shape_cast %swap3A_149 : vector<1x1x16xf32> to vector<16xf32>
      %swap3A_151 = vector.shape_cast %broadcast_in_dim3A_5 : vector<16xf32> to vector<1x1x16xf32>
      tpu.vector_store %arg6[%swap3A_146, %swap3A_147, %swap3A_148], %swap3A_151 {strides = array<i32>} : memref<2x112x128xf32, #tpu.memory_space<vmem>>, vector<1x1x16xf32>,
      %swap3A_152 = arith.constant 1 : i32
      %swap3A_153 = arith.index_cast %swap3A_152 : i32 to index
      %swap3A_154 = arith.index_cast %scan3A_131 : i32 to index
      %swap3A_155 = arith.constant 48 : index
      %swap3A_156 = tpu.vector_load %arg6[%swap3A_153, %swap3A_154, %swap3A_155] {strides = array<i32>} : memref<2x112x128xf32, #tpu.memory_space<vmem>>, vector<1x1x16xf32>,
      %swap3A_157 = vector.shape_cast %swap3A_156 : vector<1x1x16xf32> to vector<16xf32>
      %swap3A_158 = vector.shape_cast %broadcast_in_dim3A_5 : vector<16xf32> to vector<1x1x16xf32>
      tpu.vector_store %arg6[%swap3A_153, %swap3A_154, %swap3A_155], %swap3A_158 {strides = array<i32>} : memref<2x112x128xf32, #tpu.memory_space<vmem>>, vector<1x1x16xf32>,
      %swap3A_159 = arith.constant 1 : i32
      %swap3A_160 = arith.index_cast %swap3A_159 : i32 to index
      %swap3A_161 = arith.index_cast %scan3A_131 : i32 to index
      %swap3A_162 = arith.constant 64 : index
      %swap3A_163 = tpu.vector_load %arg6[%swap3A_160, %swap3A_161, %swap3A_162] {strides = array<i32>} : memref<2x112x128xf32, #tpu.memory_space<vmem>>, vector<1x1x16xf32>,
      %swap3A_164 = vector.shape_cast %swap3A_163 : vector<1x1x16xf32> to vector<16xf32>
      %swap3A_165 = vector.shape_cast %broadcast_in_dim3A_5 : vector<16xf32> to vector<1x1x16xf32>
      tpu.vector_store %arg6[%swap3A_160, %swap3A_161, %swap3A_162], %swap3A_165 {strides = array<i32>} : memref<2x112x128xf32, #tpu.memory_space<vmem>>, vector<1x1x16xf32>,
      %swap3A_166 = arith.constant 1 : i32
      %swap3A_167 = arith.index_cast %swap3A_166 : i32 to index
      %swap3A_168 = arith.index_cast %scan3A_131 : i32 to index
      %swap3A_169 = arith.constant 80 : index
      %swap3A_170 = tpu.vector_load %arg6[%swap3A_167, %swap3A_168, %swap3A_169] {strides = array<i32>} : memref<2x112x128xf32, #tpu.memory_space<vmem>>, vector<1x1x16xf32>,
      %swap3A_171 = vector.shape_cast %swap3A_170 : vector<1x1x16xf32> to vector<16xf32>
      %swap3A_172 = vector.shape_cast %broadcast_in_dim3A_5 : vector<16xf32> to vector<1x1x16xf32>
      tpu.vector_store %arg6[%swap3A_167, %swap3A_168, %swap3A_169], %swap3A_172 {strides = array<i32>} : memref<2x112x128xf32, #tpu.memory_space<vmem>>, vector<1x1x16xf32>,
      %swap3A_173 = arith.constant 1 : i32
      %swap3A_174 = arith.index_cast %swap3A_173 : i32 to index
      %swap3A_175 = arith.index_cast %scan3A_131 : i32 to index
      %swap3A_176 = arith.constant 96 : index
      %swap3A_177 = tpu.vector_load %arg6[%swap3A_174, %swap3A_175, %swap3A_176] {strides = array<i32>} : memref<2x112x128xf32, #tpu.memory_space<vmem>>, vector<1x1x16xf32>,
      %swap3A_178 = vector.shape_cast %swap3A_177 : vector<1x1x16xf32> to vector<16xf32>
      %swap3A_179 = vector.shape_cast %broadcast_in_dim3A_5 : vector<16xf32> to vector<1x1x16xf32>
      tpu.vector_store %arg6[%swap3A_174, %swap3A_175, %swap3A_176], %swap3A_179 {strides = array<i32>} : memref<2x112x128xf32, #tpu.memory_space<vmem>>, vector<1x1x16xf32>,
      %swap3A_180 = arith.constant 1 : i32
      %swap3A_181 = arith.index_cast %swap3A_180 : i32 to index
      %swap3A_182 = arith.index_cast %scan3A_131 : i32 to index
      %swap3A_183 = arith.constant 112 : index
      %swap3A_184 = tpu.vector_load %arg6[%swap3A_181, %swap3A_182, %swap3A_183] {strides = array<i32>} : memref<2x112x128xf32, #tpu.memory_space<vmem>>, vector<1x1x16xf32>,
      %swap3A_185 = vector.shape_cast %swap3A_184 : vector<1x1x16xf32> to vector<16xf32>
      %swap3A_186 = vector.shape_cast %broadcast_in_dim3A_5 : vector<16xf32> to vector<1x1x16xf32>
      tpu.vector_store %arg6[%swap3A_181, %swap3A_182, %swap3A_183], %swap3A_186 {strides = array<i32>} : memref<2x112x128xf32, #tpu.memory_space<vmem>>, vector<1x1x16xf32>,
    }
    %scan3A_16 = arith.constant 112 : i32
    %add3A_17 = arith.constant 0 : i32
    %add3A_18 = arith.addi %mul3A_2, %add3A_17 : i32
    %run_scoped3A = arith.constant 0 : i32
    "tpu.region"() ({
      %run_scoped3A_131 = tpu.sem_alloc : memref<!tpu.dma_semaphore, #tpu.memory_space<semaphore_mem>>
      %dma_start3A_132 = arith.constant 0 : i32
      %dma_start3A_133 = arith.constant 0 : i32
      %dma_start3A_134 = tpu.memref_slice %arg5[%run_scoped3A, %dma_start3A_132, %dma_start3A_133] : memref<2x4x112xi32, #tpu.memory_space<vmem>> -> memref<1x4x112xi32, #tpu.memory_space<vmem>>
      %dma_start3A_135 = tpu.memref_squeeze %dma_start3A_134 : memref<1x4x112xi32, #tpu.memory_space<vmem>> -> memref<4x112xi32, #tpu.memory_space<vmem>>
      %dma_start3A_136 = arith.constant 0 : i32
      %dma_start3A_137 = arith.constant 0 : i32
      %dma_start3A_138 = tpu.memref_slice %arg3[%add3A_18, %dma_start3A_136, %dma_start3A_137] : memref<448x4x112xi32, #tpu.memory_space<hbm>> -> memref<1x4x112xi32, #tpu.memory_space<hbm>>
      %dma_start3A_139 = tpu.memref_squeeze %dma_start3A_138 : memref<1x4x112xi32, #tpu.memory_space<hbm>> -> memref<4x112xi32, #tpu.memory_space<hbm>>
      %dma_start3A_140 = arith.constant 0 : i32
      %dma_start3A_141 = arith.constant 0 : i32
      %dma_start3A_142 = tpu.memref_slice %arg5[%run_scoped3A, %dma_start3A_140, %dma_start3A_141] : memref<2x4x112xi32, #tpu.memory_space<vmem>> -> memref<1x4x112xi32, #tpu.memory_space<vmem>>
      %dma_start3A_143 = tpu.memref_squeeze %dma_start3A_142 : memref<1x4x112xi32, #tpu.memory_space<vmem>> -> memref<4x112xi32, #tpu.memory_space<vmem>>
      %dma_start3A_144 = arith.constant 0 : i32
      %dma_start3A_145 = arith.constant 0 : i32
      %dma_start3A_146 = tpu.memref_slice %arg3[%add3A_18, %dma_start3A_144, %dma_start3A_145] : memref<448x4x112xi32, #tpu.memory_space<hbm>> -> memref<1x4x112xi32, #tpu.memory_space<hbm>>
      %dma_start3A_147 = tpu.memref_squeeze %dma_start3A_146 : memref<1x4x112xi32, #tpu.memory_space<hbm>> -> memref<4x112xi32, #tpu.memory_space<hbm>>
      tpu.enqueue_dma source(%dma_start3A_147 : memref<4x112xi32, #tpu.memory_space<hbm>>) target(%dma_start3A_143 : memref<4x112xi32, #tpu.memory_space<vmem>>) target_semaphore(%run_scoped3A_131 : memref<!tpu.dma_semaphore, #tpu.memory_space<semaphore_mem>>)
      %dma_wait3A = arith.constant 0 : i32
      %dma_wait3A_148 = arith.constant 0 : i32
      %dma_wait3A_149 = tpu.memref_slice %arg5[%run_scoped3A, %dma_wait3A, %dma_wait3A_148] : memref<2x4x112xi32, #tpu.memory_space<vmem>> -> memref<1x4x112xi32, #tpu.memory_space<vmem>>
      %dma_wait3A_150 = tpu.memref_squeeze %dma_wait3A_149 : memref<1x4x112xi32, #tpu.memory_space<vmem>> -> memref<4x112xi32, #tpu.memory_space<vmem>>
      %dma_wait3A_151 = arith.constant 0 : i32
      %dma_wait3A_152 = arith.constant 0 : i32
      %dma_wait3A_153 = tpu.memref_slice %arg3[%add3A_18, %dma_wait3A_151, %dma_wait3A_152] : memref<448x4x112xi32, #tpu.memory_space<hbm>> -> memref<1x4x112xi32, #tpu.memory_space<hbm>>
      %dma_wait3A_154 = tpu.memref_squeeze %dma_wait3A_153 : memref<1x4x112xi32, #tpu.memory_space<hbm>> -> memref<4x112xi32, #tpu.memory_space<hbm>>
      %dma_wait3A_155 = arith.constant 0 : i32
      %dma_wait3A_156 = arith.constant 0 : i32
      %dma_wait3A_157 = tpu.memref_slice %arg5[%run_scoped3A, %dma_wait3A_155, %dma_wait3A_156] : memref<2x4x112xi32, #tpu.memory_space<vmem>> -> memref<1x4x112xi32, #tpu.memory_space<vmem>>
      %dma_wait3A_158 = tpu.memref_squeeze %dma_wait3A_157 : memref<1x4x112xi32, #tpu.memory_space<vmem>> -> memref<4x112xi32, #tpu.memory_space<vmem>>
      %dma_wait3A_159 = arith.constant 0 : i32
      %dma_wait3A_160 = arith.constant 0 : i32
      %dma_wait3A_161 = tpu.memref_slice %arg3[%add3A_18, %dma_wait3A_159, %dma_wait3A_160] : memref<448x4x112xi32, #tpu.memory_space<hbm>> -> memref<1x4x112xi32, #tpu.memory_space<hbm>>
      %dma_wait3A_162 = tpu.memref_squeeze %dma_wait3A_161 : memref<1x4x112xi32, #tpu.memory_space<hbm>> -> memref<4x112xi32, #tpu.memory_space<hbm>>
      tpu.wait_dma2 semaphore(%run_scoped3A_131 : memref<!tpu.dma_semaphore, #tpu.memory_space<semaphore_mem>>) src(%dma_wait3A_162 : memref<4x112xi32, #tpu.memory_space<hbm>>) dst(%dma_wait3A_158 : memref<4x112xi32, #tpu.memory_space<vmem>>)
      tpu.yield
    }) : () -> ()
    %dma_start3A = arith.constant 0 : i32
    %dma_start3A_19 = arith.constant 0 : i32
    %dma_start3A_20 = arith.constant 0 : i32
    %dma_start3A_21 = arith.constant 0 : i32
    %dma_start3A_22 = arith.constant 0 : i32
    %dma_start3A_23 = tpu.memref_slice %arg6[%dma_start3A_20, %dma_start3A_21, %dma_start3A_22] : memref<2x112x128xf32, #tpu.memory_space<vmem>> -> memref<1x112x128xf32, #tpu.memory_space<vmem>>
    %dma_start3A_24 = tpu.memref_squeeze %dma_start3A_23 : memref<1x112x128xf32, #tpu.memory_space<vmem>> -> memref<112x128xf32, #tpu.memory_space<vmem>>
    %dma_start3A_25 = arith.constant 0 : i32
    %dma_start3A_26 = tpu.memref_slice %arg5[%dma_start3A, %dma_start3A_19, %dma_start3A_25] : memref<2x4x112xi32, #tpu.memory_space<vmem>> -> memref<1x1x112xi32, #tpu.memory_space<vmem>>
    %dma_start3A_27 = tpu.memref_squeeze %dma_start3A_26 : memref<1x1x112xi32, #tpu.memory_space<vmem>> -> memref<112xi32, #tpu.memory_space<vmem>>
    %dma_start3A_28 = arith.constant 0 : i32
    %dma_start3A_29 = arith.constant 0 : i32
    %dma_start3A_30 = tpu.memref_slice %arg2[%dma_start3A_28, %dma_start3A_29] : memref<200000x128xf32, #tpu.memory_space<hbm>> -> memref<200000x128xf32, #tpu.memory_space<hbm>>
    tpu.enqueue_indirect_dma source(%dma_start3A_30 : memref<200000x128xf32, #tpu.memory_space<hbm>>) target(%dma_start3A_24 : memref<112x128xf32, #tpu.memory_space<vmem>>) offsets(%dma_start3A_27 : memref<112xi32, #tpu.memory_space<vmem>>) semaphore(%arg7 : memref<!tpu.dma_semaphore, #tpu.memory_space<semaphore_mem>>) {add = true}
    %dma_start3A_31 = arith.constant 0 : i32
    %dma_start3A_32 = arith.constant 1 : i32
    %dma_start3A_33 = arith.constant 0 : i32
    %dma_start3A_34 = arith.constant 0 : i32
    %dma_start3A_35 = arith.constant 0 : i32
    %dma_start3A_36 = tpu.memref_slice %arg6[%dma_start3A_33, %dma_start3A_34, %dma_start3A_35] : memref<2x112x128xf32, #tpu.memory_space<vmem>> -> memref<1x112x128xf32, #tpu.memory_space<vmem>>
    %dma_start3A_37 = tpu.memref_squeeze %dma_start3A_36 : memref<1x112x128xf32, #tpu.memory_space<vmem>> -> memref<112x128xf32, #tpu.memory_space<vmem>>
    %dma_start3A_38 = arith.constant 0 : i32
    %dma_start3A_39 = tpu.memref_slice %arg5[%dma_start3A_31, %dma_start3A_32, %dma_start3A_38] : memref<2x4x112xi32, #tpu.memory_space<vmem>> -> memref<1x1x112xi32, #tpu.memory_space<vmem>>
    %dma_start3A_40 = tpu.memref_squeeze %dma_start3A_39 : memref<1x1x112xi32, #tpu.memory_space<vmem>> -> memref<112xi32, #tpu.memory_space<vmem>>
    %dma_start3A_41 = arith.constant 0 : i32
    %dma_start3A_42 = arith.constant 0 : i32
    %dma_start3A_43 = tpu.memref_slice %arg2[%dma_start3A_41, %dma_start3A_42] : memref<200000x128xf32, #tpu.memory_space<hbm>> -> memref<200000x128xf32, #tpu.memory_space<hbm>>
    tpu.enqueue_indirect_dma source(%dma_start3A_43 : memref<200000x128xf32, #tpu.memory_space<hbm>>) target(%dma_start3A_37 : memref<112x128xf32, #tpu.memory_space<vmem>>) offsets(%dma_start3A_40 : memref<112xi32, #tpu.memory_space<vmem>>) semaphore(%arg7 : memref<!tpu.dma_semaphore, #tpu.memory_space<semaphore_mem>>) {add = true}
    %dma_start3A_44 = arith.constant 0 : i32
    %dma_start3A_45 = arith.constant 2 : i32
    %dma_start3A_46 = arith.constant 0 : i32
    %dma_start3A_47 = arith.constant 0 : i32
    %dma_start3A_48 = arith.constant 0 : i32
    %dma_start3A_49 = tpu.memref_slice %arg6[%dma_start3A_46, %dma_start3A_47, %dma_start3A_48] : memref<2x112x128xf32, #tpu.memory_space<vmem>> -> memref<1x112x128xf32, #tpu.memory_space<vmem>>
    %dma_start3A_50 = tpu.memref_squeeze %dma_start3A_49 : memref<1x112x128xf32, #tpu.memory_space<vmem>> -> memref<112x128xf32, #tpu.memory_space<vmem>>
    %dma_start3A_51 = arith.constant 0 : i32
    %dma_start3A_52 = tpu.memref_slice %arg5[%dma_start3A_44, %dma_start3A_45, %dma_start3A_51] : memref<2x4x112xi32, #tpu.memory_space<vmem>> -> memref<1x1x112xi32, #tpu.memory_space<vmem>>
    %dma_start3A_53 = tpu.memref_squeeze %dma_start3A_52 : memref<1x1x112xi32, #tpu.memory_space<vmem>> -> memref<112xi32, #tpu.memory_space<vmem>>
    %dma_start3A_54 = arith.constant 0 : i32
    %dma_start3A_55 = arith.constant 0 : i32
    %dma_start3A_56 = tpu.memref_slice %arg2[%dma_start3A_54, %dma_start3A_55] : memref<200000x128xf32, #tpu.memory_space<hbm>> -> memref<200000x128xf32, #tpu.memory_space<hbm>>
    tpu.enqueue_indirect_dma source(%dma_start3A_56 : memref<200000x128xf32, #tpu.memory_space<hbm>>) target(%dma_start3A_50 : memref<112x128xf32, #tpu.memory_space<vmem>>) offsets(%dma_start3A_53 : memref<112xi32, #tpu.memory_space<vmem>>) semaphore(%arg7 : memref<!tpu.dma_semaphore, #tpu.memory_space<semaphore_mem>>) {add = true}
    %dma_start3A_57 = arith.constant 0 : i32
    %dma_start3A_58 = arith.constant 3 : i32
    %dma_start3A_59 = arith.constant 0 : i32
    %dma_start3A_60 = arith.constant 0 : i32
    %dma_start3A_61 = arith.constant 0 : i32
    %dma_start3A_62 = tpu.memref_slice %arg6[%dma_start3A_59, %dma_start3A_60, %dma_start3A_61] : memref<2x112x128xf32, #tpu.memory_space<vmem>> -> memref<1x112x128xf32, #tpu.memory_space<vmem>>
    %dma_start3A_63 = tpu.memref_squeeze %dma_start3A_62 : memref<1x112x128xf32, #tpu.memory_space<vmem>> -> memref<112x128xf32, #tpu.memory_space<vmem>>
    %dma_start3A_64 = arith.constant 0 : i32
    %dma_start3A_65 = tpu.memref_slice %arg5[%dma_start3A_57, %dma_start3A_58, %dma_start3A_64] : memref<2x4x112xi32, #tpu.memory_space<vmem>> -> memref<1x1x112xi32, #tpu.memory_space<vmem>>
    %dma_start3A_66 = tpu.memref_squeeze %dma_start3A_65 : memref<1x1x112xi32, #tpu.memory_space<vmem>> -> memref<112xi32, #tpu.memory_space<vmem>>
    %dma_start3A_67 = arith.constant 0 : i32
    %dma_start3A_68 = arith.constant 0 : i32
    %dma_start3A_69 = tpu.memref_slice %arg2[%dma_start3A_67, %dma_start3A_68] : memref<200000x128xf32, #tpu.memory_space<hbm>> -> memref<200000x128xf32, #tpu.memory_space<hbm>>
    tpu.enqueue_indirect_dma source(%dma_start3A_69 : memref<200000x128xf32, #tpu.memory_space<hbm>>) target(%dma_start3A_63 : memref<112x128xf32, #tpu.memory_space<vmem>>) offsets(%dma_start3A_66 : memref<112xi32, #tpu.memory_space<vmem>>) semaphore(%arg7 : memref<!tpu.dma_semaphore, #tpu.memory_space<semaphore_mem>>) {add = true}
    %add3A_70 = arith.constant 1 : i32
    %add3A_71 = arith.addi %mul3A_2, %add3A_70 : i32
    %run_scoped3A_72 = arith.constant 1 : i32
    "tpu.region"() ({
      %run_scoped3A_131 = tpu.sem_alloc : memref<!tpu.dma_semaphore, #tpu.memory_space<semaphore_mem>>
      %dma_start3A_132 = arith.constant 0 : i32
      %dma_start3A_133 = arith.constant 0 : i32
      %dma_start3A_134 = tpu.memref_slice %arg5[%run_scoped3A_72, %dma_start3A_132, %dma_start3A_133] : memref<2x4x112xi32, #tpu.memory_space<vmem>> -> memref<1x4x112xi32, #tpu.memory_space<vmem>>
      %dma_start3A_135 = tpu.memref_squeeze %dma_start3A_134 : memref<1x4x112xi32, #tpu.memory_space<vmem>> -> memref<4x112xi32, #tpu.memory_space<vmem>>
      %dma_start3A_136 = arith.constant 0 : i32
      %dma_start3A_137 = arith.constant 0 : i32
      %dma_start3A_138 = tpu.memref_slice %arg3[%add3A_71, %dma_start3A_136, %dma_start3A_137] : memref<448x4x112xi32, #tpu.memory_space<hbm>> -> memref<1x4x112xi32, #tpu.memory_space<hbm>>
      %dma_start3A_139 = tpu.memref_squeeze %dma_start3A_138 : memref<1x4x112xi32, #tpu.memory_space<hbm>> -> memref<4x112xi32, #tpu.memory_space<hbm>>
      %dma_start3A_140 = arith.constant 0 : i32
      %dma_start3A_141 = arith.constant 0 : i32
      %dma_start3A_142 = tpu.memref_slice %arg5[%run_scoped3A_72, %dma_start3A_140, %dma_start3A_141] : memref<2x4x112xi32, #tpu.memory_space<vmem>> -> memref<1x4x112xi32, #tpu.memory_space<vmem>>
      %dma_start3A_143 = tpu.memref_squeeze %dma_start3A_142 : memref<1x4x112xi32, #tpu.memory_space<vmem>> -> memref<4x112xi32, #tpu.memory_space<vmem>>
      %dma_start3A_144 = arith.constant 0 : i32
      %dma_start3A_145 = arith.constant 0 : i32
      %dma_start3A_146 = tpu.memref_slice %arg3[%add3A_71, %dma_start3A_144, %dma_start3A_145] : memref<448x4x112xi32, #tpu.memory_space<hbm>> -> memref<1x4x112xi32, #tpu.memory_space<hbm>>
      %dma_start3A_147 = tpu.memref_squeeze %dma_start3A_146 : memref<1x4x112xi32, #tpu.memory_space<hbm>> -> memref<4x112xi32, #tpu.memory_space<hbm>>
      tpu.enqueue_dma source(%dma_start3A_147 : memref<4x112xi32, #tpu.memory_space<hbm>>) target(%dma_start3A_143 : memref<4x112xi32, #tpu.memory_space<vmem>>) target_semaphore(%run_scoped3A_131 : memref<!tpu.dma_semaphore, #tpu.memory_space<semaphore_mem>>)
      %dma_wait3A = arith.constant 0 : i32
      %dma_wait3A_148 = arith.constant 0 : i32
      %dma_wait3A_149 = tpu.memref_slice %arg5[%run_scoped3A_72, %dma_wait3A, %dma_wait3A_148] : memref<2x4x112xi32, #tpu.memory_space<vmem>> -> memref<1x4x112xi32, #tpu.memory_space<vmem>>
      %dma_wait3A_150 = tpu.memref_squeeze %dma_wait3A_149 : memref<1x4x112xi32, #tpu.memory_space<vmem>> -> memref<4x112xi32, #tpu.memory_space<vmem>>
      %dma_wait3A_151 = arith.constant 0 : i32
      %dma_wait3A_152 = arith.constant 0 : i32
      %dma_wait3A_153 = tpu.memref_slice %arg3[%add3A_71, %dma_wait3A_151, %dma_wait3A_152] : memref<448x4x112xi32, #tpu.memory_space<hbm>> -> memref<1x4x112xi32, #tpu.memory_space<hbm>>
      %dma_wait3A_154 = tpu.memref_squeeze %dma_wait3A_153 : memref<1x4x112xi32, #tpu.memory_space<hbm>> -> memref<4x112xi32, #tpu.memory_space<hbm>>
      %dma_wait3A_155 = arith.constant 0 : i32
      %dma_wait3A_156 = arith.constant 0 : i32
      %dma_wait3A_157 = tpu.memref_slice %arg5[%run_scoped3A_72, %dma_wait3A_155, %dma_wait3A_156] : memref<2x4x112xi32, #tpu.memory_space<vmem>> -> memref<1x4x112xi32, #tpu.memory_space<vmem>>
      %dma_wait3A_158 = tpu.memref_squeeze %dma_wait3A_157 : memref<1x4x112xi32, #tpu.memory_space<vmem>> -> memref<4x112xi32, #tpu.memory_space<vmem>>
      %dma_wait3A_159 = arith.constant 0 : i32
      %dma_wait3A_160 = arith.constant 0 : i32
      %dma_wait3A_161 = tpu.memref_slice %arg3[%add3A_71, %dma_wait3A_159, %dma_wait3A_160] : memref<448x4x112xi32, #tpu.memory_space<hbm>> -> memref<1x4x112xi32, #tpu.memory_space<hbm>>
      %dma_wait3A_162 = tpu.memref_squeeze %dma_wait3A_161 : memref<1x4x112xi32, #tpu.memory_space<hbm>> -> memref<4x112xi32, #tpu.memory_space<hbm>>
      tpu.wait_dma2 semaphore(%run_scoped3A_131 : memref<!tpu.dma_semaphore, #tpu.memory_space<semaphore_mem>>) src(%dma_wait3A_162 : memref<4x112xi32, #tpu.memory_space<hbm>>) dst(%dma_wait3A_158 : memref<4x112xi32, #tpu.memory_space<vmem>>)
      tpu.yield
    }) : () -> ()
    %dma_start3A_73 = arith.constant 1 : i32
    %dma_start3A_74 = arith.constant 0 : i32
    %dma_start3A_75 = arith.constant 1 : i32
    %dma_start3A_76 = arith.constant 0 : i32
    %dma_start3A_77 = arith.constant 0 : i32
    %dma_start3A_78 = tpu.memref_slice %arg6[%dma_start3A_75, %dma_start3A_76, %dma_start3A_77] : memref<2x112x128xf32, #tpu.memory_space<vmem>> -> memref<1x112x128xf32, #tpu.memory_space<vmem>>
    %dma_start3A_79 = tpu.memref_squeeze %dma_start3A_78 : memref<1x112x128xf32, #tpu.memory_space<vmem>> -> memref<112x128xf32, #tpu.memory_space<vmem>>
    %dma_start3A_80 = arith.constant 0 : i32
    %dma_start3A_81 = tpu.memref_slice %arg5[%dma_start3A_73, %dma_start3A_74, %dma_start3A_80] : memref<2x4x112xi32, #tpu.memory_space<vmem>> -> memref<1x1x112xi32, #tpu.memory_space<vmem>>
    %dma_start3A_82 = tpu.memref_squeeze %dma_start3A_81 : memref<1x1x112xi32, #tpu.memory_space<vmem>> -> memref<112xi32, #tpu.memory_space<vmem>>
    %dma_start3A_83 = arith.constant 0 : i32
    %dma_start3A_84 = arith.constant 0 : i32
    %dma_start3A_85 = tpu.memref_slice %arg2[%dma_start3A_83, %dma_start3A_84] : memref<200000x128xf32, #tpu.memory_space<hbm>> -> memref<200000x128xf32, #tpu.memory_space<hbm>>
    tpu.enqueue_indirect_dma source(%dma_start3A_85 : memref<200000x128xf32, #tpu.memory_space<hbm>>) target(%dma_start3A_79 : memref<112x128xf32, #tpu.memory_space<vmem>>) offsets(%dma_start3A_82 : memref<112xi32, #tpu.memory_space<vmem>>) semaphore(%arg8 : memref<!tpu.dma_semaphore, #tpu.memory_space<semaphore_mem>>) {add = true}
    %dma_start3A_86 = arith.constant 1 : i32
    %dma_start3A_87 = arith.constant 1 : i32
    %dma_start3A_88 = arith.constant 1 : i32
    %dma_start3A_89 = arith.constant 0 : i32
    %dma_start3A_90 = arith.constant 0 : i32
    %dma_start3A_91 = tpu.memref_slice %arg6[%dma_start3A_88, %dma_start3A_89, %dma_start3A_90] : memref<2x112x128xf32, #tpu.memory_space<vmem>> -> memref<1x112x128xf32, #tpu.memory_space<vmem>>
    %dma_start3A_92 = tpu.memref_squeeze %dma_start3A_91 : memref<1x112x128xf32, #tpu.memory_space<vmem>> -> memref<112x128xf32, #tpu.memory_space<vmem>>
    %dma_start3A_93 = arith.constant 0 : i32
    %dma_start3A_94 = tpu.memref_slice %arg5[%dma_start3A_86, %dma_start3A_87, %dma_start3A_93] : memref<2x4x112xi32, #tpu.memory_space<vmem>> -> memref<1x1x112xi32, #tpu.memory_space<vmem>>
    %dma_start3A_95 = tpu.memref_squeeze %dma_start3A_94 : memref<1x1x112xi32, #tpu.memory_space<vmem>> -> memref<112xi32, #tpu.memory_space<vmem>>
    %dma_start3A_96 = arith.constant 0 : i32
    %dma_start3A_97 = arith.constant 0 : i32
    %dma_start3A_98 = tpu.memref_slice %arg2[%dma_start3A_96, %dma_start3A_97] : memref<200000x128xf32, #tpu.memory_space<hbm>> -> memref<200000x128xf32, #tpu.memory_space<hbm>>
    tpu.enqueue_indirect_dma source(%dma_start3A_98 : memref<200000x128xf32, #tpu.memory_space<hbm>>) target(%dma_start3A_92 : memref<112x128xf32, #tpu.memory_space<vmem>>) offsets(%dma_start3A_95 : memref<112xi32, #tpu.memory_space<vmem>>) semaphore(%arg8 : memref<!tpu.dma_semaphore, #tpu.memory_space<semaphore_mem>>) {add = true}
    %dma_start3A_99 = arith.constant 1 : i32
    %dma_start3A_100 = arith.constant 2 : i32
    %dma_start3A_101 = arith.constant 1 : i32
    %dma_start3A_102 = arith.constant 0 : i32
    %dma_start3A_103 = arith.constant 0 : i32
    %dma_start3A_104 = tpu.memref_slice %arg6[%dma_start3A_101, %dma_start3A_102, %dma_start3A_103] : memref<2x112x128xf32, #tpu.memory_space<vmem>> -> memref<1x112x128xf32, #tpu.memory_space<vmem>>
    %dma_start3A_105 = tpu.memref_squeeze %dma_start3A_104 : memref<1x112x128xf32, #tpu.memory_space<vmem>> -> memref<112x128xf32, #tpu.memory_space<vmem>>
    %dma_start3A_106 = arith.constant 0 : i32
    %dma_start3A_107 = tpu.memref_slice %arg5[%dma_start3A_99, %dma_start3A_100, %dma_start3A_106] : memref<2x4x112xi32, #tpu.memory_space<vmem>> -> memref<1x1x112xi32, #tpu.memory_space<vmem>>
    %dma_start3A_108 = tpu.memref_squeeze %dma_start3A_107 : memref<1x1x112xi32, #tpu.memory_space<vmem>> -> memref<112xi32, #tpu.memory_space<vmem>>
    %dma_start3A_109 = arith.constant 0 : i32
    %dma_start3A_110 = arith.constant 0 : i32
    %dma_start3A_111 = tpu.memref_slice %arg2[%dma_start3A_109, %dma_start3A_110] : memref<200000x128xf32, #tpu.memory_space<hbm>> -> memref<200000x128xf32, #tpu.memory_space<hbm>>
    tpu.enqueue_indirect_dma source(%dma_start3A_111 : memref<200000x128xf32, #tpu.memory_space<hbm>>) target(%dma_start3A_105 : memref<112x128xf32, #tpu.memory_space<vmem>>) offsets(%dma_start3A_108 : memref<112xi32, #tpu.memory_space<vmem>>) semaphore(%arg8 : memref<!tpu.dma_semaphore, #tpu.memory_space<semaphore_mem>>) {add = true}
    %dma_start3A_112 = arith.constant 1 : i32
    %dma_start3A_113 = arith.constant 3 : i32
    %dma_start3A_114 = arith.constant 1 : i32
    %dma_start3A_115 = arith.constant 0 : i32
    %dma_start3A_116 = arith.constant 0 : i32
    %dma_start3A_117 = tpu.memref_slice %arg6[%dma_start3A_114, %dma_start3A_115, %dma_start3A_116] : memref<2x112x128xf32, #tpu.memory_space<vmem>> -> memref<1x112x128xf32, #tpu.memory_space<vmem>>
    %dma_start3A_118 = tpu.memref_squeeze %dma_start3A_117 : memref<1x112x128xf32, #tpu.memory_space<vmem>> -> memref<112x128xf32, #tpu.memory_space<vmem>>
    %dma_start3A_119 = arith.constant 0 : i32
    %dma_start3A_120 = tpu.memref_slice %arg5[%dma_start3A_112, %dma_start3A_113, %dma_start3A_119] : memref<2x4x112xi32, #tpu.memory_space<vmem>> -> memref<1x1x112xi32, #tpu.memory_space<vmem>>
    %dma_start3A_121 = tpu.memref_squeeze %dma_start3A_120 : memref<1x1x112xi32, #tpu.memory_space<vmem>> -> memref<112xi32, #tpu.memory_space<vmem>>
    %dma_start3A_122 = arith.constant 0 : i32
    %dma_start3A_123 = arith.constant 0 : i32
    %dma_start3A_124 = tpu.memref_slice %arg2[%dma_start3A_122, %dma_start3A_123] : memref<200000x128xf32, #tpu.memory_space<hbm>> -> memref<200000x128xf32, #tpu.memory_space<hbm>>
    tpu.enqueue_indirect_dma source(%dma_start3A_124 : memref<200000x128xf32, #tpu.memory_space<hbm>>) target(%dma_start3A_118 : memref<112x128xf32, #tpu.memory_space<vmem>>) offsets(%dma_start3A_121 : memref<112xi32, #tpu.memory_space<vmem>>) semaphore(%arg8 : memref<!tpu.dma_semaphore, #tpu.memory_space<semaphore_mem>>) {add = true}
    %scan3A_125 = arith.constant 0 : i32
    %scan3A_126 = arith.constant 0 : i32
    %scan3A_127 = arith.constant 7 : i32
    %scan3A_128 = arith.addi %scan3A_126, %scan3A_127 : i32
    %scan3A_129 = arith.constant 1 : i32
    scf.for %scan3A_131 = %scan3A_126 to %scan3A_128 step %scan3A_129  : i32 {
      %mul3A_132 = arith.constant 2 : i32
      %mul3A_133 = arith.muli %mul3A_132, %scan3A_131 : i32
      %add3A_134 = arith.constant 0 : i32
      %add3A_135 = arith.addi %mul3A_133, %add3A_134 : i32
      %dma_wait3A = arith.constant 0 : i32
      %dma_wait3A_136 = arith.constant 0 : i32
      %dma_wait3A_137 = arith.constant 0 : i32
      %dma_wait3A_138 = arith.constant 0 : i32
      %dma_wait3A_139 = arith.constant 0 : i32
      %dma_wait3A_140 = tpu.memref_slice %arg6[%dma_wait3A_137, %dma_wait3A_138, %dma_wait3A_139] : memref<2x112x128xf32, #tpu.memory_space<vmem>> -> memref<1x112x128xf32, #tpu.memory_space<vmem>>
      %dma_wait3A_141 = tpu.memref_squeeze %dma_wait3A_140 : memref<1x112x128xf32, #tpu.memory_space<vmem>> -> memref<112x128xf32, #tpu.memory_space<vmem>>
      %dma_wait3A_142 = arith.constant 0 : i32
      %dma_wait3A_143 = tpu.memref_slice %arg5[%dma_wait3A, %dma_wait3A_136, %dma_wait3A_142] : memref<2x4x112xi32, #tpu.memory_space<vmem>> -> memref<1x1x112xi32, #tpu.memory_space<vmem>>
      %dma_wait3A_144 = tpu.memref_squeeze %dma_wait3A_143 : memref<1x1x112xi32, #tpu.memory_space<vmem>> -> memref<112xi32, #tpu.memory_space<vmem>>
      %dma_wait3A_145 = arith.constant 0 : i32
      %dma_wait3A_146 = arith.constant 0 : i32
      %dma_wait3A_147 = tpu.memref_slice %arg2[%dma_wait3A_145, %dma_wait3A_146] : memref<200000x128xf32, #tpu.memory_space<hbm>> -> memref<200000x128xf32, #tpu.memory_space<hbm>>
      tpu.wait_indirect_dma semaphore(%arg7 : memref<!tpu.dma_semaphore, #tpu.memory_space<semaphore_mem>>) src(%dma_wait3A_147 : memref<200000x128xf32, #tpu.memory_space<hbm>>) dst(%dma_wait3A_141 : memref<112x128xf32, #tpu.memory_space<vmem>>)
      %dma_wait3A_148 = arith.constant 0 : i32
      %dma_wait3A_149 = arith.constant 1 : i32
      %dma_wait3A_150 = arith.constant 0 : i32
      %dma_wait3A_151 = arith.constant 0 : i32
      %dma_wait3A_152 = arith.constant 0 : i32
      %dma_wait3A_153 = tpu.memref_slice %arg6[%dma_wait3A_150, %dma_wait3A_151, %dma_wait3A_152] : memref<2x112x128xf32, #tpu.memory_space<vmem>> -> memref<1x112x128xf32, #tpu.memory_space<vmem>>
      %dma_wait3A_154 = tpu.memref_squeeze %dma_wait3A_153 : memref<1x112x128xf32, #tpu.memory_space<vmem>> -> memref<112x128xf32, #tpu.memory_space<vmem>>
      %dma_wait3A_155 = arith.constant 0 : i32
      %dma_wait3A_156 = tpu.memref_slice %arg5[%dma_wait3A_148, %dma_wait3A_149, %dma_wait3A_155] : memref<2x4x112xi32, #tpu.memory_space<vmem>> -> memref<1x1x112xi32, #tpu.memory_space<vmem>>
      %dma_wait3A_157 = tpu.memref_squeeze %dma_wait3A_156 : memref<1x1x112xi32, #tpu.memory_space<vmem>> -> memref<112xi32, #tpu.memory_space<vmem>>
      %dma_wait3A_158 = arith.constant 0 : i32
      %dma_wait3A_159 = arith.constant 0 : i32
      %dma_wait3A_160 = tpu.memref_slice %arg2[%dma_wait3A_158, %dma_wait3A_159] : memref<200000x128xf32, #tpu.memory_space<hbm>> -> memref<200000x128xf32, #tpu.memory_space<hbm>>
      tpu.wait_indirect_dma semaphore(%arg7 : memref<!tpu.dma_semaphore, #tpu.memory_space<semaphore_mem>>) src(%dma_wait3A_160 : memref<200000x128xf32, #tpu.memory_space<hbm>>) dst(%dma_wait3A_154 : memref<112x128xf32, #tpu.memory_space<vmem>>)
      %dma_wait3A_161 = arith.constant 0 : i32
      %dma_wait3A_162 = arith.constant 2 : i32
      %dma_wait3A_163 = arith.constant 0 : i32
      %dma_wait3A_164 = arith.constant 0 : i32
      %dma_wait3A_165 = arith.constant 0 : i32
      %dma_wait3A_166 = tpu.memref_slice %arg6[%dma_wait3A_163, %dma_wait3A_164, %dma_wait3A_165] : memref<2x112x128xf32, #tpu.memory_space<vmem>> -> memref<1x112x128xf32, #tpu.memory_space<vmem>>
      %dma_wait3A_167 = tpu.memref_squeeze %dma_wait3A_166 : memref<1x112x128xf32, #tpu.memory_space<vmem>> -> memref<112x128xf32, #tpu.memory_space<vmem>>
      %dma_wait3A_168 = arith.constant 0 : i32
      %dma_wait3A_169 = tpu.memref_slice %arg5[%dma_wait3A_161, %dma_wait3A_162, %dma_wait3A_168] : memref<2x4x112xi32, #tpu.memory_space<vmem>> -> memref<1x1x112xi32, #tpu.memory_space<vmem>>
      %dma_wait3A_170 = tpu.memref_squeeze %dma_wait3A_169 : memref<1x1x112xi32, #tpu.memory_space<vmem>> -> memref<112xi32, #tpu.memory_space<vmem>>
      %dma_wait3A_171 = arith.constant 0 : i32
      %dma_wait3A_172 = arith.constant 0 : i32
      %dma_wait3A_173 = tpu.memref_slice %arg2[%dma_wait3A_171, %dma_wait3A_172] : memref<200000x128xf32, #tpu.memory_space<hbm>> -> memref<200000x128xf32, #tpu.memory_space<hbm>>
      tpu.wait_indirect_dma semaphore(%arg7 : memref<!tpu.dma_semaphore, #tpu.memory_space<semaphore_mem>>) src(%dma_wait3A_173 : memref<200000x128xf32, #tpu.memory_space<hbm>>) dst(%dma_wait3A_167 : memref<112x128xf32, #tpu.memory_space<vmem>>)
      %dma_wait3A_174 = arith.constant 0 : i32
      %dma_wait3A_175 = arith.constant 3 : i32
      %dma_wait3A_176 = arith.constant 0 : i32
      %dma_wait3A_177 = arith.constant 0 : i32
      %dma_wait3A_178 = arith.constant 0 : i32
      %dma_wait3A_179 = tpu.memref_slice %arg6[%dma_wait3A_176, %dma_wait3A_177, %dma_wait3A_178] : memref<2x112x128xf32, #tpu.memory_space<vmem>> -> memref<1x112x128xf32, #tpu.memory_space<vmem>>
      %dma_wait3A_180 = tpu.memref_squeeze %dma_wait3A_179 : memref<1x112x128xf32, #tpu.memory_space<vmem>> -> memref<112x128xf32, #tpu.memory_space<vmem>>
      %dma_wait3A_181 = arith.constant 0 : i32
      %dma_wait3A_182 = tpu.memref_slice %arg5[%dma_wait3A_174, %dma_wait3A_175, %dma_wait3A_181] : memref<2x4x112xi32, #tpu.memory_space<vmem>> -> memref<1x1x112xi32, #tpu.memory_space<vmem>>
      %dma_wait3A_183 = tpu.memref_squeeze %dma_wait3A_182 : memref<1x1x112xi32, #tpu.memory_space<vmem>> -> memref<112xi32, #tpu.memory_space<vmem>>
      %dma_wait3A_184 = arith.constant 0 : i32
      %dma_wait3A_185 = arith.constant 0 : i32
      %dma_wait3A_186 = tpu.memref_slice %arg2[%dma_wait3A_184, %dma_wait3A_185] : memref<200000x128xf32, #tpu.memory_space<hbm>> -> memref<200000x128xf32, #tpu.memory_space<hbm>>
      tpu.wait_indirect_dma semaphore(%arg7 : memref<!tpu.dma_semaphore, #tpu.memory_space<semaphore_mem>>) src(%dma_wait3A_186 : memref<200000x128xf32, #tpu.memory_space<hbm>>) dst(%dma_wait3A_180 : memref<112x128xf32, #tpu.memory_space<vmem>>)
      %mul3A_187 = arith.constant 112 : i32
      %mul3A_188 = arith.muli %add3A_135, %mul3A_187 : i32
      %add3A_189 = arith.addi %mul3A_4, %mul3A_188 : i32
      %add3A_190 = arith.constant 112 : i32
      %add3A_191 = arith.addi %add3A_189, %add3A_190 : i32
      %le3A = arith.constant 50000 : i32
      %le3A_192 = arith.cmpi sle, %add3A_191, %le3A : i32
      %convert_element_type3A = arith.extui %le3A_192 : i1 to i32
      %cond3A = arith.constant 0 : i32
      %cond3A_193 = arith.cmpi ne, %convert_element_type3A, %cond3A : i32
      scf.if %cond3A_193 {
        %dma_start3A_282 = arith.constant 0 : i32
        %dma_start3A_283 = arith.constant 0 : i32
        %dma_start3A_284 = arith.constant 0 : i32
        %dma_start3A_285 = tpu.memref_slice %arg6[%dma_start3A_282, %dma_start3A_283, %dma_start3A_284] : memref<2x112x128xf32, #tpu.memory_space<vmem>> -> memref<1x112x128xf32, #tpu.memory_space<vmem>>
        %dma_start3A_286 = tpu.memref_squeeze %dma_start3A_285 : memref<1x112x128xf32, #tpu.memory_space<vmem>> -> memref<112x128xf32, #tpu.memory_space<vmem>>
        %dma_start3A_287 = arith.constant 0 : i32
        %dma_start3A_288 = tpu.memref_slice %arg4[%add3A_189, %dma_start3A_287] : memref<50000x128xf32, #tpu.memory_space<hbm>> -> memref<112x128xf32, #tpu.memory_space<hbm>>
        %dma_start3A_289 = arith.constant 0 : i32
        %dma_start3A_290 = tpu.memref_slice %arg4[%add3A_189, %dma_start3A_289] : memref<50000x128xf32, #tpu.memory_space<hbm>> -> memref<112x128xf32, #tpu.memory_space<hbm>>
        %dma_start3A_291 = arith.constant 0 : i32
        %dma_start3A_292 = arith.constant 0 : i32
        %dma_start3A_293 = tpu.memref_slice %arg6[%dma_start3A_282, %dma_start3A_291, %dma_start3A_292] : memref<2x112x128xf32, #tpu.memory_space<vmem>> -> memref<1x112x128xf32, #tpu.memory_space<vmem>>
        %dma_start3A_294 = tpu.memref_squeeze %dma_start3A_293 : memref<1x112x128xf32, #tpu.memory_space<vmem>> -> memref<112x128xf32, #tpu.memory_space<vmem>>
        tpu.enqueue_dma source(%dma_start3A_294 : memref<112x128xf32, #tpu.memory_space<vmem>>) target(%dma_start3A_290 : memref<112x128xf32, #tpu.memory_space<hbm>>) target_semaphore(%arg9 : memref<!tpu.dma_semaphore, #tpu.memory_space<semaphore_mem>>)
        %dma_wait3A_295 = arith.constant 0 : i32
        %dma_wait3A_296 = arith.constant 0 : i32
        %dma_wait3A_297 = arith.constant 0 : i32
        %dma_wait3A_298 = tpu.memref_slice %arg6[%dma_wait3A_295, %dma_wait3A_296, %dma_wait3A_297] : memref<2x112x128xf32, #tpu.memory_space<vmem>> -> memref<1x112x128xf32, #tpu.memory_space<vmem>>
        %dma_wait3A_299 = tpu.memref_squeeze %dma_wait3A_298 : memref<1x112x128xf32, #tpu.memory_space<vmem>> -> memref<112x128xf32, #tpu.memory_space<vmem>>
        %dma_wait3A_300 = arith.constant 0 : i32
        %dma_wait3A_301 = tpu.memref_slice %arg4[%add3A_189, %dma_wait3A_300] : memref<50000x128xf32, #tpu.memory_space<hbm>> -> memref<112x128xf32, #tpu.memory_space<hbm>>
        %dma_wait3A_302 = arith.constant 0 : i32
        %dma_wait3A_303 = tpu.memref_slice %arg4[%add3A_189, %dma_wait3A_302] : memref<50000x128xf32, #tpu.memory_space<hbm>> -> memref<112x128xf32, #tpu.memory_space<hbm>>
        %dma_wait3A_304 = arith.constant 0 : i32
        %dma_wait3A_305 = arith.constant 0 : i32
        %dma_wait3A_306 = tpu.memref_slice %arg6[%dma_wait3A_295, %dma_wait3A_304, %dma_wait3A_305] : memref<2x112x128xf32, #tpu.memory_space<vmem>> -> memref<1x112x128xf32, #tpu.memory_space<vmem>>
        %dma_wait3A_307 = tpu.memref_squeeze %dma_wait3A_306 : memref<1x112x128xf32, #tpu.memory_space<vmem>> -> memref<112x128xf32, #tpu.memory_space<vmem>>
        tpu.wait_dma2 semaphore(%arg9 : memref<!tpu.dma_semaphore, #tpu.memory_space<semaphore_mem>>) src(%dma_wait3A_307 : memref<112x128xf32, #tpu.memory_space<vmem>>) dst(%dma_wait3A_303 : memref<112x128xf32, #tpu.memory_space<hbm>>)
      } else {
      }
      %eq3A = arith.constant 49952 : i32
      %eq3A_194 = arith.cmpi eq, %add3A_189, %eq3A : i32
      %convert_element_type3A_195 = arith.extui %eq3A_194 : i1 to i32
      %cond3A_196 = arith.constant 0 : i32
      %cond3A_197 = arith.cmpi ne, %convert_element_type3A_195, %cond3A_196 : i32
      scf.if %cond3A_197 {
        %dma_start3A_282 = arith.constant 0 : i32
        %dma_start3A_283 = arith.constant 0 : i32
        %dma_start3A_284 = arith.constant 0 : i32
        %dma_start3A_285 = tpu.memref_slice %arg6[%dma_start3A_282, %dma_start3A_283, %dma_start3A_284] : memref<2x112x128xf32, #tpu.memory_space<vmem>> -> memref<1x48x128xf32, #tpu.memory_space<vmem>>
        %dma_start3A_286 = tpu.memref_squeeze %dma_start3A_285 : memref<1x48x128xf32, #tpu.memory_space<vmem>> -> memref<48x128xf32, #tpu.memory_space<vmem>>
        %dma_start3A_287 = arith.constant 49952 : i32
        %dma_start3A_288 = arith.constant 0 : i32
        %dma_start3A_289 = tpu.memref_slice %arg4[%dma_start3A_287, %dma_start3A_288] : memref<50000x128xf32, #tpu.memory_space<hbm>> -> memref<48x128xf32, #tpu.memory_space<hbm>>
        %dma_start3A_290 = arith.constant 49952 : i32
        %dma_start3A_291 = arith.constant 0 : i32
        %dma_start3A_292 = tpu.memref_slice %arg4[%dma_start3A_290, %dma_start3A_291] : memref<50000x128xf32, #tpu.memory_space<hbm>> -> memref<48x128xf32, #tpu.memory_space<hbm>>
        %dma_start3A_293 = arith.constant 0 : i32
        %dma_start3A_294 = arith.constant 0 : i32
        %dma_start3A_295 = tpu.memref_slice %arg6[%dma_start3A_282, %dma_start3A_293, %dma_start3A_294] : memref<2x112x128xf32, #tpu.memory_space<vmem>> -> memref<1x48x128xf32, #tpu.memory_space<vmem>>
        %dma_start3A_296 = tpu.memref_squeeze %dma_start3A_295 : memref<1x48x128xf32, #tpu.memory_space<vmem>> -> memref<48x128xf32, #tpu.memory_space<vmem>>
        tpu.enqueue_dma source(%dma_start3A_296 : memref<48x128xf32, #tpu.memory_space<vmem>>) target(%dma_start3A_292 : memref<48x128xf32, #tpu.memory_space<hbm>>) target_semaphore(%arg9 : memref<!tpu.dma_semaphore, #tpu.memory_space<semaphore_mem>>)
        %dma_wait3A_297 = arith.constant 0 : i32
        %dma_wait3A_298 = arith.constant 0 : i32
        %dma_wait3A_299 = arith.constant 0 : i32
        %dma_wait3A_300 = tpu.memref_slice %arg6[%dma_wait3A_297, %dma_wait3A_298, %dma_wait3A_299] : memref<2x112x128xf32, #tpu.memory_space<vmem>> -> memref<1x48x128xf32, #tpu.memory_space<vmem>>
        %dma_wait3A_301 = tpu.memref_squeeze %dma_wait3A_300 : memref<1x48x128xf32, #tpu.memory_space<vmem>> -> memref<48x128xf32, #tpu.memory_space<vmem>>
        %dma_wait3A_302 = arith.constant 49952 : i32
        %dma_wait3A_303 = arith.constant 0 : i32
        %dma_wait3A_304 = tpu.memref_slice %arg4[%dma_wait3A_302, %dma_wait3A_303] : memref<50000x128xf32, #tpu.memory_space<hbm>> -> memref<48x128xf32, #tpu.memory_space<hbm>>
        %dma_wait3A_305 = arith.constant 49952 : i32
        %dma_wait3A_306 = arith.constant 0 : i32
        %dma_wait3A_307 = tpu.memref_slice %arg4[%dma_wait3A_305, %dma_wait3A_306] : memref<50000x128xf32, #tpu.memory_space<hbm>> -> memref<48x128xf32, #tpu.memory_space<hbm>>
        %dma_wait3A_308 = arith.constant 0 : i32
        %dma_wait3A_309 = arith.constant 0 : i32
        %dma_wait3A_310 = tpu.memref_slice %arg6[%dma_wait3A_297, %dma_wait3A_308, %dma_wait3A_309] : memref<2x112x128xf32, #tpu.memory_space<vmem>> -> memref<1x48x128xf32, #tpu.memory_space<vmem>>
        %dma_wait3A_311 = tpu.memref_squeeze %dma_wait3A_310 : memref<1x48x128xf32, #tpu.memory_space<vmem>> -> memref<48x128xf32, #tpu.memory_space<vmem>>
        tpu.wait_dma2 semaphore(%arg9 : memref<!tpu.dma_semaphore, #tpu.memory_space<semaphore_mem>>) src(%dma_wait3A_311 : memref<48x128xf32, #tpu.memory_space<vmem>>) dst(%dma_wait3A_307 : memref<48x128xf32, #tpu.memory_space<hbm>>)
      } else {
      }
      %add3A_198 = arith.constant 2 : i32
      %add3A_199 = arith.addi %add3A_135, %add3A_198 : i32
      %lt3A = arith.constant 14 : i32
      %lt3A_200 = arith.cmpi slt, %add3A_199, %lt3A : i32
      %convert_element_type3A_201 = arith.extui %lt3A_200 : i1 to i32
      %cond3A_202 = arith.constant 0 : i32
      %cond3A_203 = arith.cmpi ne, %convert_element_type3A_201, %cond3A_202 : i32
      scf.if %cond3A_203 {
        %scan3A_282 = arith.constant 0 : i32
        %scan3A_283 = arith.constant 0 : i32
        %scan3A_284 = arith.constant 112 : i32
        %scan3A_285 = arith.addi %scan3A_283, %scan3A_284 : i32
        %scan3A_286 = arith.constant 1 : i32
        scf.for %scan3A_344 = %scan3A_283 to %scan3A_285 step %scan3A_286  : i32 {
          %swap3A = arith.constant 0 : i32
          %swap3A_345 = arith.index_cast %swap3A : i32 to index
          %swap3A_346 = arith.index_cast %scan3A_344 : i32 to index
          %swap3A_347 = arith.constant 0 : index
          %swap3A_348 = tpu.vector_load %arg6[%swap3A_345, %swap3A_346, %swap3A_347] {strides = array<i32>} : memref<2x112x128xf32, #tpu.memory_space<vmem>>, vector<1x1x16xf32>,
          %swap3A_349 = vector.shape_cast %swap3A_348 : vector<1x1x16xf32> to vector<16xf32>
          %swap3A_350 = vector.shape_cast %broadcast_in_dim3A_5 : vector<16xf32> to vector<1x1x16xf32>
          tpu.vector_store %arg6[%swap3A_345, %swap3A_346, %swap3A_347], %swap3A_350 {strides = array<i32>} : memref<2x112x128xf32, #tpu.memory_space<vmem>>, vector<1x1x16xf32>,
          %swap3A_351 = arith.constant 0 : i32
          %swap3A_352 = arith.index_cast %swap3A_351 : i32 to index
          %swap3A_353 = arith.index_cast %scan3A_344 : i32 to index
          %swap3A_354 = arith.constant 16 : index
          %swap3A_355 = tpu.vector_load %arg6[%swap3A_352, %swap3A_353, %swap3A_354] {strides = array<i32>} : memref<2x112x128xf32, #tpu.memory_space<vmem>>, vector<1x1x16xf32>,
          %swap3A_356 = vector.shape_cast %swap3A_355 : vector<1x1x16xf32> to vector<16xf32>
          %swap3A_357 = vector.shape_cast %broadcast_in_dim3A_5 : vector<16xf32> to vector<1x1x16xf32>
          tpu.vector_store %arg6[%swap3A_352, %swap3A_353, %swap3A_354], %swap3A_357 {strides = array<i32>} : memref<2x112x128xf32, #tpu.memory_space<vmem>>, vector<1x1x16xf32>,
          %swap3A_358 = arith.constant 0 : i32
          %swap3A_359 = arith.index_cast %swap3A_358 : i32 to index
          %swap3A_360 = arith.index_cast %scan3A_344 : i32 to index
          %swap3A_361 = arith.constant 32 : index
          %swap3A_362 = tpu.vector_load %arg6[%swap3A_359, %swap3A_360, %swap3A_361] {strides = array<i32>} : memref<2x112x128xf32, #tpu.memory_space<vmem>>, vector<1x1x16xf32>,
          %swap3A_363 = vector.shape_cast %swap3A_362 : vector<1x1x16xf32> to vector<16xf32>
          %swap3A_364 = vector.shape_cast %broadcast_in_dim3A_5 : vector<16xf32> to vector<1x1x16xf32>
          tpu.vector_store %arg6[%swap3A_359, %swap3A_360, %swap3A_361], %swap3A_364 {strides = array<i32>} : memref<2x112x128xf32, #tpu.memory_space<vmem>>, vector<1x1x16xf32>,
          %swap3A_365 = arith.constant 0 : i32
          %swap3A_366 = arith.index_cast %swap3A_365 : i32 to index
          %swap3A_367 = arith.index_cast %scan3A_344 : i32 to index
          %swap3A_368 = arith.constant 48 : index
          %swap3A_369 = tpu.vector_load %arg6[%swap3A_366, %swap3A_367, %swap3A_368] {strides = array<i32>} : memref<2x112x128xf32, #tpu.memory_space<vmem>>, vector<1x1x16xf32>,
          %swap3A_370 = vector.shape_cast %swap3A_369 : vector<1x1x16xf32> to vector<16xf32>
          %swap3A_371 = vector.shape_cast %broadcast_in_dim3A_5 : vector<16xf32> to vector<1x1x16xf32>
          tpu.vector_store %arg6[%swap3A_366, %swap3A_367, %swap3A_368], %swap3A_371 {strides = array<i32>} : memref<2x112x128xf32, #tpu.memory_space<vmem>>, vector<1x1x16xf32>,
          %swap3A_372 = arith.constant 0 : i32
          %swap3A_373 = arith.index_cast %swap3A_372 : i32 to index
          %swap3A_374 = arith.index_cast %scan3A_344 : i32 to index
          %swap3A_375 = arith.constant 64 : index
          %swap3A_376 = tpu.vector_load %arg6[%swap3A_373, %swap3A_374, %swap3A_375] {strides = array<i32>} : memref<2x112x128xf32, #tpu.memory_space<vmem>>, vector<1x1x16xf32>,
          %swap3A_377 = vector.shape_cast %swap3A_376 : vector<1x1x16xf32> to vector<16xf32>
          %swap3A_378 = vector.shape_cast %broadcast_in_dim3A_5 : vector<16xf32> to vector<1x1x16xf32>
          tpu.vector_store %arg6[%swap3A_373, %swap3A_374, %swap3A_375], %swap3A_378 {strides = array<i32>} : memref<2x112x128xf32, #tpu.memory_space<vmem>>, vector<1x1x16xf32>,
          %swap3A_379 = arith.constant 0 : i32
          %swap3A_380 = arith.index_cast %swap3A_379 : i32 to index
          %swap3A_381 = arith.index_cast %scan3A_344 : i32 to index
          %swap3A_382 = arith.constant 80 : index
          %swap3A_383 = tpu.vector_load %arg6[%swap3A_380, %swap3A_381, %swap3A_382] {strides = array<i32>} : memref<2x112x128xf32, #tpu.memory_space<vmem>>, vector<1x1x16xf32>,
          %swap3A_384 = vector.shape_cast %swap3A_383 : vector<1x1x16xf32> to vector<16xf32>
          %swap3A_385 = vector.shape_cast %broadcast_in_dim3A_5 : vector<16xf32> to vector<1x1x16xf32>
          tpu.vector_store %arg6[%swap3A_380, %swap3A_381, %swap3A_382], %swap3A_385 {strides = array<i32>} : memref<2x112x128xf32, #tpu.memory_space<vmem>>, vector<1x1x16xf32>,
          %swap3A_386 = arith.constant 0 : i32
          %swap3A_387 = arith.index_cast %swap3A_386 : i32 to index
          %swap3A_388 = arith.index_cast %scan3A_344 : i32 to index
          %swap3A_389 = arith.constant 96 : index
          %swap3A_390 = tpu.vector_load %arg6[%swap3A_387, %swap3A_388, %swap3A_389] {strides = array<i32>} : memref<2x112x128xf32, #tpu.memory_space<vmem>>, vector<1x1x16xf32>,
          %swap3A_391 = vector.shape_cast %swap3A_390 : vector<1x1x16xf32> to vector<16xf32>
          %swap3A_392 = vector.shape_cast %broadcast_in_dim3A_5 : vector<16xf32> to vector<1x1x16xf32>
          tpu.vector_store %arg6[%swap3A_387, %swap3A_388, %swap3A_389], %swap3A_392 {strides = array<i32>} : memref<2x112x128xf32, #tpu.memory_space<vmem>>, vector<1x1x16xf32>,
          %swap3A_393 = arith.constant 0 : i32
          %swap3A_394 = arith.index_cast %swap3A_393 : i32 to index
          %swap3A_395 = arith.index_cast %scan3A_344 : i32 to index
          %swap3A_396 = arith.constant 112 : index
          %swap3A_397 = tpu.vector_load %arg6[%swap3A_394, %swap3A_395, %swap3A_396] {strides = array<i32>} : memref<2x112x128xf32, #tpu.memory_space<vmem>>, vector<1x1x16xf32>,
          %swap3A_398 = vector.shape_cast %swap3A_397 : vector<1x1x16xf32> to vector<16xf32>
          %swap3A_399 = vector.shape_cast %broadcast_in_dim3A_5 : vector<16xf32> to vector<1x1x16xf32>
          tpu.vector_store %arg6[%swap3A_394, %swap3A_395, %swap3A_396], %swap3A_399 {strides = array<i32>} : memref<2x112x128xf32, #tpu.memory_space<vmem>>, vector<1x1x16xf32>,
        }
        %scan3A_287 = arith.constant 112 : i32
        %add3A_288 = arith.constant 2 : i32
        %add3A_289 = arith.addi %add3A_135, %add3A_288 : i32
        %add3A_290 = arith.addi %mul3A_2, %add3A_289 : i32
        %run_scoped3A_291 = arith.constant 0 : i32
        "tpu.region"() ({
          %run_scoped3A_344 = tpu.sem_alloc : memref<!tpu.dma_semaphore, #tpu.memory_space<semaphore_mem>>
          %dma_start3A_345 = arith.constant 0 : i32
          %dma_start3A_346 = arith.constant 0 : i32
          %dma_start3A_347 = tpu.memref_slice %arg5[%run_scoped3A_291, %dma_start3A_345, %dma_start3A_346] : memref<2x4x112xi32, #tpu.memory_space<vmem>> -> memref<1x4x112xi32, #tpu.memory_space<vmem>>
          %dma_start3A_348 = tpu.memref_squeeze %dma_start3A_347 : memref<1x4x112xi32, #tpu.memory_space<vmem>> -> memref<4x112xi32, #tpu.memory_space<vmem>>
          %dma_start3A_349 = arith.constant 0 : i32
          %dma_start3A_350 = arith.constant 0 : i32
          %dma_start3A_351 = tpu.memref_slice %arg3[%add3A_290, %dma_start3A_349, %dma_start3A_350] : memref<448x4x112xi32, #tpu.memory_space<hbm>> -> memref<1x4x112xi32, #tpu.memory_space<hbm>>
          %dma_start3A_352 = tpu.memref_squeeze %dma_start3A_351 : memref<1x4x112xi32, #tpu.memory_space<hbm>> -> memref<4x112xi32, #tpu.memory_space<hbm>>
          %dma_start3A_353 = arith.constant 0 : i32
          %dma_start3A_354 = arith.constant 0 : i32
          %dma_start3A_355 = tpu.memref_slice %arg5[%run_scoped3A_291, %dma_start3A_353, %dma_start3A_354] : memref<2x4x112xi32, #tpu.memory_space<vmem>> -> memref<1x4x112xi32, #tpu.memory_space<vmem>>
          %dma_start3A_356 = tpu.memref_squeeze %dma_start3A_355 : memref<1x4x112xi32, #tpu.memory_space<vmem>> -> memref<4x112xi32, #tpu.memory_space<vmem>>
          %dma_start3A_357 = arith.constant 0 : i32
          %dma_start3A_358 = arith.constant 0 : i32
          %dma_start3A_359 = tpu.memref_slice %arg3[%add3A_290, %dma_start3A_357, %dma_start3A_358] : memref<448x4x112xi32, #tpu.memory_space<hbm>> -> memref<1x4x112xi32, #tpu.memory_space<hbm>>
          %dma_start3A_360 = tpu.memref_squeeze %dma_start3A_359 : memref<1x4x112xi32, #tpu.memory_space<hbm>> -> memref<4x112xi32, #tpu.memory_space<hbm>>
          tpu.enqueue_dma source(%dma_start3A_360 : memref<4x112xi32, #tpu.memory_space<hbm>>) target(%dma_start3A_356 : memref<4x112xi32, #tpu.memory_space<vmem>>) target_semaphore(%run_scoped3A_344 : memref<!tpu.dma_semaphore, #tpu.memory_space<semaphore_mem>>)
          %dma_wait3A_361 = arith.constant 0 : i32
          %dma_wait3A_362 = arith.constant 0 : i32
          %dma_wait3A_363 = tpu.memref_slice %arg5[%run_scoped3A_291, %dma_wait3A_361, %dma_wait3A_362] : memref<2x4x112xi32, #tpu.memory_space<vmem>> -> memref<1x4x112xi32, #tpu.memory_space<vmem>>
          %dma_wait3A_364 = tpu.memref_squeeze %dma_wait3A_363 : memref<1x4x112xi32, #tpu.memory_space<vmem>> -> memref<4x112xi32, #tpu.memory_space<vmem>>
          %dma_wait3A_365 = arith.constant 0 : i32
          %dma_wait3A_366 = arith.constant 0 : i32
          %dma_wait3A_367 = tpu.memref_slice %arg3[%add3A_290, %dma_wait3A_365, %dma_wait3A_366] : memref<448x4x112xi32, #tpu.memory_space<hbm>> -> memref<1x4x112xi32, #tpu.memory_space<hbm>>
          %dma_wait3A_368 = tpu.memref_squeeze %dma_wait3A_367 : memref<1x4x112xi32, #tpu.memory_space<hbm>> -> memref<4x112xi32, #tpu.memory_space<hbm>>
          %dma_wait3A_369 = arith.constant 0 : i32
          %dma_wait3A_370 = arith.constant 0 : i32
          %dma_wait3A_371 = tpu.memref_slice %arg5[%run_scoped3A_291, %dma_wait3A_369, %dma_wait3A_370] : memref<2x4x112xi32, #tpu.memory_space<vmem>> -> memref<1x4x112xi32, #tpu.memory_space<vmem>>
          %dma_wait3A_372 = tpu.memref_squeeze %dma_wait3A_371 : memref<1x4x112xi32, #tpu.memory_space<vmem>> -> memref<4x112xi32, #tpu.memory_space<vmem>>
          %dma_wait3A_373 = arith.constant 0 : i32
          %dma_wait3A_374 = arith.constant 0 : i32
          %dma_wait3A_375 = tpu.memref_slice %arg3[%add3A_290, %dma_wait3A_373, %dma_wait3A_374] : memref<448x4x112xi32, #tpu.memory_space<hbm>> -> memref<1x4x112xi32, #tpu.memory_space<hbm>>
          %dma_wait3A_376 = tpu.memref_squeeze %dma_wait3A_375 : memref<1x4x112xi32, #tpu.memory_space<hbm>> -> memref<4x112xi32, #tpu.memory_space<hbm>>
          tpu.wait_dma2 semaphore(%run_scoped3A_344 : memref<!tpu.dma_semaphore, #tpu.memory_space<semaphore_mem>>) src(%dma_wait3A_376 : memref<4x112xi32, #tpu.memory_space<hbm>>) dst(%dma_wait3A_372 : memref<4x112xi32, #tpu.memory_space<vmem>>)
          tpu.yield
        }) : () -> ()
        %dma_start3A_292 = arith.constant 0 : i32
        %dma_start3A_293 = arith.constant 0 : i32
        %dma_start3A_294 = arith.constant 0 : i32
        %dma_start3A_295 = arith.constant 0 : i32
        %dma_start3A_296 = arith.constant 0 : i32
        %dma_start3A_297 = tpu.memref_slice %arg6[%dma_start3A_294, %dma_start3A_295, %dma_start3A_296] : memref<2x112x128xf32, #tpu.memory_space<vmem>> -> memref<1x112x128xf32, #tpu.memory_space<vmem>>
        %dma_start3A_298 = tpu.memref_squeeze %dma_start3A_297 : memref<1x112x128xf32, #tpu.memory_space<vmem>> -> memref<112x128xf32, #tpu.memory_space<vmem>>
        %dma_start3A_299 = arith.constant 0 : i32
        %dma_start3A_300 = tpu.memref_slice %arg5[%dma_start3A_292, %dma_start3A_293, %dma_start3A_299] : memref<2x4x112xi32, #tpu.memory_space<vmem>> -> memref<1x1x112xi32, #tpu.memory_space<vmem>>
        %dma_start3A_301 = tpu.memref_squeeze %dma_start3A_300 : memref<1x1x112xi32, #tpu.memory_space<vmem>> -> memref<112xi32, #tpu.memory_space<vmem>>
        %dma_start3A_302 = arith.constant 0 : i32
        %dma_start3A_303 = arith.constant 0 : i32
        %dma_start3A_304 = tpu.memref_slice %arg2[%dma_start3A_302, %dma_start3A_303] : memref<200000x128xf32, #tpu.memory_space<hbm>> -> memref<200000x128xf32, #tpu.memory_space<hbm>>
        tpu.enqueue_indirect_dma source(%dma_start3A_304 : memref<200000x128xf32, #tpu.memory_space<hbm>>) target(%dma_start3A_298 : memref<112x128xf32, #tpu.memory_space<vmem>>) offsets(%dma_start3A_301 : memref<112xi32, #tpu.memory_space<vmem>>) semaphore(%arg7 : memref<!tpu.dma_semaphore, #tpu.memory_space<semaphore_mem>>) {add = true}
        %dma_start3A_305 = arith.constant 0 : i32
        %dma_start3A_306 = arith.constant 1 : i32
        %dma_start3A_307 = arith.constant 0 : i32
        %dma_start3A_308 = arith.constant 0 : i32
        %dma_start3A_309 = arith.constant 0 : i32
        %dma_start3A_310 = tpu.memref_slice %arg6[%dma_start3A_307, %dma_start3A_308, %dma_start3A_309] : memref<2x112x128xf32, #tpu.memory_space<vmem>> -> memref<1x112x128xf32, #tpu.memory_space<vmem>>
        %dma_start3A_311 = tpu.memref_squeeze %dma_start3A_310 : memref<1x112x128xf32, #tpu.memory_space<vmem>> -> memref<112x128xf32, #tpu.memory_space<vmem>>
        %dma_start3A_312 = arith.constant 0 : i32
        %dma_start3A_313 = tpu.memref_slice %arg5[%dma_start3A_305, %dma_start3A_306, %dma_start3A_312] : memref<2x4x112xi32, #tpu.memory_space<vmem>> -> memref<1x1x112xi32, #tpu.memory_space<vmem>>
        %dma_start3A_314 = tpu.memref_squeeze %dma_start3A_313 : memref<1x1x112xi32, #tpu.memory_space<vmem>> -> memref<112xi32, #tpu.memory_space<vmem>>
        %dma_start3A_315 = arith.constant 0 : i32
        %dma_start3A_316 = arith.constant 0 : i32
        %dma_start3A_317 = tpu.memref_slice %arg2[%dma_start3A_315, %dma_start3A_316] : memref<200000x128xf32, #tpu.memory_space<hbm>> -> memref<200000x128xf32, #tpu.memory_space<hbm>>
        tpu.enqueue_indirect_dma source(%dma_start3A_317 : memref<200000x128xf32, #tpu.memory_space<hbm>>) target(%dma_start3A_311 : memref<112x128xf32, #tpu.memory_space<vmem>>) offsets(%dma_start3A_314 : memref<112xi32, #tpu.memory_space<vmem>>) semaphore(%arg7 : memref<!tpu.dma_semaphore, #tpu.memory_space<semaphore_mem>>) {add = true}
        %dma_start3A_318 = arith.constant 0 : i32
        %dma_start3A_319 = arith.constant 2 : i32
        %dma_start3A_320 = arith.constant 0 : i32
        %dma_start3A_321 = arith.constant 0 : i32
        %dma_start3A_322 = arith.constant 0 : i32
        %dma_start3A_323 = tpu.memref_slice %arg6[%dma_start3A_320, %dma_start3A_321, %dma_start3A_322] : memref<2x112x128xf32, #tpu.memory_space<vmem>> -> memref<1x112x128xf32, #tpu.memory_space<vmem>>
        %dma_start3A_324 = tpu.memref_squeeze %dma_start3A_323 : memref<1x112x128xf32, #tpu.memory_space<vmem>> -> memref<112x128xf32, #tpu.memory_space<vmem>>
        %dma_start3A_325 = arith.constant 0 : i32
        %dma_start3A_326 = tpu.memref_slice %arg5[%dma_start3A_318, %dma_start3A_319, %dma_start3A_325] : memref<2x4x112xi32, #tpu.memory_space<vmem>> -> memref<1x1x112xi32, #tpu.memory_space<vmem>>
        %dma_start3A_327 = tpu.memref_squeeze %dma_start3A_326 : memref<1x1x112xi32, #tpu.memory_space<vmem>> -> memref<112xi32, #tpu.memory_space<vmem>>
        %dma_start3A_328 = arith.constant 0 : i32
        %dma_start3A_329 = arith.constant 0 : i32
        %dma_start3A_330 = tpu.memref_slice %arg2[%dma_start3A_328, %dma_start3A_329] : memref<200000x128xf32, #tpu.memory_space<hbm>> -> memref<200000x128xf32, #tpu.memory_space<hbm>>
        tpu.enqueue_indirect_dma source(%dma_start3A_330 : memref<200000x128xf32, #tpu.memory_space<hbm>>) target(%dma_start3A_324 : memref<112x128xf32, #tpu.memory_space<vmem>>) offsets(%dma_start3A_327 : memref<112xi32, #tpu.memory_space<vmem>>) semaphore(%arg7 : memref<!tpu.dma_semaphore, #tpu.memory_space<semaphore_mem>>) {add = true}
        %dma_start3A_331 = arith.constant 0 : i32
        %dma_start3A_332 = arith.constant 3 : i32
        %dma_start3A_333 = arith.constant 0 : i32
        %dma_start3A_334 = arith.constant 0 : i32
        %dma_start3A_335 = arith.constant 0 : i32
        %dma_start3A_336 = tpu.memref_slice %arg6[%dma_start3A_333, %dma_start3A_334, %dma_start3A_335] : memref<2x112x128xf32, #tpu.memory_space<vmem>> -> memref<1x112x128xf32, #tpu.memory_space<vmem>>
        %dma_start3A_337 = tpu.memref_squeeze %dma_start3A_336 : memref<1x112x128xf32, #tpu.memory_space<vmem>> -> memref<112x128xf32, #tpu.memory_space<vmem>>
        %dma_start3A_338 = arith.constant 0 : i32
        %dma_start3A_339 = tpu.memref_slice %arg5[%dma_start3A_331, %dma_start3A_332, %dma_start3A_338] : memref<2x4x112xi32, #tpu.memory_space<vmem>> -> memref<1x1x112xi32, #tpu.memory_space<vmem>>
        %dma_start3A_340 = tpu.memref_squeeze %dma_start3A_339 : memref<1x1x112xi32, #tpu.memory_space<vmem>> -> memref<112xi32, #tpu.memory_space<vmem>>
        %dma_start3A_341 = arith.constant 0 : i32
        %dma_start3A_342 = arith.constant 0 : i32
        %dma_start3A_343 = tpu.memref_slice %arg2[%dma_start3A_341, %dma_start3A_342] : memref<200000x128xf32, #tpu.memory_space<hbm>> -> memref<200000x128xf32, #tpu.memory_space<hbm>>
        tpu.enqueue_indirect_dma source(%dma_start3A_343 : memref<200000x128xf32, #tpu.memory_space<hbm>>) target(%dma_start3A_337 : memref<112x128xf32, #tpu.memory_space<vmem>>) offsets(%dma_start3A_340 : memref<112xi32, #tpu.memory_space<vmem>>) semaphore(%arg7 : memref<!tpu.dma_semaphore, #tpu.memory_space<semaphore_mem>>) {add = true}
      } else {
      }
      %mul3A_204 = arith.constant 2 : i32
      %mul3A_205 = arith.muli %mul3A_204, %scan3A_131 : i32
      %add3A_206 = arith.constant 1 : i32
      %add3A_207 = arith.addi %mul3A_205, %add3A_206 : i32
      %dma_wait3A_208 = arith.constant 1 : i32
      %dma_wait3A_209 = arith.constant 0 : i32
      %dma_wait3A_210 = arith.constant 1 : i32
      %dma_wait3A_211 = arith.constant 0 : i32
      %dma_wait3A_212 = arith.constant 0 : i32
      %dma_wait3A_213 = tpu.memref_slice %arg6[%dma_wait3A_210, %dma_wait3A_211, %dma_wait3A_212] : memref<2x112x128xf32, #tpu.memory_space<vmem>> -> memref<1x112x128xf32, #tpu.memory_space<vmem>>
      %dma_wait3A_214 = tpu.memref_squeeze %dma_wait3A_213 : memref<1x112x128xf32, #tpu.memory_space<vmem>> -> memref<112x128xf32, #tpu.memory_space<vmem>>
      %dma_wait3A_215 = arith.constant 0 : i32
      %dma_wait3A_216 = tpu.memref_slice %arg5[%dma_wait3A_208, %dma_wait3A_209, %dma_wait3A_215] : memref<2x4x112xi32, #tpu.memory_space<vmem>> -> memref<1x1x112xi32, #tpu.memory_space<vmem>>
      %dma_wait3A_217 = tpu.memref_squeeze %dma_wait3A_216 : memref<1x1x112xi32, #tpu.memory_space<vmem>> -> memref<112xi32, #tpu.memory_space<vmem>>
      %dma_wait3A_218 = arith.constant 0 : i32
      %dma_wait3A_219 = arith.constant 0 : i32
      %dma_wait3A_220 = tpu.memref_slice %arg2[%dma_wait3A_218, %dma_wait3A_219] : memref<200000x128xf32, #tpu.memory_space<hbm>> -> memref<200000x128xf32, #tpu.memory_space<hbm>>
      tpu.wait_indirect_dma semaphore(%arg8 : memref<!tpu.dma_semaphore, #tpu.memory_space<semaphore_mem>>) src(%dma_wait3A_220 : memref<200000x128xf32, #tpu.memory_space<hbm>>) dst(%dma_wait3A_214 : memref<112x128xf32, #tpu.memory_space<vmem>>)
      %dma_wait3A_221 = arith.constant 1 : i32
      %dma_wait3A_222 = arith.constant 1 : i32
      %dma_wait3A_223 = arith.constant 1 : i32
      %dma_wait3A_224 = arith.constant 0 : i32
      %dma_wait3A_225 = arith.constant 0 : i32
      %dma_wait3A_226 = tpu.memref_slice %arg6[%dma_wait3A_223, %dma_wait3A_224, %dma_wait3A_225] : memref<2x112x128xf32, #tpu.memory_space<vmem>> -> memref<1x112x128xf32, #tpu.memory_space<vmem>>
      %dma_wait3A_227 = tpu.memref_squeeze %dma_wait3A_226 : memref<1x112x128xf32, #tpu.memory_space<vmem>> -> memref<112x128xf32, #tpu.memory_space<vmem>>
      %dma_wait3A_228 = arith.constant 0 : i32
      %dma_wait3A_229 = tpu.memref_slice %arg5[%dma_wait3A_221, %dma_wait3A_222, %dma_wait3A_228] : memref<2x4x112xi32, #tpu.memory_space<vmem>> -> memref<1x1x112xi32, #tpu.memory_space<vmem>>
      %dma_wait3A_230 = tpu.memref_squeeze %dma_wait3A_229 : memref<1x1x112xi32, #tpu.memory_space<vmem>> -> memref<112xi32, #tpu.memory_space<vmem>>
      %dma_wait3A_231 = arith.constant 0 : i32
      %dma_wait3A_232 = arith.constant 0 : i32
      %dma_wait3A_233 = tpu.memref_slice %arg2[%dma_wait3A_231, %dma_wait3A_232] : memref<200000x128xf32, #tpu.memory_space<hbm>> -> memref<200000x128xf32, #tpu.memory_space<hbm>>
      tpu.wait_indirect_dma semaphore(%arg8 : memref<!tpu.dma_semaphore, #tpu.memory_space<semaphore_mem>>) src(%dma_wait3A_233 : memref<200000x128xf32, #tpu.memory_space<hbm>>) dst(%dma_wait3A_227 : memref<112x128xf32, #tpu.memory_space<vmem>>)
      %dma_wait3A_234 = arith.constant 1 : i32
      %dma_wait3A_235 = arith.constant 2 : i32
      %dma_wait3A_236 = arith.constant 1 : i32
      %dma_wait3A_237 = arith.constant 0 : i32
      %dma_wait3A_238 = arith.constant 0 : i32
      %dma_wait3A_239 = tpu.memref_slice %arg6[%dma_wait3A_236, %dma_wait3A_237, %dma_wait3A_238] : memref<2x112x128xf32, #tpu.memory_space<vmem>> -> memref<1x112x128xf32, #tpu.memory_space<vmem>>
      %dma_wait3A_240 = tpu.memref_squeeze %dma_wait3A_239 : memref<1x112x128xf32, #tpu.memory_space<vmem>> -> memref<112x128xf32, #tpu.memory_space<vmem>>
      %dma_wait3A_241 = arith.constant 0 : i32
      %dma_wait3A_242 = tpu.memref_slice %arg5[%dma_wait3A_234, %dma_wait3A_235, %dma_wait3A_241] : memref<2x4x112xi32, #tpu.memory_space<vmem>> -> memref<1x1x112xi32, #tpu.memory_space<vmem>>
      %dma_wait3A_243 = tpu.memref_squeeze %dma_wait3A_242 : memref<1x1x112xi32, #tpu.memory_space<vmem>> -> memref<112xi32, #tpu.memory_space<vmem>>
      %dma_wait3A_244 = arith.constant 0 : i32
      %dma_wait3A_245 = arith.constant 0 : i32
      %dma_wait3A_246 = tpu.memref_slice %arg2[%dma_wait3A_244, %dma_wait3A_245] : memref<200000x128xf32, #tpu.memory_space<hbm>> -> memref<200000x128xf32, #tpu.memory_space<hbm>>
      tpu.wait_indirect_dma semaphore(%arg8 : memref<!tpu.dma_semaphore, #tpu.memory_space<semaphore_mem>>) src(%dma_wait3A_246 : memref<200000x128xf32, #tpu.memory_space<hbm>>) dst(%dma_wait3A_240 : memref<112x128xf32, #tpu.memory_space<vmem>>)
      %dma_wait3A_247 = arith.constant 1 : i32
      %dma_wait3A_248 = arith.constant 3 : i32
      %dma_wait3A_249 = arith.constant 1 : i32
      %dma_wait3A_250 = arith.constant 0 : i32
      %dma_wait3A_251 = arith.constant 0 : i32
      %dma_wait3A_252 = tpu.memref_slice %arg6[%dma_wait3A_249, %dma_wait3A_250, %dma_wait3A_251] : memref<2x112x128xf32, #tpu.memory_space<vmem>> -> memref<1x112x128xf32, #tpu.memory_space<vmem>>
      %dma_wait3A_253 = tpu.memref_squeeze %dma_wait3A_252 : memref<1x112x128xf32, #tpu.memory_space<vmem>> -> memref<112x128xf32, #tpu.memory_space<vmem>>
      %dma_wait3A_254 = arith.constant 0 : i32
      %dma_wait3A_255 = tpu.memref_slice %arg5[%dma_wait3A_247, %dma_wait3A_248, %dma_wait3A_254] : memref<2x4x112xi32, #tpu.memory_space<vmem>> -> memref<1x1x112xi32, #tpu.memory_space<vmem>>
      %dma_wait3A_256 = tpu.memref_squeeze %dma_wait3A_255 : memref<1x1x112xi32, #tpu.memory_space<vmem>> -> memref<112xi32, #tpu.memory_space<vmem>>
      %dma_wait3A_257 = arith.constant 0 : i32
      %dma_wait3A_258 = arith.constant 0 : i32
      %dma_wait3A_259 = tpu.memref_slice %arg2[%dma_wait3A_257, %dma_wait3A_258] : memref<200000x128xf32, #tpu.memory_space<hbm>> -> memref<200000x128xf32, #tpu.memory_space<hbm>>
      tpu.wait_indirect_dma semaphore(%arg8 : memref<!tpu.dma_semaphore, #tpu.memory_space<semaphore_mem>>) src(%dma_wait3A_259 : memref<200000x128xf32, #tpu.memory_space<hbm>>) dst(%dma_wait3A_253 : memref<112x128xf32, #tpu.memory_space<vmem>>)
      %mul3A_260 = arith.constant 112 : i32
      %mul3A_261 = arith.muli %add3A_207, %mul3A_260 : i32
      %add3A_262 = arith.addi %mul3A_4, %mul3A_261 : i32
      %add3A_263 = arith.constant 112 : i32
      %add3A_264 = arith.addi %add3A_262, %add3A_263 : i32
      %le3A_265 = arith.constant 50000 : i32
      %le3A_266 = arith.cmpi sle, %add3A_264, %le3A_265 : i32
      %convert_element_type3A_267 = arith.extui %le3A_266 : i1 to i32
      %cond3A_268 = arith.constant 0 : i32
      %cond3A_269 = arith.cmpi ne, %convert_element_type3A_267, %cond3A_268 : i32
      scf.if %cond3A_269 {
        %dma_start3A_282 = arith.constant 1 : i32
        %dma_start3A_283 = arith.constant 0 : i32
        %dma_start3A_284 = arith.constant 0 : i32
        %dma_start3A_285 = tpu.memref_slice %arg6[%dma_start3A_282, %dma_start3A_283, %dma_start3A_284] : memref<2x112x128xf32, #tpu.memory_space<vmem>> -> memref<1x112x128xf32, #tpu.memory_space<vmem>>
        %dma_start3A_286 = tpu.memref_squeeze %dma_start3A_285 : memref<1x112x128xf32, #tpu.memory_space<vmem>> -> memref<112x128xf32, #tpu.memory_space<vmem>>
        %dma_start3A_287 = arith.constant 0 : i32
        %dma_start3A_288 = tpu.memref_slice %arg4[%add3A_262, %dma_start3A_287] : memref<50000x128xf32, #tpu.memory_space<hbm>> -> memref<112x128xf32, #tpu.memory_space<hbm>>
        %dma_start3A_289 = arith.constant 0 : i32
        %dma_start3A_290 = tpu.memref_slice %arg4[%add3A_262, %dma_start3A_289] : memref<50000x128xf32, #tpu.memory_space<hbm>> -> memref<112x128xf32, #tpu.memory_space<hbm>>
        %dma_start3A_291 = arith.constant 0 : i32
        %dma_start3A_292 = arith.constant 0 : i32
        %dma_start3A_293 = tpu.memref_slice %arg6[%dma_start3A_282, %dma_start3A_291, %dma_start3A_292] : memref<2x112x128xf32, #tpu.memory_space<vmem>> -> memref<1x112x128xf32, #tpu.memory_space<vmem>>
        %dma_start3A_294 = tpu.memref_squeeze %dma_start3A_293 : memref<1x112x128xf32, #tpu.memory_space<vmem>> -> memref<112x128xf32, #tpu.memory_space<vmem>>
        tpu.enqueue_dma source(%dma_start3A_294 : memref<112x128xf32, #tpu.memory_space<vmem>>) target(%dma_start3A_290 : memref<112x128xf32, #tpu.memory_space<hbm>>) target_semaphore(%arg10 : memref<!tpu.dma_semaphore, #tpu.memory_space<semaphore_mem>>)
        %dma_wait3A_295 = arith.constant 1 : i32
        %dma_wait3A_296 = arith.constant 0 : i32
        %dma_wait3A_297 = arith.constant 0 : i32
        %dma_wait3A_298 = tpu.memref_slice %arg6[%dma_wait3A_295, %dma_wait3A_296, %dma_wait3A_297] : memref<2x112x128xf32, #tpu.memory_space<vmem>> -> memref<1x112x128xf32, #tpu.memory_space<vmem>>
        %dma_wait3A_299 = tpu.memref_squeeze %dma_wait3A_298 : memref<1x112x128xf32, #tpu.memory_space<vmem>> -> memref<112x128xf32, #tpu.memory_space<vmem>>
        %dma_wait3A_300 = arith.constant 0 : i32
        %dma_wait3A_301 = tpu.memref_slice %arg4[%add3A_262, %dma_wait3A_300] : memref<50000x128xf32, #tpu.memory_space<hbm>> -> memref<112x128xf32, #tpu.memory_space<hbm>>
        %dma_wait3A_302 = arith.constant 0 : i32
        %dma_wait3A_303 = tpu.memref_slice %arg4[%add3A_262, %dma_wait3A_302] : memref<50000x128xf32, #tpu.memory_space<hbm>> -> memref<112x128xf32, #tpu.memory_space<hbm>>
        %dma_wait3A_304 = arith.constant 0 : i32
        %dma_wait3A_305 = arith.constant 0 : i32
        %dma_wait3A_306 = tpu.memref_slice %arg6[%dma_wait3A_295, %dma_wait3A_304, %dma_wait3A_305] : memref<2x112x128xf32, #tpu.memory_space<vmem>> -> memref<1x112x128xf32, #tpu.memory_space<vmem>>
        %dma_wait3A_307 = tpu.memref_squeeze %dma_wait3A_306 : memref<1x112x128xf32, #tpu.memory_space<vmem>> -> memref<112x128xf32, #tpu.memory_space<vmem>>
        tpu.wait_dma2 semaphore(%arg10 : memref<!tpu.dma_semaphore, #tpu.memory_space<semaphore_mem>>) src(%dma_wait3A_307 : memref<112x128xf32, #tpu.memory_space<vmem>>) dst(%dma_wait3A_303 : memref<112x128xf32, #tpu.memory_space<hbm>>)
      } else {
      }
      %eq3A_270 = arith.constant 49952 : i32
      %eq3A_271 = arith.cmpi eq, %add3A_262, %eq3A_270 : i32
      %convert_element_type3A_272 = arith.extui %eq3A_271 : i1 to i32
      %cond3A_273 = arith.constant 0 : i32
      %cond3A_274 = arith.cmpi ne, %convert_element_type3A_272, %cond3A_273 : i32
      scf.if %cond3A_274 {
        %dma_start3A_282 = arith.constant 1 : i32
        %dma_start3A_283 = arith.constant 0 : i32
        %dma_start3A_284 = arith.constant 0 : i32
        %dma_start3A_285 = tpu.memref_slice %arg6[%dma_start3A_282, %dma_start3A_283, %dma_start3A_284] : memref<2x112x128xf32, #tpu.memory_space<vmem>> -> memref<1x48x128xf32, #tpu.memory_space<vmem>>
        %dma_start3A_286 = tpu.memref_squeeze %dma_start3A_285 : memref<1x48x128xf32, #tpu.memory_space<vmem>> -> memref<48x128xf32, #tpu.memory_space<vmem>>
        %dma_start3A_287 = arith.constant 49952 : i32
        %dma_start3A_288 = arith.constant 0 : i32
        %dma_start3A_289 = tpu.memref_slice %arg4[%dma_start3A_287, %dma_start3A_288] : memref<50000x128xf32, #tpu.memory_space<hbm>> -> memref<48x128xf32, #tpu.memory_space<hbm>>
        %dma_start3A_290 = arith.constant 49952 : i32
        %dma_start3A_291 = arith.constant 0 : i32
        %dma_start3A_292 = tpu.memref_slice %arg4[%dma_start3A_290, %dma_start3A_291] : memref<50000x128xf32, #tpu.memory_space<hbm>> -> memref<48x128xf32, #tpu.memory_space<hbm>>
        %dma_start3A_293 = arith.constant 0 : i32
        %dma_start3A_294 = arith.constant 0 : i32
        %dma_start3A_295 = tpu.memref_slice %arg6[%dma_start3A_282, %dma_start3A_293, %dma_start3A_294] : memref<2x112x128xf32, #tpu.memory_space<vmem>> -> memref<1x48x128xf32, #tpu.memory_space<vmem>>
        %dma_start3A_296 = tpu.memref_squeeze %dma_start3A_295 : memref<1x48x128xf32, #tpu.memory_space<vmem>> -> memref<48x128xf32, #tpu.memory_space<vmem>>
        tpu.enqueue_dma source(%dma_start3A_296 : memref<48x128xf32, #tpu.memory_space<vmem>>) target(%dma_start3A_292 : memref<48x128xf32, #tpu.memory_space<hbm>>) target_semaphore(%arg10 : memref<!tpu.dma_semaphore, #tpu.memory_space<semaphore_mem>>)
        %dma_wait3A_297 = arith.constant 1 : i32
        %dma_wait3A_298 = arith.constant 0 : i32
        %dma_wait3A_299 = arith.constant 0 : i32
        %dma_wait3A_300 = tpu.memref_slice %arg6[%dma_wait3A_297, %dma_wait3A_298, %dma_wait3A_299] : memref<2x112x128xf32, #tpu.memory_space<vmem>> -> memref<1x48x128xf32, #tpu.memory_space<vmem>>
        %dma_wait3A_301 = tpu.memref_squeeze %dma_wait3A_300 : memref<1x48x128xf32, #tpu.memory_space<vmem>> -> memref<48x128xf32, #tpu.memory_space<vmem>>
        %dma_wait3A_302 = arith.constant 49952 : i32
        %dma_wait3A_303 = arith.constant 0 : i32
        %dma_wait3A_304 = tpu.memref_slice %arg4[%dma_wait3A_302, %dma_wait3A_303] : memref<50000x128xf32, #tpu.memory_space<hbm>> -> memref<48x128xf32, #tpu.memory_space<hbm>>
        %dma_wait3A_305 = arith.constant 49952 : i32
        %dma_wait3A_306 = arith.constant 0 : i32
        %dma_wait3A_307 = tpu.memref_slice %arg4[%dma_wait3A_305, %dma_wait3A_306] : memref<50000x128xf32, #tpu.memory_space<hbm>> -> memref<48x128xf32, #tpu.memory_space<hbm>>
        %dma_wait3A_308 = arith.constant 0 : i32
        %dma_wait3A_309 = arith.constant 0 : i32
        %dma_wait3A_310 = tpu.memref_slice %arg6[%dma_wait3A_297, %dma_wait3A_308, %dma_wait3A_309] : memref<2x112x128xf32, #tpu.memory_space<vmem>> -> memref<1x48x128xf32, #tpu.memory_space<vmem>>
        %dma_wait3A_311 = tpu.memref_squeeze %dma_wait3A_310 : memref<1x48x128xf32, #tpu.memory_space<vmem>> -> memref<48x128xf32, #tpu.memory_space<vmem>>
        tpu.wait_dma2 semaphore(%arg10 : memref<!tpu.dma_semaphore, #tpu.memory_space<semaphore_mem>>) src(%dma_wait3A_311 : memref<48x128xf32, #tpu.memory_space<vmem>>) dst(%dma_wait3A_307 : memref<48x128xf32, #tpu.memory_space<hbm>>)
      } else {
      }
      %add3A_275 = arith.constant 2 : i32
      %add3A_276 = arith.addi %add3A_207, %add3A_275 : i32
      %lt3A_277 = arith.constant 14 : i32
      %lt3A_278 = arith.cmpi slt, %add3A_276, %lt3A_277 : i32
      %convert_element_type3A_279 = arith.extui %lt3A_278 : i1 to i32
      %cond3A_280 = arith.constant 0 : i32
      %cond3A_281 = arith.cmpi ne, %convert_element_type3A_279, %cond3A_280 : i32
      scf.if %cond3A_281 {
        %scan3A_282 = arith.constant 0 : i32
        %scan3A_283 = arith.constant 0 : i32
        %scan3A_284 = arith.constant 112 : i32
        %scan3A_285 = arith.addi %scan3A_283, %scan3A_284 : i32
        %scan3A_286 = arith.constant 1 : i32
        scf.for %scan3A_344 = %scan3A_283 to %scan3A_285 step %scan3A_286  : i32 {
          %swap3A = arith.constant 1 : i32
          %swap3A_345 = arith.index_cast %swap3A : i32 to index
          %swap3A_346 = arith.index_cast %scan3A_344 : i32 to index
          %swap3A_347 = arith.constant 0 : index
          %swap3A_348 = tpu.vector_load %arg6[%swap3A_345, %swap3A_346, %swap3A_347] {strides = array<i32>} : memref<2x112x128xf32, #tpu.memory_space<vmem>>, vector<1x1x16xf32>,
          %swap3A_349 = vector.shape_cast %swap3A_348 : vector<1x1x16xf32> to vector<16xf32>
          %swap3A_350 = vector.shape_cast %broadcast_in_dim3A_5 : vector<16xf32> to vector<1x1x16xf32>
          tpu.vector_store %arg6[%swap3A_345, %swap3A_346, %swap3A_347], %swap3A_350 {strides = array<i32>} : memref<2x112x128xf32, #tpu.memory_space<vmem>>, vector<1x1x16xf32>,
          %swap3A_351 = arith.constant 1 : i32
          %swap3A_352 = arith.index_cast %swap3A_351 : i32 to index
          %swap3A_353 = arith.index_cast %scan3A_344 : i32 to index
          %swap3A_354 = arith.constant 16 : index
          %swap3A_355 = tpu.vector_load %arg6[%swap3A_352, %swap3A_353, %swap3A_354] {strides = array<i32>} : memref<2x112x128xf32, #tpu.memory_space<vmem>>, vector<1x1x16xf32>,
          %swap3A_356 = vector.shape_cast %swap3A_355 : vector<1x1x16xf32> to vector<16xf32>
          %swap3A_357 = vector.shape_cast %broadcast_in_dim3A_5 : vector<16xf32> to vector<1x1x16xf32>
          tpu.vector_store %arg6[%swap3A_352, %swap3A_353, %swap3A_354], %swap3A_357 {strides = array<i32>} : memref<2x112x128xf32, #tpu.memory_space<vmem>>, vector<1x1x16xf32>,
          %swap3A_358 = arith.constant 1 : i32
          %swap3A_359 = arith.index_cast %swap3A_358 : i32 to index
          %swap3A_360 = arith.index_cast %scan3A_344 : i32 to index
          %swap3A_361 = arith.constant 32 : index
          %swap3A_362 = tpu.vector_load %arg6[%swap3A_359, %swap3A_360, %swap3A_361] {strides = array<i32>} : memref<2x112x128xf32, #tpu.memory_space<vmem>>, vector<1x1x16xf32>,
          %swap3A_363 = vector.shape_cast %swap3A_362 : vector<1x1x16xf32> to vector<16xf32>
          %swap3A_364 = vector.shape_cast %broadcast_in_dim3A_5 : vector<16xf32> to vector<1x1x16xf32>
          tpu.vector_store %arg6[%swap3A_359, %swap3A_360, %swap3A_361], %swap3A_364 {strides = array<i32>} : memref<2x112x128xf32, #tpu.memory_space<vmem>>, vector<1x1x16xf32>,
          %swap3A_365 = arith.constant 1 : i32
          %swap3A_366 = arith.index_cast %swap3A_365 : i32 to index
          %swap3A_367 = arith.index_cast %scan3A_344 : i32 to index
          %swap3A_368 = arith.constant 48 : index
          %swap3A_369 = tpu.vector_load %arg6[%swap3A_366, %swap3A_367, %swap3A_368] {strides = array<i32>} : memref<2x112x128xf32, #tpu.memory_space<vmem>>, vector<1x1x16xf32>,
          %swap3A_370 = vector.shape_cast %swap3A_369 : vector<1x1x16xf32> to vector<16xf32>
          %swap3A_371 = vector.shape_cast %broadcast_in_dim3A_5 : vector<16xf32> to vector<1x1x16xf32>
          tpu.vector_store %arg6[%swap3A_366, %swap3A_367, %swap3A_368], %swap3A_371 {strides = array<i32>} : memref<2x112x128xf32, #tpu.memory_space<vmem>>, vector<1x1x16xf32>,
          %swap3A_372 = arith.constant 1 : i32
          %swap3A_373 = arith.index_cast %swap3A_372 : i32 to index
          %swap3A_374 = arith.index_cast %scan3A_344 : i32 to index
          %swap3A_375 = arith.constant 64 : index
          %swap3A_376 = tpu.vector_load %arg6[%swap3A_373, %swap3A_374, %swap3A_375] {strides = array<i32>} : memref<2x112x128xf32, #tpu.memory_space<vmem>>, vector<1x1x16xf32>,
          %swap3A_377 = vector.shape_cast %swap3A_376 : vector<1x1x16xf32> to vector<16xf32>
          %swap3A_378 = vector.shape_cast %broadcast_in_dim3A_5 : vector<16xf32> to vector<1x1x16xf32>
          tpu.vector_store %arg6[%swap3A_373, %swap3A_374, %swap3A_375], %swap3A_378 {strides = array<i32>} : memref<2x112x128xf32, #tpu.memory_space<vmem>>, vector<1x1x16xf32>,
          %swap3A_379 = arith.constant 1 : i32
          %swap3A_380 = arith.index_cast %swap3A_379 : i32 to index
          %swap3A_381 = arith.index_cast %scan3A_344 : i32 to index
          %swap3A_382 = arith.constant 80 : index
          %swap3A_383 = tpu.vector_load %arg6[%swap3A_380, %swap3A_381, %swap3A_382] {strides = array<i32>} : memref<2x112x128xf32, #tpu.memory_space<vmem>>, vector<1x1x16xf32>,
          %swap3A_384 = vector.shape_cast %swap3A_383 : vector<1x1x16xf32> to vector<16xf32>
          %swap3A_385 = vector.shape_cast %broadcast_in_dim3A_5 : vector<16xf32> to vector<1x1x16xf32>
          tpu.vector_store %arg6[%swap3A_380, %swap3A_381, %swap3A_382], %swap3A_385 {strides = array<i32>} : memref<2x112x128xf32, #tpu.memory_space<vmem>>, vector<1x1x16xf32>,
          %swap3A_386 = arith.constant 1 : i32
          %swap3A_387 = arith.index_cast %swap3A_386 : i32 to index
          %swap3A_388 = arith.index_cast %scan3A_344 : i32 to index
          %swap3A_389 = arith.constant 96 : index
          %swap3A_390 = tpu.vector_load %arg6[%swap3A_387, %swap3A_388, %swap3A_389] {strides = array<i32>} : memref<2x112x128xf32, #tpu.memory_space<vmem>>, vector<1x1x16xf32>,
          %swap3A_391 = vector.shape_cast %swap3A_390 : vector<1x1x16xf32> to vector<16xf32>
          %swap3A_392 = vector.shape_cast %broadcast_in_dim3A_5 : vector<16xf32> to vector<1x1x16xf32>
          tpu.vector_store %arg6[%swap3A_387, %swap3A_388, %swap3A_389], %swap3A_392 {strides = array<i32>} : memref<2x112x128xf32, #tpu.memory_space<vmem>>, vector<1x1x16xf32>,
          %swap3A_393 = arith.constant 1 : i32
          %swap3A_394 = arith.index_cast %swap3A_393 : i32 to index
          %swap3A_395 = arith.index_cast %scan3A_344 : i32 to index
          %swap3A_396 = arith.constant 112 : index
          %swap3A_397 = tpu.vector_load %arg6[%swap3A_394, %swap3A_395, %swap3A_396] {strides = array<i32>} : memref<2x112x128xf32, #tpu.memory_space<vmem>>, vector<1x1x16xf32>,
          %swap3A_398 = vector.shape_cast %swap3A_397 : vector<1x1x16xf32> to vector<16xf32>
          %swap3A_399 = vector.shape_cast %broadcast_in_dim3A_5 : vector<16xf32> to vector<1x1x16xf32>
          tpu.vector_store %arg6[%swap3A_394, %swap3A_395, %swap3A_396], %swap3A_399 {strides = array<i32>} : memref<2x112x128xf32, #tpu.memory_space<vmem>>, vector<1x1x16xf32>,
        }
        %scan3A_287 = arith.constant 112 : i32
        %add3A_288 = arith.constant 2 : i32
        %add3A_289 = arith.addi %add3A_207, %add3A_288 : i32
        %add3A_290 = arith.addi %mul3A_2, %add3A_289 : i32
        %run_scoped3A_291 = arith.constant 1 : i32
        "tpu.region"() ({
          %run_scoped3A_344 = tpu.sem_alloc : memref<!tpu.dma_semaphore, #tpu.memory_space<semaphore_mem>>
          %dma_start3A_345 = arith.constant 0 : i32
          %dma_start3A_346 = arith.constant 0 : i32
          %dma_start3A_347 = tpu.memref_slice %arg5[%run_scoped3A_291, %dma_start3A_345, %dma_start3A_346] : memref<2x4x112xi32, #tpu.memory_space<vmem>> -> memref<1x4x112xi32, #tpu.memory_space<vmem>>
          %dma_start3A_348 = tpu.memref_squeeze %dma_start3A_347 : memref<1x4x112xi32, #tpu.memory_space<vmem>> -> memref<4x112xi32, #tpu.memory_space<vmem>>
          %dma_start3A_349 = arith.constant 0 : i32
          %dma_start3A_350 = arith.constant 0 : i32
          %dma_start3A_351 = tpu.memref_slice %arg3[%add3A_290, %dma_start3A_349, %dma_start3A_350] : memref<448x4x112xi32, #tpu.memory_space<hbm>> -> memref<1x4x112xi32, #tpu.memory_space<hbm>>
          %dma_start3A_352 = tpu.memref_squeeze %dma_start3A_351 : memref<1x4x112xi32, #tpu.memory_space<hbm>> -> memref<4x112xi32, #tpu.memory_space<hbm>>
          %dma_start3A_353 = arith.constant 0 : i32
          %dma_start3A_354 = arith.constant 0 : i32
          %dma_start3A_355 = tpu.memref_slice %arg5[%run_scoped3A_291, %dma_start3A_353, %dma_start3A_354] : memref<2x4x112xi32, #tpu.memory_space<vmem>> -> memref<1x4x112xi32, #tpu.memory_space<vmem>>
          %dma_start3A_356 = tpu.memref_squeeze %dma_start3A_355 : memref<1x4x112xi32, #tpu.memory_space<vmem>> -> memref<4x112xi32, #tpu.memory_space<vmem>>
          %dma_start3A_357 = arith.constant 0 : i32
          %dma_start3A_358 = arith.constant 0 : i32
          %dma_start3A_359 = tpu.memref_slice %arg3[%add3A_290, %dma_start3A_357, %dma_start3A_358] : memref<448x4x112xi32, #tpu.memory_space<hbm>> -> memref<1x4x112xi32, #tpu.memory_space<hbm>>
          %dma_start3A_360 = tpu.memref_squeeze %dma_start3A_359 : memref<1x4x112xi32, #tpu.memory_space<hbm>> -> memref<4x112xi32, #tpu.memory_space<hbm>>
          tpu.enqueue_dma source(%dma_start3A_360 : memref<4x112xi32, #tpu.memory_space<hbm>>) target(%dma_start3A_356 : memref<4x112xi32, #tpu.memory_space<vmem>>) target_semaphore(%run_scoped3A_344 : memref<!tpu.dma_semaphore, #tpu.memory_space<semaphore_mem>>)
          %dma_wait3A_361 = arith.constant 0 : i32
          %dma_wait3A_362 = arith.constant 0 : i32
          %dma_wait3A_363 = tpu.memref_slice %arg5[%run_scoped3A_291, %dma_wait3A_361, %dma_wait3A_362] : memref<2x4x112xi32, #tpu.memory_space<vmem>> -> memref<1x4x112xi32, #tpu.memory_space<vmem>>
          %dma_wait3A_364 = tpu.memref_squeeze %dma_wait3A_363 : memref<1x4x112xi32, #tpu.memory_space<vmem>> -> memref<4x112xi32, #tpu.memory_space<vmem>>
          %dma_wait3A_365 = arith.constant 0 : i32
          %dma_wait3A_366 = arith.constant 0 : i32
          %dma_wait3A_367 = tpu.memref_slice %arg3[%add3A_290, %dma_wait3A_365, %dma_wait3A_366] : memref<448x4x112xi32, #tpu.memory_space<hbm>> -> memref<1x4x112xi32, #tpu.memory_space<hbm>>
          %dma_wait3A_368 = tpu.memref_squeeze %dma_wait3A_367 : memref<1x4x112xi32, #tpu.memory_space<hbm>> -> memref<4x112xi32, #tpu.memory_space<hbm>>
          %dma_wait3A_369 = arith.constant 0 : i32
          %dma_wait3A_370 = arith.constant 0 : i32
          %dma_wait3A_371 = tpu.memref_slice %arg5[%run_scoped3A_291, %dma_wait3A_369, %dma_wait3A_370] : memref<2x4x112xi32, #tpu.memory_space<vmem>> -> memref<1x4x112xi32, #tpu.memory_space<vmem>>
          %dma_wait3A_372 = tpu.memref_squeeze %dma_wait3A_371 : memref<1x4x112xi32, #tpu.memory_space<vmem>> -> memref<4x112xi32, #tpu.memory_space<vmem>>
          %dma_wait3A_373 = arith.constant 0 : i32
          %dma_wait3A_374 = arith.constant 0 : i32
          %dma_wait3A_375 = tpu.memref_slice %arg3[%add3A_290, %dma_wait3A_373, %dma_wait3A_374] : memref<448x4x112xi32, #tpu.memory_space<hbm>> -> memref<1x4x112xi32, #tpu.memory_space<hbm>>
          %dma_wait3A_376 = tpu.memref_squeeze %dma_wait3A_375 : memref<1x4x112xi32, #tpu.memory_space<hbm>> -> memref<4x112xi32, #tpu.memory_space<hbm>>
          tpu.wait_dma2 semaphore(%run_scoped3A_344 : memref<!tpu.dma_semaphore, #tpu.memory_space<semaphore_mem>>) src(%dma_wait3A_376 : memref<4x112xi32, #tpu.memory_space<hbm>>) dst(%dma_wait3A_372 : memref<4x112xi32, #tpu.memory_space<vmem>>)
          tpu.yield
        }) : () -> ()
        %dma_start3A_292 = arith.constant 1 : i32
        %dma_start3A_293 = arith.constant 0 : i32
        %dma_start3A_294 = arith.constant 1 : i32
        %dma_start3A_295 = arith.constant 0 : i32
        %dma_start3A_296 = arith.constant 0 : i32
        %dma_start3A_297 = tpu.memref_slice %arg6[%dma_start3A_294, %dma_start3A_295, %dma_start3A_296] : memref<2x112x128xf32, #tpu.memory_space<vmem>> -> memref<1x112x128xf32, #tpu.memory_space<vmem>>
        %dma_start3A_298 = tpu.memref_squeeze %dma_start3A_297 : memref<1x112x128xf32, #tpu.memory_space<vmem>> -> memref<112x128xf32, #tpu.memory_space<vmem>>
        %dma_start3A_299 = arith.constant 0 : i32
        %dma_start3A_300 = tpu.memref_slice %arg5[%dma_start3A_292, %dma_start3A_293, %dma_start3A_299] : memref<2x4x112xi32, #tpu.memory_space<vmem>> -> memref<1x1x112xi32, #tpu.memory_space<vmem>>
        %dma_start3A_301 = tpu.memref_squeeze %dma_start3A_300 : memref<1x1x112xi32, #tpu.memory_space<vmem>> -> memref<112xi32, #tpu.memory_space<vmem>>
        %dma_start3A_302 = arith.constant 0 : i32
        %dma_start3A_303 = arith.constant 0 : i32
        %dma_start3A_304 = tpu.memref_slice %arg2[%dma_start3A_302, %dma_start3A_303] : memref<200000x128xf32, #tpu.memory_space<hbm>> -> memref<200000x128xf32, #tpu.memory_space<hbm>>
        tpu.enqueue_indirect_dma source(%dma_start3A_304 : memref<200000x128xf32, #tpu.memory_space<hbm>>) target(%dma_start3A_298 : memref<112x128xf32, #tpu.memory_space<vmem>>) offsets(%dma_start3A_301 : memref<112xi32, #tpu.memory_space<vmem>>) semaphore(%arg8 : memref<!tpu.dma_semaphore, #tpu.memory_space<semaphore_mem>>) {add = true}
        %dma_start3A_305 = arith.constant 1 : i32
        %dma_start3A_306 = arith.constant 1 : i32
        %dma_start3A_307 = arith.constant 1 : i32
        %dma_start3A_308 = arith.constant 0 : i32
        %dma_start3A_309 = arith.constant 0 : i32
        %dma_start3A_310 = tpu.memref_slice %arg6[%dma_start3A_307, %dma_start3A_308, %dma_start3A_309] : memref<2x112x128xf32, #tpu.memory_space<vmem>> -> memref<1x112x128xf32, #tpu.memory_space<vmem>>
        %dma_start3A_311 = tpu.memref_squeeze %dma_start3A_310 : memref<1x112x128xf32, #tpu.memory_space<vmem>> -> memref<112x128xf32, #tpu.memory_space<vmem>>
        %dma_start3A_312 = arith.constant 0 : i32
        %dma_start3A_313 = tpu.memref_slice %arg5[%dma_start3A_305, %dma_start3A_306, %dma_start3A_312] : memref<2x4x112xi32, #tpu.memory_space<vmem>> -> memref<1x1x112xi32, #tpu.memory_space<vmem>>
        %dma_start3A_314 = tpu.memref_squeeze %dma_start3A_313 : memref<1x1x112xi32, #tpu.memory_space<vmem>> -> memref<112xi32, #tpu.memory_space<vmem>>
        %dma_start3A_315 = arith.constant 0 : i32
        %dma_start3A_316 = arith.constant 0 : i32
        %dma_start3A_317 = tpu.memref_slice %arg2[%dma_start3A_315, %dma_start3A_316] : memref<200000x128xf32, #tpu.memory_space<hbm>> -> memref<200000x128xf32, #tpu.memory_space<hbm>>
        tpu.enqueue_indirect_dma source(%dma_start3A_317 : memref<200000x128xf32, #tpu.memory_space<hbm>>) target(%dma_start3A_311 : memref<112x128xf32, #tpu.memory_space<vmem>>) offsets(%dma_start3A_314 : memref<112xi32, #tpu.memory_space<vmem>>) semaphore(%arg8 : memref<!tpu.dma_semaphore, #tpu.memory_space<semaphore_mem>>) {add = true}
        %dma_start3A_318 = arith.constant 1 : i32
        %dma_start3A_319 = arith.constant 2 : i32
        %dma_start3A_320 = arith.constant 1 : i32
        %dma_start3A_321 = arith.constant 0 : i32
        %dma_start3A_322 = arith.constant 0 : i32
        %dma_start3A_323 = tpu.memref_slice %arg6[%dma_start3A_320, %dma_start3A_321, %dma_start3A_322] : memref<2x112x128xf32, #tpu.memory_space<vmem>> -> memref<1x112x128xf32, #tpu.memory_space<vmem>>
        %dma_start3A_324 = tpu.memref_squeeze %dma_start3A_323 : memref<1x112x128xf32, #tpu.memory_space<vmem>> -> memref<112x128xf32, #tpu.memory_space<vmem>>
        %dma_start3A_325 = arith.constant 0 : i32
        %dma_start3A_326 = tpu.memref_slice %arg5[%dma_start3A_318, %dma_start3A_319, %dma_start3A_325] : memref<2x4x112xi32, #tpu.memory_space<vmem>> -> memref<1x1x112xi32, #tpu.memory_space<vmem>>
        %dma_start3A_327 = tpu.memref_squeeze %dma_start3A_326 : memref<1x1x112xi32, #tpu.memory_space<vmem>> -> memref<112xi32, #tpu.memory_space<vmem>>
        %dma_start3A_328 = arith.constant 0 : i32
        %dma_start3A_329 = arith.constant 0 : i32
        %dma_start3A_330 = tpu.memref_slice %arg2[%dma_start3A_328, %dma_start3A_329] : memref<200000x128xf32, #tpu.memory_space<hbm>> -> memref<200000x128xf32, #tpu.memory_space<hbm>>
        tpu.enqueue_indirect_dma source(%dma_start3A_330 : memref<200000x128xf32, #tpu.memory_space<hbm>>) target(%dma_start3A_324 : memref<112x128xf32, #tpu.memory_space<vmem>>) offsets(%dma_start3A_327 : memref<112xi32, #tpu.memory_space<vmem>>) semaphore(%arg8 : memref<!tpu.dma_semaphore, #tpu.memory_space<semaphore_mem>>) {add = true}
        %dma_start3A_331 = arith.constant 1 : i32
        %dma_start3A_332 = arith.constant 3 : i32
        %dma_start3A_333 = arith.constant 1 : i32
        %dma_start3A_334 = arith.constant 0 : i32
        %dma_start3A_335 = arith.constant 0 : i32
        %dma_start3A_336 = tpu.memref_slice %arg6[%dma_start3A_333, %dma_start3A_334, %dma_start3A_335] : memref<2x112x128xf32, #tpu.memory_space<vmem>> -> memref<1x112x128xf32, #tpu.memory_space<vmem>>
        %dma_start3A_337 = tpu.memref_squeeze %dma_start3A_336 : memref<1x112x128xf32, #tpu.memory_space<vmem>> -> memref<112x128xf32, #tpu.memory_space<vmem>>
        %dma_start3A_338 = arith.constant 0 : i32
        %dma_start3A_339 = tpu.memref_slice %arg5[%dma_start3A_331, %dma_start3A_332, %dma_start3A_338] : memref<2x4x112xi32, #tpu.memory_space<vmem>> -> memref<1x1x112xi32, #tpu.memory_space<vmem>>
        %dma_start3A_340 = tpu.memref_squeeze %dma_start3A_339 : memref<1x1x112xi32, #tpu.memory_space<vmem>> -> memref<112xi32, #tpu.memory_space<vmem>>
        %dma_start3A_341 = arith.constant 0 : i32
        %dma_start3A_342 = arith.constant 0 : i32
        %dma_start3A_343 = tpu.memref_slice %arg2[%dma_start3A_341, %dma_start3A_342] : memref<200000x128xf32, #tpu.memory_space<hbm>> -> memref<200000x128xf32, #tpu.memory_space<hbm>>
        tpu.enqueue_indirect_dma source(%dma_start3A_343 : memref<200000x128xf32, #tpu.memory_space<hbm>>) target(%dma_start3A_337 : memref<112x128xf32, #tpu.memory_space<vmem>>) offsets(%dma_start3A_340 : memref<112xi32, #tpu.memory_space<vmem>>) semaphore(%arg8 : memref<!tpu.dma_semaphore, #tpu.memory_space<semaphore_mem>>) {add = true}
      } else {
      }
    }
    %scan3A_130 = arith.constant 7 : i32
    return
  }
}

module attributes {stable_mosaic.version = 14 : i64} {
  func.func @body(%arg0: i32, %arg1: memref<5000x128xf32, #tpu.memory_space<vmem>>, %arg2: memref<128x512xbf16, #tpu.memory_space<vmem>>, %arg3: memref<1x512xf32, #tpu.memory_space<vmem>>, %arg4: memref<4x5000x128xf32, #tpu.memory_space<vmem>>) attributes {dimension_semantics = [#tpu.dimension_semantics<arbitrary>], iteration_bounds = array<i64: 10>, scalar_prefetch = 0 : i64, scratch_operands = 0 : i64, tpu.core_type = #tpu.core_type<tc>, window_params = [{transform_indices = @transform_0, window_bounds = array<i64: 5000, 128>}, {pipeline_mode = #tpu.pipeline_mode<synchronous>, transform_indices = @transform_1, window_bounds = array<i64: 128, 512>}, {pipeline_mode = #tpu.pipeline_mode<synchronous>, transform_indices = @transform_2, window_bounds = array<i64: 1, 512>}, {transform_indices = @transform_3, window_bounds = array<i64: 4, 5000, 128>}]} {
    %get3A = arith.constant 0 : index
    %get3A_0 = arith.constant 0 : index
    %get3A_1 = vector.load %arg1[%get3A, %get3A_0] : memref<5000x128xf32, #tpu.memory_space<vmem>>, vector<5000x128xf32>
    %convert_element_type3A = arith.truncf %get3A_1 : vector<5000x128xf32> to vector<5000x128xbf16>
    %get3A_2 = arith.constant 0 : index
    %get3A_3 = arith.constant 0 : index
    %get3A_4 = vector.load %arg2[%get3A_2, %get3A_3] : memref<128x512xbf16, #tpu.memory_space<vmem>>, vector<128x512xbf16>
    %dot_general3A = arith.constant dense<0.000000e+00> : vector<5000x512xf32>
    %dot_general3A_5 = tpu.matmul %convert_element_type3A, %get3A_4, %dot_general3A {dimension_numbers = #tpu.dot_dimension_numbers<[1], [0], [0], [1], [0, 0, 1, 1], [], []>, transpose_lhs_hint = false} : vector<5000x128xbf16>, vector<128x512xbf16>, vector<5000x512xf32> -> vector<5000x512xf32>
    %get3A_6 = arith.constant 0 : index
    %get3A_7 = arith.constant 0 : index
    %get3A_8 = vector.load %arg3[%get3A_6, %get3A_7] : memref<1x512xf32, #tpu.memory_space<vmem>>, vector<1x512xf32>
    %add3A = vector.broadcast %get3A_8 : vector<1x512xf32> to vector<5000x512xf32>
    %add3A_9 = arith.addf %dot_general3A_5, %add3A : vector<5000x512xf32>
    %slice3A = vector.extract_strided_slice %add3A_9 {offsets = [0, 0], sizes = [5000, 128], strides = [1, 1]} : vector<5000x512xf32> to vector<5000x128xf32>
    %swap3A = arith.constant 0 : index
    %swap3A_10 = arith.constant 0 : index
    %swap3A_11 = arith.constant 0 : index
    %swap3A_12 = vector.load %arg4[%swap3A, %swap3A_10, %swap3A_11] : memref<4x5000x128xf32, #tpu.memory_space<vmem>>, vector<1x5000x128xf32>
    %swap3A_13 = vector.shape_cast %swap3A_12 : vector<1x5000x128xf32> to vector<5000x128xf32>
    %swap3A_14 = vector.shape_cast %slice3A : vector<5000x128xf32> to vector<1x5000x128xf32>
    tpu.vector_store %arg4[%swap3A, %swap3A_10, %swap3A_11], %swap3A_14 {strides = array<i32>} : memref<4x5000x128xf32, #tpu.memory_space<vmem>>, vector<1x5000x128xf32>,
    %slice3A_15 = vector.extract_strided_slice %add3A_9 {offsets = [0, 128], sizes = [5000, 128], strides = [1, 1]} : vector<5000x512xf32> to vector<5000x128xf32>
    %swap3A_16 = arith.constant 1 : index
    %swap3A_17 = arith.constant 0 : index
    %swap3A_18 = arith.constant 0 : index
    %swap3A_19 = vector.load %arg4[%swap3A_16, %swap3A_17, %swap3A_18] : memref<4x5000x128xf32, #tpu.memory_space<vmem>>, vector<1x5000x128xf32>
    %swap3A_20 = vector.shape_cast %swap3A_19 : vector<1x5000x128xf32> to vector<5000x128xf32>
    %swap3A_21 = vector.shape_cast %slice3A_15 : vector<5000x128xf32> to vector<1x5000x128xf32>
    tpu.vector_store %arg4[%swap3A_16, %swap3A_17, %swap3A_18], %swap3A_21 {strides = array<i32>} : memref<4x5000x128xf32, #tpu.memory_space<vmem>>, vector<1x5000x128xf32>,
    %slice3A_22 = vector.extract_strided_slice %add3A_9 {offsets = [0, 256], sizes = [5000, 128], strides = [1, 1]} : vector<5000x512xf32> to vector<5000x128xf32>
    %swap3A_23 = arith.constant 2 : index
    %swap3A_24 = arith.constant 0 : index
    %swap3A_25 = arith.constant 0 : index
    %swap3A_26 = vector.load %arg4[%swap3A_23, %swap3A_24, %swap3A_25] : memref<4x5000x128xf32, #tpu.memory_space<vmem>>, vector<1x5000x128xf32>
    %swap3A_27 = vector.shape_cast %swap3A_26 : vector<1x5000x128xf32> to vector<5000x128xf32>
    %swap3A_28 = vector.shape_cast %slice3A_22 : vector<5000x128xf32> to vector<1x5000x128xf32>
    tpu.vector_store %arg4[%swap3A_23, %swap3A_24, %swap3A_25], %swap3A_28 {strides = array<i32>} : memref<4x5000x128xf32, #tpu.memory_space<vmem>>, vector<1x5000x128xf32>,
    %slice3A_29 = vector.extract_strided_slice %add3A_9 {offsets = [0, 384], sizes = [5000, 128], strides = [1, 1]} : vector<5000x512xf32> to vector<5000x128xf32>
    %swap3A_30 = arith.constant 3 : index
    %swap3A_31 = arith.constant 0 : index
    %swap3A_32 = arith.constant 0 : index
    %swap3A_33 = vector.load %arg4[%swap3A_30, %swap3A_31, %swap3A_32] : memref<4x5000x128xf32, #tpu.memory_space<vmem>>, vector<1x5000x128xf32>
    %swap3A_34 = vector.shape_cast %swap3A_33 : vector<1x5000x128xf32> to vector<5000x128xf32>
    %swap3A_35 = vector.shape_cast %slice3A_29 : vector<5000x128xf32> to vector<1x5000x128xf32>
    tpu.vector_store %arg4[%swap3A_30, %swap3A_31, %swap3A_32], %swap3A_35 {strides = array<i32>} : memref<4x5000x128xf32, #tpu.memory_space<vmem>>, vector<1x5000x128xf32>,
    return
  }
  func.func @transform_0(%arg0: i32) -> (i32, i32) {
    %c0_i32 = arith.constant 0 : i32
    %c0_i32_0 = arith.constant 0 : i32
    return %arg0, %c0_i32 : i32, i32
  }
  func.func @transform_1(%arg0: i32) -> (i32, i32) {
    %c0_i32 = arith.constant 0 : i32
    %c0_i32_0 = arith.constant 0 : i32
    %c0_i32_1 = arith.constant 0 : i32
    return %c0_i32, %c0_i32_0 : i32, i32
  }
  func.func @transform_2(%arg0: i32) -> (i32, i32) {
    %c0_i32 = arith.constant 0 : i32
    %c0_i32_0 = arith.constant 0 : i32
    %c0_i32_1 = arith.constant 0 : i32
    return %c0_i32, %c0_i32_0 : i32, i32
  }
  func.func @transform_3(%arg0: i32) -> (i32, i32, i32) {
    %c0_i32 = arith.constant 0 : i32
    %c0_i32_0 = arith.constant 0 : i32
    %c0_i32_1 = arith.constant 0 : i32
    return %c0_i32, %arg0, %c0_i32_0 : i32, i32, i32
  }
}

module attributes {stable_mosaic.version = 14 : i64} {
  func.func @body(%arg0: i32, %arg1: memref<5000x128xf32, #tpu.memory_space<vmem>>, %arg2: memref<128x640xbf16, #tpu.memory_space<vmem>>, %arg3: memref<1x640xf32, #tpu.memory_space<vmem>>, %arg4: memref<5x5000x128xf32, #tpu.memory_space<vmem>>) attributes {dimension_semantics = [#tpu.dimension_semantics<arbitrary>], iteration_bounds = array<i64: 10>, scalar_prefetch = 0 : i64, scratch_operands = 0 : i64, tpu.core_type = #tpu.core_type<tc>, window_params = [{transform_indices = @transform_0, window_bounds = array<i64: 5000, 128>}, {pipeline_mode = #tpu.pipeline_mode<synchronous>, transform_indices = @transform_1, window_bounds = array<i64: 128, 640>}, {pipeline_mode = #tpu.pipeline_mode<synchronous>, transform_indices = @transform_2, window_bounds = array<i64: 1, 640>}, {transform_indices = @transform_3, window_bounds = array<i64: 5, 5000, 128>}]} {
    %get3A = arith.constant 0 : index
    %get3A_0 = arith.constant 0 : index
    %get3A_1 = vector.load %arg1[%get3A, %get3A_0] : memref<5000x128xf32, #tpu.memory_space<vmem>>, vector<5000x128xf32>
    %convert_element_type3A = arith.truncf %get3A_1 : vector<5000x128xf32> to vector<5000x128xbf16>
    %get3A_2 = arith.constant 0 : index
    %get3A_3 = arith.constant 0 : index
    %get3A_4 = vector.load %arg2[%get3A_2, %get3A_3] : memref<128x640xbf16, #tpu.memory_space<vmem>>, vector<128x640xbf16>
    %dot_general3A = arith.constant dense<0.000000e+00> : vector<5000x640xf32>
    %dot_general3A_5 = tpu.matmul %convert_element_type3A, %get3A_4, %dot_general3A {dimension_numbers = #tpu.dot_dimension_numbers<[1], [0], [0], [1], [0, 0, 1, 1], [], []>, transpose_lhs_hint = false} : vector<5000x128xbf16>, vector<128x640xbf16>, vector<5000x640xf32> -> vector<5000x640xf32>
    %get3A_6 = arith.constant 0 : index
    %get3A_7 = arith.constant 0 : index
    %get3A_8 = vector.load %arg3[%get3A_6, %get3A_7] : memref<1x640xf32, #tpu.memory_space<vmem>>, vector<1x640xf32>
    %add3A = vector.broadcast %get3A_8 : vector<1x640xf32> to vector<5000x640xf32>
    %add3A_9 = arith.addf %dot_general3A_5, %add3A : vector<5000x640xf32>
    %slice3A = vector.extract_strided_slice %add3A_9 {offsets = [0, 0], sizes = [5000, 128], strides = [1, 1]} : vector<5000x640xf32> to vector<5000x128xf32>
    %swap3A = arith.constant 0 : index
    %swap3A_10 = arith.constant 0 : index
    %swap3A_11 = arith.constant 0 : index
    %swap3A_12 = vector.load %arg4[%swap3A, %swap3A_10, %swap3A_11] : memref<5x5000x128xf32, #tpu.memory_space<vmem>>, vector<1x5000x128xf32>
    %swap3A_13 = vector.shape_cast %swap3A_12 : vector<1x5000x128xf32> to vector<5000x128xf32>
    %swap3A_14 = vector.shape_cast %slice3A : vector<5000x128xf32> to vector<1x5000x128xf32>
    tpu.vector_store %arg4[%swap3A, %swap3A_10, %swap3A_11], %swap3A_14 {strides = array<i32>} : memref<5x5000x128xf32, #tpu.memory_space<vmem>>, vector<1x5000x128xf32>,
    %slice3A_15 = vector.extract_strided_slice %add3A_9 {offsets = [0, 128], sizes = [5000, 128], strides = [1, 1]} : vector<5000x640xf32> to vector<5000x128xf32>
    %swap3A_16 = arith.constant 1 : index
    %swap3A_17 = arith.constant 0 : index
    %swap3A_18 = arith.constant 0 : index
    %swap3A_19 = vector.load %arg4[%swap3A_16, %swap3A_17, %swap3A_18] : memref<5x5000x128xf32, #tpu.memory_space<vmem>>, vector<1x5000x128xf32>
    %swap3A_20 = vector.shape_cast %swap3A_19 : vector<1x5000x128xf32> to vector<5000x128xf32>
    %swap3A_21 = vector.shape_cast %slice3A_15 : vector<5000x128xf32> to vector<1x5000x128xf32>
    tpu.vector_store %arg4[%swap3A_16, %swap3A_17, %swap3A_18], %swap3A_21 {strides = array<i32>} : memref<5x5000x128xf32, #tpu.memory_space<vmem>>, vector<1x5000x128xf32>,
    %slice3A_22 = vector.extract_strided_slice %add3A_9 {offsets = [0, 256], sizes = [5000, 128], strides = [1, 1]} : vector<5000x640xf32> to vector<5000x128xf32>
    %swap3A_23 = arith.constant 2 : index
    %swap3A_24 = arith.constant 0 : index
    %swap3A_25 = arith.constant 0 : index
    %swap3A_26 = vector.load %arg4[%swap3A_23, %swap3A_24, %swap3A_25] : memref<5x5000x128xf32, #tpu.memory_space<vmem>>, vector<1x5000x128xf32>
    %swap3A_27 = vector.shape_cast %swap3A_26 : vector<1x5000x128xf32> to vector<5000x128xf32>
    %swap3A_28 = vector.shape_cast %slice3A_22 : vector<5000x128xf32> to vector<1x5000x128xf32>
    tpu.vector_store %arg4[%swap3A_23, %swap3A_24, %swap3A_25], %swap3A_28 {strides = array<i32>} : memref<5x5000x128xf32, #tpu.memory_space<vmem>>, vector<1x5000x128xf32>,
    %slice3A_29 = vector.extract_strided_slice %add3A_9 {offsets = [0, 384], sizes = [5000, 128], strides = [1, 1]} : vector<5000x640xf32> to vector<5000x128xf32>
    %swap3A_30 = arith.constant 3 : index
    %swap3A_31 = arith.constant 0 : index
    %swap3A_32 = arith.constant 0 : index
    %swap3A_33 = vector.load %arg4[%swap3A_30, %swap3A_31, %swap3A_32] : memref<5x5000x128xf32, #tpu.memory_space<vmem>>, vector<1x5000x128xf32>
    %swap3A_34 = vector.shape_cast %swap3A_33 : vector<1x5000x128xf32> to vector<5000x128xf32>
    %swap3A_35 = vector.shape_cast %slice3A_29 : vector<5000x128xf32> to vector<1x5000x128xf32>
    tpu.vector_store %arg4[%swap3A_30, %swap3A_31, %swap3A_32], %swap3A_35 {strides = array<i32>} : memref<5x5000x128xf32, #tpu.memory_space<vmem>>, vector<1x5000x128xf32>,
    %slice3A_36 = vector.extract_strided_slice %add3A_9 {offsets = [0, 512], sizes = [5000, 128], strides = [1, 1]} : vector<5000x640xf32> to vector<5000x128xf32>
    %swap3A_37 = arith.constant 4 : index
    %swap3A_38 = arith.constant 0 : index
    %swap3A_39 = arith.constant 0 : index
    %swap3A_40 = vector.load %arg4[%swap3A_37, %swap3A_38, %swap3A_39] : memref<5x5000x128xf32, #tpu.memory_space<vmem>>, vector<1x5000x128xf32>
    %swap3A_41 = vector.shape_cast %swap3A_40 : vector<1x5000x128xf32> to vector<5000x128xf32>
    %swap3A_42 = vector.shape_cast %slice3A_36 : vector<5000x128xf32> to vector<1x5000x128xf32>
    tpu.vector_store %arg4[%swap3A_37, %swap3A_38, %swap3A_39], %swap3A_42 {strides = array<i32>} : memref<5x5000x128xf32, #tpu.memory_space<vmem>>, vector<1x5000x128xf32>,
    return
  }
  func.func @transform_0(%arg0: i32) -> (i32, i32) {
    %c0_i32 = arith.constant 0 : i32
    %c0_i32_0 = arith.constant 0 : i32
    return %arg0, %c0_i32 : i32, i32
  }
  func.func @transform_1(%arg0: i32) -> (i32, i32) {
    %c0_i32 = arith.constant 0 : i32
    %c0_i32_0 = arith.constant 0 : i32
    %c0_i32_1 = arith.constant 0 : i32
    return %c0_i32, %c0_i32_0 : i32, i32
  }
  func.func @transform_2(%arg0: i32) -> (i32, i32) {
    %c0_i32 = arith.constant 0 : i32
    %c0_i32_0 = arith.constant 0 : i32
    %c0_i32_1 = arith.constant 0 : i32
    return %c0_i32, %c0_i32_0 : i32, i32
  }
  func.func @transform_3(%arg0: i32) -> (i32, i32, i32) {
    %c0_i32 = arith.constant 0 : i32
    %c0_i32_0 = arith.constant 0 : i32
    %c0_i32_1 = arith.constant 0 : i32
    return %c0_i32, %arg0, %c0_i32_0 : i32, i32, i32
  }
}

</mosaic_0001>

<sc_bundles>
// kernel: kernel.6.cloned.1.call-start
scs
__scs_entry_jumppad:
0x0: {  	(pc) =	sbr.rel $0x88, $3  }
0x1: {  	(tag) =	ssettag $0x0;
	lr =	simm.s32 $0x1  }
0x2: {  	[smem:$0x3F9D] =	sst lr;
	_ =	strace $0xD0000000  }
0x3: {  	_ = 	snop  }
0x4: {  	_ = 	snop  }
0x5: {  	_ = 	snop  }
0x6: {  	_ = 	snop  }
0x7: {  	_ = 	snop  }
__scs_overlays_trampoline_lowered:
0x8: {  	[smem:$0x3FAC] =	sst s0  }
0x9: {  	[smem:$0x3FAD] =	sst s1  }
0xa: {  	[smem:$0x3FAE] =	sst s2  }
0xb: {  	[smem:$0x3FAF] =	sst s3  }
0xc: {  	[smem:$0x3FB0] =	sst s4  }
0xd: {  	[smem:$0x3FB1] =	sst s5  }
0xe: {  	[smem:$0x3FB2] =	sst s6  }
0xf: {  	[smem:$0x3FB3] =	sst s7  }
0x10: {  	[smem:$0x3FB4] =	sst s8  }
0x11: {  	[smem:$0x3FB5] =	sst s9;
	s0 =	simm.s32 @!p0 $0x0  }
0x12: {  	s1 =	sld [smem:$0x3F9B];
	s0 =	simm.s32 @p0 $0x1  }
0x13: {  	[smem:$0x3FB6] =	sst s0;
	s0 =	simm.s32 @!p1 $0x0  }
0x14: {  	s2 =	sld [smem:$0x3F9A];
	s0 =	simm.s32 @p1 $0x1  }
0x15: {  	[smem:$0x3FB7] =	sst s0;
	s0 =	simm.s32 @!p2 $0x0  }
0x16: {  	s3 =	sld [smem:$0x3FDB];
	s0 =	simm.s32 @p2 $0x1  }
0x17: {  	s4 =	simm.s32 $0x1BF5;
	[smem:$0x3FB9] =	sst s0  }
0x18: {  	s0 =	sld [smem:$0x3F9C];
	_ =	swait.ge [sflag:s4], $0x0  }
0x19: {  	s7 =	sld [smem:$0x3F9D]  }
0x1a: {  	s8 =	sadd.s32 $0xFFFFE003, lr  }
0x1b: {  	s9 =	sadd.s32 $0xFFFFFEF7, lr;
	s5 =	simm.s32 $0xFFFFFFFF;
	p2 =	slt.u32 s8, $0xFFFFF086  }
0x1c: {  	p1 =	slt.u32 s9, $0xF7A;
	s5 =	simm.s32 @!p2 $0x0  }
0x1d: {  	s5 =	simm.s32 @p1 $0x1;
	p0 =	seq.s32 s7, s2  }
0x1e: {  	s7 =	smul.u32 @!p0 $0xF7A, s2;
	p2 =	seq.s32 @!p0 s5, $0x0  }
0x1f: {  	s9 =	smul.u32 $0xF7A, s1;
	s8 =	simm.s32 @!p0 $0x1BF5;
	p2 =	por !p2, p0  }
0x20: {  	[sflag:s8] =	ssyncset.s32 @!p0 $0xFFFFF086;
	s6 =	sadd.s32 @!p0 s3, s7;
	s7 =	simm.s32 @!p0 $0x108  }
0x21: {  	s3 =	sadd.s32 s3, s9;
	s6 =	sadd.s32 @!p0 $0x88, s6;
	s7 =	simm.s32 @p2 $0x1082  }
0x22: {  	[simem:s7], [sflag:s8] =	dma.local @!p0 [hbm:s6], $0xF7A  }
0x23: {  	s9 =	sor.u32 $0xD0000000, s2;
	s6 =	simm.s32 $0x108;
	_ =	swait.ge @!p0 [sflag:s8], $0x0  }
0x24: {  	s3 =	sadd.s32 $0x88, s3;
	s6 =	simm.s32 @!p1 $0x1082;
	[sflag:s4] =	ssyncset.s32 $0xFFFFF086  }
0x25: {  	[simem:s6], [sflag:s4] =	dma.local [hbm:s3], $0xF7A  }
0x26: {  	[smem:$0x3F9D] =	sst s1;
	(tag) =	ssettag s2;
	_ =	strace s9  }
0x27: {  	s1 =	sld [smem:$0x3FAD]  }
0x28: {  	s2 =	sld [smem:$0x3FAE]  }
0x29: {  	s4 =	sld [smem:$0x3FB0]  }
0x2a: {  	p0 =	seq.s32 s5, $0x0;
	s5 =	sld [smem:$0x3FB1]  }
0x2b: {  	s6 =	sld [smem:$0x3FB2]  }
0x2c: {  	s7 =	sld [smem:$0x3FB3]  }
0x2d: {  	s3 =	simm.s32 $0x108;
	s8 =	sld [smem:$0x3FB4]  }
0x2e: {  	s3 =	simm.s32 @!p0 $0x1082;
	s9 =	sld [smem:$0x3FB5]  }
0x2f: {  	lr =	sadd.s32 s0, s3;
	s0 =	sld [smem:$0x3FAC]  }
0x30: {  	s3 =	sld [smem:$0x3FAF]  }
0x31: {  	[smem:$0x3FB8] =	sst s10  }
0x32: {  	s10 =	sld [smem:$0x3FB6];
	_ =	sdelay $0x3  }
0x33: {  	p0 =	seq.s32 s10, $0x1;
	s10 =	sld [smem:$0x3FB8];
	_ =	sdelay $0x3  }
0x34: {  	[smem:$0x3FB8] =	sst s10  }
0x35: {  	s10 =	sld [smem:$0x3FB7];
	_ =	sdelay $0x3  }
0x36: {  	p1 =	seq.s32 s10, $0x1;
	s10 =	sld [smem:$0x3FB8];
	_ =	sdelay $0x3  }
0x37: {  	[smem:$0x3FB8] =	sst s10  }
0x38: {  	s10 =	sld [smem:$0x3FB9]  }
0x39: {  	_ = 	snop;
	(pc) =	sbr.ind lr, $3  }
0x3a: {  	_ = 	snop  }
0x3b: {  	_ = 	snop  }
0x3c: {  	p2 =	seq.s32 s10, $0x1;
	s10 =	sld [smem:$0x3FB8]  }
0x3d: {  	_ =	shalt  }
0x3e: {  	_ =	shalt  }
0x3f: {  	_ =	shalt  }
0x40: {  	_ =	shalt  }
0x41: {  	_ =	shalt  }
0x42: {  	_ =	shalt  }
0x43: {  	_ =	shalt  }
0x44: {  	_ =	shalt  }
0x45: {  	_ =	shalt  }
0x46: {  	_ =	shalt  }
0x47: {  	_ =	shalt  }
0x48: {  	_ =	shalt  }
0x49: {  	_ =	shalt  }
0x4a: {  	_ =	shalt  }
0x4b: {  	_ =	shalt  }
0x4c: {  	_ =	shalt  }
0x4d: {  	_ =	shalt  }
0x4e: {  	_ =	shalt  }
0x4f: {  	_ =	shalt  }
0x50: {  	_ =	shalt  }
0x51: {  	_ =	shalt  }
0x52: {  	_ =	shalt  }
0x53: {  	_ =	shalt  }
0x54: {  	_ =	shalt  }
0x55: {  	_ =	shalt  }
0x56: {  	_ =	shalt  }
0x57: {  	_ =	shalt  }
0x58: {  	_ =	shalt  }
0x59: {  	_ =	shalt  }
0x5a: {  	_ =	shalt  }
0x5b: {  	_ =	shalt  }
0x5c: {  	_ =	shalt  }
0x5d: {  	_ =	shalt  }
0x5e: {  	_ =	shalt  }
0x5f: {  	_ =	shalt  }
0x60: {  	_ =	shalt  }
0x61: {  	_ =	shalt  }
0x62: {  	_ =	shalt  }
0x63: {  	_ =	shalt  }
0x64: {  	_ =	shalt  }
0x65: {  	_ =	shalt  }
0x66: {  	_ =	shalt  }
0x67: {  	_ =	shalt  }
0x68: {  	_ =	shalt  }
0x69: {  	_ =	shalt  }
0x6a: {  	_ =	shalt  }
0x6b: {  	_ =	shalt  }
0x6c: {  	_ =	shalt  }
0x6d: {  	_ =	shalt  }
0x6e: {  	_ =	shalt  }
0x6f: {  	_ =	shalt  }
0x70: {  	_ =	shalt  }
0x71: {  	_ =	shalt  }
0x72: {  	_ =	shalt  }
0x73: {  	_ =	shalt  }
0x74: {  	_ =	shalt  }
0x75: {  	_ =	shalt  }
0x76: {  	_ =	shalt  }
0x77: {  	_ =	shalt  }
0x78: {  	_ =	shalt  }
0x79: {  	_ =	shalt  }
0x7a: {  	_ =	shalt  }
0x7b: {  	_ =	shalt  }
0x7c: {  	_ =	shalt  }
0x7d: {  	_ =	shalt  }
0x7e: {  	_ =	shalt  }
0x7f: {  	_ =	shalt  }
0x80: {  	_ =	shalt  }
0x81: {  	_ =	shalt  }
0x82: {  	_ =	shalt  }
0x83: {  	_ =	shalt  }
0x84: {  	_ =	shalt  }
0x85: {  	_ =	shalt  }
0x86: {  	_ =	shalt  }
0x87: {  	_ =	shalt  }
.Lfunc_end0:
.L_simem_size_0:
called_computation_lowered:
.L_overlay_start_0:
0x88: {  	s2 =	sld [smem:$0x3FD9]  }
0x89: {  	s3 =	sld [smem:$0x3FFE];
	_ =	sdelay $0x1  }
0x8a: {  	s1 =	srdreg.scid  }
0x8b: {  	s0 =	sand.u32 $0x1, s1  }
0x8c: {  	s17 =	sshll.u32 s0, $0xA;
	s2 =	sadd.s32 s3, s2  }
0x8d: {  	s2 =	sadd.s32 s2, s17  }
0x8e: {  	[smem:$0x3FC4] =	sst s2  }
0x8f: {  	_ = 	snop  }
0x90: {  	s2 =	sld [smem:$0x3FD0];
	(tm) =	ssettm $0x1  }
0x91: {  	s18 =	sld [smem:$0x3FFB];
	_ =	sdelay $0x3  }
0x92: {  	_ =	strace s18  }
0x93: {  	s3 =	sld [smem:$0x3FFC];
	_ =	sdelay $0x3  }
0x94: {  	_ =	strace s3  }
0x95: {  	s3 =	sld [smem:$0x3FFD];
	_ =	sdelay $0x3  }
0x96: {  	_ =	strace s3  }
0x97: {  	_ =	strace $0x8FFFFFFF  }
0x98: {  	s19 =	sld [smem:$0x3FDB];
	_ =	sdelay $0x1  }
0x99: {  	s4 =	simm.s32 $_scs_section_size  }
0x9a: {  	s5 =	simm.s32 $_size__tile_overlayer_lowered;
	s6 =	simm.s32 $_tile_overlayer_lowered  }
0x9b: {  	s22 =	simm.s32 $0x1BFF;
	s21 =	sshll.u32 s6, $0x1;
	s3 =	sadd.s32 s4, s19  }
0x9c: {  	s7 =	simm.s32 $0x0;
	s20 =	sshll.u32 s5, $0x1;
	s5 =	sadd.s32 s21, s3  }
0x9d: {  	[timem:s7], [sflag:s22] =	dma.local [hbm:s5], s20  }
0x9e: {  	_ =	swait.ge [sflag:s22], s20  }
0x9f: {  	s4 =	ssub.s32 $0x0, s20;
	[sflag:s22] =	ssyncset.done $0x0  }
0xa0: {  	[sflag:s22] =	ssyncadd.s32 s4;
	_ =	sdelay $0x1  }
0xa1: {  	s23 =	simm.s32 $0x1B8B  }
0xa2: {  	_ =	swait.ge [sflag:s23], $0x1  }
0xa3: {  	[sflag:s23] =	ssyncset.done $0x0  }
0xa4: {  	s25 =	simm.s32 $0x1B8E;
	s24 =	sld [smem:$0x3FFE];
	[sflag:s23] =	ssyncadd.s32 $0xFFFFFFFF  }
0xa5: {  	s26 =	simm.s32 $execute0_lowered;
	[smem:$0x3FD2] =	sst s25  }
0xa6: {  	s5 =	sshll.u32 s26, $0x1;
	_ =	strace $0x80000046;
	[dreg:$0x1] =	wrdreg $0xFFFFFFFF  }
0xa7: {  	s28 =	simm.s32 $_size_execute0_lowered;
	s3 =	sadd.s32 s3, s5;
	[dreg:$0x0] =	wrdreg $0x0  }
0xa8: {  	s5 =	sshll.u32 s28, $0x1;
	[dreg:$0x2] =	wrdreg s3  }
0xa9: {  	[dreg:$0x3] =	wrdreg s5  }
0xaa: {  	[dreg:$0x4] =	wrdreg $0xC0  }
0xab: {  	_ =	task [dreg:s7], $0x5FFFF  }
0xac: {  	[dreg:$0x1] =	wrdreg $0xFFFFFFFF  }
0xad: {  	[dreg:$0x0] =	wrdreg $0x60  }
0xae: {  	[dreg:$0x2] =	wrdreg s24  }
0xaf: {  	[dreg:$0x3] =	wrdreg s2  }
0xb0: {  	[dreg:$0x4] =	wrdreg $0x9  }
0xb1: {  	_ =	task.clear_ibuf [dreg:s7], $0x5FFFF;
	_ =	strace $0x90000046  }
0xb2: {  	s29 =	simm.s32 $0x9;
	_ =	strace $0x80000048  }
0xb3: {  	_ =	swait.ge [sflag:s29], $0x1  }
0xb4: {  	[sflag:s29] =	ssyncadd.s32 $0xFFFFFFFF  }
0xb5: {  	_ =	strace $0x90000048  }
0xb6: {  	_ =	sfence  }
0xb7: {  	s30 =	sld [smem:$0x0];
	_ =	sdelay $0x2  }
0xb8: {  	s31 =	sshll.u32 s1, $0xD;
	s1 =	sshrl.u32 s1, $0x2  }
0xb9: {  	s3 =	sand.u32 $0x4000, s31;
	s1 =	sadd.s32 s1, s30  }
0xba: {  	s0 =	sor.u32 s3, s0;
	s1 =	sshll.u32 s1, $0x11  }
0xbb: {  	s0 =	sor.u32 s1, s0  }
0xbc: {  	s0 =	sadd.s32 $0x8F2B, s0  }
0xbd: {  	[sflag:s0] =	ssyncadd.remote.s32 $0x1  }
0xbe: {  	_ =	sfence.sel $0xFFFF  }
0xbf: {  	[dreg:$0x0] =	wrdreg $0xFFFFFFFF;
	(pc) =	sbr.abs _section_cstart, $3  }
0xc0: {  	[dreg:$0x1] =	wrdreg $0xFFFFFFFF  }
0xc1: {  	_ =	task.clear_ibuf [dreg:s7], $0x2FFFF;
	_ =	strace $0x9FFFFFFF  }
0xc2: {  	(tm) =	ssettm $0x7FFFFFFF  }
0xc3: {  	_ =	shalt  }
tec
execute0_lowered:
.L_overlay_start_1:
0x0: {  	(tag) =	ssettag $0x1  }
0x1: {  	s0 =	rddreg [dreg:$0x0]  }
0x2: {  	s2 =	rddreg [dreg:$0x1];
	s1 =	srdreg.scid  }
0x3: {  	s4 =	stileid.u32;
	s3 =	simm.s32 $0x0;
	s14 =	simm.s32 $0x5  }
0x4: {  	s15 =	simm.s32 $0x70;
	s16 =	simm.s32 $0x400;
	s17 =	simm.s32 $0x80  }
0x5: {  	s18 =	simm.s32 $0x100;
	s19 =	simm.s32 $0x180;
	s20 =	simm.s32 $0x200  }
0x6: {  	s21 =	simm.s32 $0x3C00;
	s22 =	simm.s32 $0x280;
	s23 =	simm.s32 $0x300  }
0x7: {  	s24 =	simm.s32 $0x380;
	s1 =	sand.u32 $0x1, s1;
	s4 =	sshll.u32 s4, $0x1  }
0x8: {  	s25 =	simm.s32 $0x1;
	s26 =	simm.s32 $0x2;
	s6 =	sor.u32 s1, s4  }
0x9: {  	s28 =	simm.s32 $0x0;
	s29 =	simm.s32 $0x0;
	s7 =	smul.u32 $0x380, s6  }
0xa: {  	[smem:$0x7FF] =	sst s3;
	s5 =	sadd.s32 $0x310E00, s0;
	s8 =	smul.u32 $0xE, s6  }
.Ltmp0:
0xb: {  	_ =	strace $0x80000047;
	s1 =	ssub.s32 $0x2, s1;
	(pc) =	sbr.rel .LBB2_1-.Ltmp0, $4  }
0xc: {  	s4 =	sadd.s32 $0x3A00, s0;
	s9 =	sshrl.u32 s1, $0x1;
	s6 =	smul.u32 $0x620, s6  }
0xd: {  	s1 =	ssub.s32 s1, s9;
	s9 =	sadd.s32 $0x3D4000, s0;
	s7 =	sadd.s32 s2, s7  }
0xe: {  	s10 =	sadd.s32 $0x2, s8;
	s11 =	sadd.s32 $0x70, s6;
	s31 =	sadd.s32 $0x40, s7  }
0xf: {  	v0 =	vimm.f32 $0.0e+00;
	s12 =	sadd.s32 $0x3, s8;
	s13 =	smax.u32 s1, $0x1;
	[dreg:$0x3] =	wrdreg s31  }
.LBB2_14:
0x10: {  	s28 =	sadd.s32 $0x1, s28  }
0x11: {  	p0 =	sne.s32 s28, s13  }
.Ltmp1:
0x12: {  	_ = 	snop;
	(pc) =	sbr.rel @!p0 .LBB2_15-.Ltmp1, $1  }
0x13: {  	_ =	sdelay $0x3  }
.LBB2_1:
0x14: {  	s0 =	simm.s32 $0x0;
	s1 =	simm.s32 $0x200  }
.LBB2_2:
0x15: {  	p0 =	sne.s32 s1, $0xDE00;
	[tilespmem:s0+$0x470] =	vst v0  }
0x16: {  	[tilespmem:s0+$0x400] =	vst v0  }
0x17: {  	[tilespmem:s0+$0x410] =	vst v0  }
.Ltmp2:
0x18: {  	[tilespmem:s0+$0x420] =	vst v0;
	(pc) =	sbr.rel @p0 .LBB2_2-.Ltmp2, $4  }
0x19: {  	[tilespmem:s0+$0x430] =	vst v0  }
0x1a: {  	[tilespmem:s0+$0x440] =	vst v0  }
0x1b: {  	[tilespmem:s0+$0x450] =	vst v0  }
0x1c: {  	[tilespmem:s0+$0x460] =	vst v0;
	s0 =	sshra.s32 s1, $0x2;
	s1 =	sadd.s32 $0x200, s1  }
0x1d: {  	[tilespmem:s0+$0x470] =	vst v0  }
0x1e: {  	[tilespmem:s0+$0x400] =	vst v0  }
0x1f: {  	[tilespmem:s0+$0x410] =	vst v0  }
0x20: {  	[tilespmem:s0+$0x420] =	vst v0  }
0x21: {  	[tilespmem:s0+$0x430] =	vst v0  }
0x22: {  	[tilespmem:s0+$0x440] =	vst v0  }
0x23: {  	[tilespmem:s0+$0x450] =	vst v0  }
0x24: {  	[tilespmem:s0+$0x460] =	vst v0;
	s0 =	simm.s32 $0x0;
	s1 =	simm.s32 $0x200  }
.LBB2_4:
0x25: {  	p0 =	sne.s32 s1, $0xDE00;
	[tilespmem:s0+$0x3C70] =	vst v0  }
0x26: {  	[tilespmem:s0+$0x3C00] =	vst v0  }
0x27: {  	[tilespmem:s0+$0x3C10] =	vst v0  }
.Ltmp3:
0x28: {  	[tilespmem:s0+$0x3C20] =	vst v0;
	(pc) =	sbr.rel @p0 .LBB2_4-.Ltmp3, $4  }
0x29: {  	[tilespmem:s0+$0x3C30] =	vst v0  }
0x2a: {  	[tilespmem:s0+$0x3C40] =	vst v0  }
0x2b: {  	[tilespmem:s0+$0x3C50] =	vst v0  }
0x2c: {  	[tilespmem:s0+$0x3C60] =	vst v0;
	s0 =	sshra.s32 s1, $0x2;
	s1 =	sadd.s32 $0x200, s1  }
0x2d: {  	[tilespmem:s0+$0x3C70] =	vst v0  }
0x2e: {  	[tilespmem:s0+$0x3C00] =	vst v0  }
0x2f: {  	[tilespmem:s0+$0x3C10] =	vst v0  }
0x30: {  	[tilespmem:s0+$0x3C20] =	vst v0  }
0x31: {  	[tilespmem:s0+$0x3C30] =	vst v0  }
0x32: {  	[tilespmem:s0+$0x3C40] =	vst v0  }
0x33: {  	[tilespmem:s0+$0x3C50] =	vst v0  }
0x34: {  	[tilespmem:s0+$0x3C60] =	vst v0  }
0x35: {  	[tilespmem:s29], [sflag:$0x5] =	stream.linear.gather [hbm4b:s7+s29], $0x200, $0x38;
	[tilespmem:$0x7400] =	vst v63  }
0x36: {  	_ =	swait.ge [sflag:s14], $0x200  }
0x37: {  	[sflag:s14] =	ssyncset.done $0x0  }
0x38: {  	[sflag:s14] =	ssyncadd.s32 $0xFFFFFE00  }
0x39: {  	[tilespmem:s16], [sflag:$0x1] =	stream.indirect.gather.add.f32 [hbm:s4], $0x80, s29, s15, $0xb8;
	[tilespmem:$0x7400] =	vst v63  }
0x3a: {  	_ = 	snop  }
0x3b: {  	[tilespmem:s16], [sflag:$0x1] =	stream.indirect.gather.add.f32 [hbm:s4], $0x80, s17, s15, $0xb8;
	[tilespmem:$0x7400] =	vst v63  }
0x3c: {  	_ = 	snop  }
0x3d: {  	[tilespmem:s16], [sflag:$0x1] =	stream.indirect.gather.add.f32 [hbm:s4], $0x80, s18, s15, $0xb8;
	[tilespmem:$0x7400] =	vst v63  }
0x3e: {  	_ = 	snop  }
0x3f: {  	[tilespmem:s16], [sflag:$0x1] =	stream.indirect.gather.add.f32 [hbm:s4], $0x80, s19, s15, $0xb8;
	[tilespmem:$0x7400] =	vst v63  }
0x40: {  	s31 =	rddreg [dreg:$0x3]  }
0x41: {  	[tilespmem:s20], [sflag:$0x5] =	stream.linear.gather [hbm4b:s31+s29], $0x200, $0x38;
	[tilespmem:$0x7400] =	vst v63  }
0x42: {  	_ =	swait.ge [sflag:s14], $0x200  }
0x43: {  	[sflag:s14] =	ssyncset.done $0x0  }
0x44: {  	[sflag:s14] =	ssyncadd.s32 $0xFFFFFE00  }
0x45: {  	[tilespmem:s21], [sflag:$0x2] =	stream.indirect.gather.add.f32 [hbm:s4], $0x80, s20, s15, $0xb8;
	[tilespmem:$0x7400] =	vst v63  }
0x46: {  	_ = 	snop  }
0x47: {  	[tilespmem:s21], [sflag:$0x2] =	stream.indirect.gather.add.f32 [hbm:s4], $0x80, s22, s15, $0xb8;
	[tilespmem:$0x7400] =	vst v63  }
0x48: {  	_ = 	snop  }
0x49: {  	[tilespmem:s21], [sflag:$0x2] =	stream.indirect.gather.add.f32 [hbm:s4], $0x80, s23, s15, $0xb8;
	[tilespmem:$0x7400] =	vst v63  }
0x4a: {  	s30 =	simm.s32 $0x0  }
0x4b: {  	[tilespmem:s21], [sflag:$0x2] =	stream.indirect.gather.add.f32 [hbm:s4], $0x80, s24, s15, $0xb8;
	[tilespmem:$0x7400] =	vst v63  }
.LBB2_6:
0x4c: {  	_ =	swait.ge [sflag:s25], $0x3800  }
0x4d: {  	[sflag:s25] =	ssyncset.done $0x0  }
0x4e: {  	[sflag:s25] =	ssyncadd.s32 $0xFFFFC800  }
0x4f: {  	_ =	swait.ge [sflag:s25], $0x3800  }
0x50: {  	[sflag:s25] =	ssyncset.done $0x0  }
0x51: {  	s0 =	smul.u32 $0xE0, s30;
	[sflag:s25] =	ssyncadd.s32 $0xFFFFC800  }
0x52: {  	_ =	swait.ge [sflag:s25], $0x3800  }
0x53: {  	s1 =	sadd.s32 s6, s0;
	[sflag:s25] =	ssyncset.done $0x0  }
0x54: {  	p1 =	sgt.u32 s1, $0xC2E0;
	[sflag:s25] =	ssyncadd.s32 $0xFFFFC800  }
0x55: {  	p0 =	sne.s32 @p1 s1, $0xC320;
	_ =	swait.ge [sflag:s25], $0x3800  }
0x56: {  	p0 =	por p0, !p1;
	[sflag:s25] =	ssyncset.done $0x0  }
0x57: {  	s8 =	simm.s32 @!p0 $0x0;
	s31 =	simm.s32 @!p0 $0x400;
	[sflag:s25] =	ssyncadd.s32 $0xFFFFC800  }
0x58: {  	[hbm4b:s9+s8] =	stream.linear.scatter @!p0 [tilespmem:s31], [sflag:$0x3], $0x1800, $0x38;
	[tilespmem:$0x7400] =	vst v63  }
0x59: {  	s8 =	simm.s32 @!p0 $0x3  }
0x5a: {  	s1 =	sshll.u32 @!p1 s1, $0x4;
	_ =	swait.ge @!p0 [sflag:s8], $0x1800  }
0x5b: {  	s1 =	sadd.s32 @!p1 s5, s1;
	s31 =	simm.s32 @!p1 $0x400;
	[sflag:s8] =	ssyncset.done @!p0 $0x0  }
0x5c: {  	[sflag:s8] =	ssyncadd.s32 @!p0 $0xFFFFE800;
	s8 =	simm.s32 @!p1 $0x0;
	p0 =	seq.s32 s30, $0x6  }
0x5d: {  	[hbm4b:s1+s8] =	stream.linear.scatter @!p1 [tilespmem:s31], [sflag:$0x3], $0x3800, $0x38;
	[tilespmem:$0x7400] =	vst v63  }
.Ltmp4:
0x5e: {  	_ = 	snop;
	(pc) =	sbr.rel @p0 .LBB2_10-.Ltmp4, $4  }
0x5f: {  	s1 =	simm.s32 @!p1 $0x3  }
0x60: {  	_ =	swait.ge @!p1 [sflag:s1], $0x3800  }
0x61: {  	[sflag:s1] =	ssyncset.done @!p1 $0x0  }
0x62: {  	s31 =	sshll.u32 s30, $0x1;
	[sflag:s1] =	ssyncadd.s32 @!p1 $0xFFFFC800  }
0x63: {  	s1 =	sshra.s32 s29, $0x2;
	s8 =	sadd.s32 $0x200, s29  }
.LBB2_8:
0x64: {  	p1 =	sne.s32 s8, $0xDE00;
	[tilespmem:s1+$0x470] =	vst v0  }
0x65: {  	[tilespmem:s1+$0x400] =	vst v0  }
0x66: {  	[tilespmem:s1+$0x410] =	vst v0  }
.Ltmp5:
0x67: {  	[tilespmem:s1+$0x420] =	vst v0;
	(pc) =	sbr.rel @p1 .LBB2_8-.Ltmp5, $4  }
0x68: {  	[tilespmem:s1+$0x430] =	vst v0  }
0x69: {  	[tilespmem:s1+$0x440] =	vst v0  }
0x6a: {  	[tilespmem:s1+$0x450] =	vst v0  }
0x6b: {  	[tilespmem:s1+$0x460] =	vst v0;
	s1 =	sshra.s32 s8, $0x2;
	s8 =	sadd.s32 $0x200, s8  }
0x6c: {  	[tilespmem:s1+$0x470] =	vst v0  }
0x6d: {  	[tilespmem:s1+$0x400] =	vst v0  }
0x6e: {  	[tilespmem:s1+$0x410] =	vst v0  }
0x6f: {  	[tilespmem:s1+$0x420] =	vst v0  }
0x70: {  	[tilespmem:s1+$0x430] =	vst v0;
	s8 =	sadd.s32 s31, s10  }
0x71: {  	[tilespmem:s1+$0x440] =	vst v0;
	s8 =	sshll.u32 s8, $0x6  }
0x72: {  	[tilespmem:s1+$0x450] =	vst v0;
	s8 =	sand.u32 $0x1FFFFF80, s8  }
0x73: {  	[tilespmem:s1+$0x460] =	vst v0;
	s8 =	sadd.s32 s2, s8  }
0x74: {  	[tilespmem:s3], [sflag:$0x5] =	stream.linear.gather [hbm4b:s8+s3], $0x200, $0x38;
	[tilespmem:$0x7400] =	vst v63  }
0x75: {  	_ =	swait.ge [sflag:s14], $0x200  }
0x76: {  	[sflag:s14] =	ssyncset.done $0x0  }
0x77: {  	[sflag:s14] =	ssyncadd.s32 $0xFFFFFE00  }
0x78: {  	[tilespmem:s16], [sflag:$0x1] =	stream.indirect.gather.add.f32 [hbm:s4], $0x80, s3, s15, $0xb8;
	[tilespmem:$0x7400] =	vst v63  }
0x79: {  	_ = 	snop  }
0x7a: {  	[tilespmem:s16], [sflag:$0x1] =	stream.indirect.gather.add.f32 [hbm:s4], $0x80, s17, s15, $0xb8;
	[tilespmem:$0x7400] =	vst v63  }
0x7b: {  	_ = 	snop  }
0x7c: {  	[tilespmem:s16], [sflag:$0x1] =	stream.indirect.gather.add.f32 [hbm:s4], $0x80, s18, s15, $0xb8;
	[tilespmem:$0x7400] =	vst v63  }
0x7d: {  	_ = 	snop  }
0x7e: {  	[tilespmem:s16], [sflag:$0x1] =	stream.indirect.gather.add.f32 [hbm:s4], $0x80, s19, s15, $0xb8;
	[tilespmem:$0x7400] =	vst v63  }
.LBB2_10:
0x7f: {  	_ =	swait.ge [sflag:s26], $0x3800  }
0x80: {  	[sflag:s26] =	ssyncset.done $0x0  }
0x81: {  	[sflag:s26] =	ssyncadd.s32 $0xFFFFC800  }
0x82: {  	_ =	swait.ge [sflag:s26], $0x3800  }
0x83: {  	[sflag:s26] =	ssyncset.done $0x0  }
0x84: {  	[sflag:s26] =	ssyncadd.s32 $0xFFFFC800  }
0x85: {  	_ =	swait.ge [sflag:s26], $0x3800  }
0x86: {  	[sflag:s26] =	ssyncset.done $0x0  }
0x87: {  	s0 =	sadd.s32 s0, s11;
	[sflag:s26] =	ssyncadd.s32 $0xFFFFC800  }
0x88: {  	p1 =	sgt.u32 s0, $0xC2E0;
	_ =	swait.ge [sflag:s26], $0x3800  }
0x89: {  	s0 =	sshll.u32 @!p1 s0, $0x4;
	s1 =	simm.s32 @!p1 $0x0;
	[sflag:s26] =	ssyncset.done $0x0  }
0x8a: {  	s8 =	simm.s32 @!p1 $0x3C00;
	s0 =	sadd.s32 @!p1 s5, s0;
	[sflag:s26] =	ssyncadd.s32 $0xFFFFC800  }
0x8b: {  	[hbm4b:s0+s1] =	stream.linear.scatter @!p1 [tilespmem:s8], [sflag:$0x4], $0x3800, $0x38;
	[tilespmem:$0x7400] =	vst v63  }
.Ltmp6:
0x8c: {  	_ = 	snop;
	(pc) =	sbr.rel @p0 .LBB2_14-.Ltmp6, $4  }
0x8d: {  	s0 =	simm.s32 @!p1 $0x4  }
0x8e: {  	_ =	swait.ge @!p1 [sflag:s0], $0x3800  }
0x8f: {  	[sflag:s0] =	ssyncset.done @!p1 $0x0  }
0x90: {  	s1 =	simm.s32 $0x0;
	[sflag:s0] =	ssyncadd.s32 @!p1 $0xFFFFC800  }
0x91: {  	s0 =	sshra.s32 s1, $0x2;
	s1 =	sadd.s32 $0x200, s1  }
.LBB2_12:
0x92: {  	p0 =	sne.s32 s1, $0xDE00;
	[tilespmem:s0+$0x3C70] =	vst v0  }
0x93: {  	[tilespmem:s0+$0x3C00] =	vst v0  }
0x94: {  	[tilespmem:s0+$0x3C10] =	vst v0  }
.Ltmp7:
0x95: {  	[tilespmem:s0+$0x3C20] =	vst v0;
	(pc) =	sbr.rel @p0 .LBB2_12-.Ltmp7, $4  }
0x96: {  	[tilespmem:s0+$0x3C30] =	vst v0  }
0x97: {  	[tilespmem:s0+$0x3C40] =	vst v0  }
0x98: {  	[tilespmem:s0+$0x3C50] =	vst v0  }
0x99: {  	[tilespmem:s0+$0x3C60] =	vst v0;
	s0 =	sshra.s32 s1, $0x2;
	s1 =	sadd.s32 $0x200, s1  }
0x9a: {  	[tilespmem:s0+$0x3C70] =	vst v0  }
0x9b: {  	[tilespmem:s0+$0x3C00] =	vst v0  }
0x9c: {  	[tilespmem:s0+$0x3C10] =	vst v0  }
0x9d: {  	[tilespmem:s0+$0x3C20] =	vst v0  }
0x9e: {  	[tilespmem:s0+$0x3C30] =	vst v0;
	s1 =	sadd.s32 s31, s12  }
0x9f: {  	[tilespmem:s0+$0x3C40] =	vst v0;
	s1 =	sshll.u32 s1, $0x6  }
0xa0: {  	[tilespmem:s0+$0x3C50] =	vst v0;
	s1 =	sand.u32 $0x1FFFFFC0, s1  }
0xa1: {  	[tilespmem:s0+$0x3C60] =	vst v0;
	s31 =	sadd.s32 s2, s1  }
0xa2: {  	[tilespmem:s20], [sflag:$0x5] =	stream.linear.gather [hbm4b:s31+s3], $0x200, $0x38;
	[tilespmem:$0x7400] =	vst v63  }
0xa3: {  	_ =	swait.ge [sflag:s14], $0x200  }
0xa4: {  	[sflag:s14] =	ssyncset.done $0x0  }
0xa5: {  	[sflag:s14] =	ssyncadd.s32 $0xFFFFFE00  }
0xa6: {  	[tilespmem:s21], [sflag:$0x2] =	stream.indirect.gather.add.f32 [hbm:s4], $0x80, s20, s15, $0xb8;
	[tilespmem:$0x7400] =	vst v63  }
0xa7: {  	_ = 	snop  }
0xa8: {  	[tilespmem:s21], [sflag:$0x2] =	stream.indirect.gather.add.f32 [hbm:s4], $0x80, s22, s15, $0xb8;
	[tilespmem:$0x7400] =	vst v63  }
.Ltmp8:
0xa9: {  	_ = 	snop;
	(pc) =	sbr.rel .LBB2_6-.Ltmp8, $4  }
0xaa: {  	_ = 	snop  }
0xab: {  	[tilespmem:s21], [sflag:$0x2] =	stream.indirect.gather.add.f32 [hbm:s4], $0x80, s23, s15, $0xb8;
	[tilespmem:$0x7400] =	vst v63  }
0xac: {  	s30 =	sadd.s32 $0x1, s30  }
0xad: {  	[tilespmem:s21], [sflag:$0x2] =	stream.indirect.gather.add.f32 [hbm:s4], $0x80, s24, s15, $0xb8;
	[tilespmem:$0x7400] =	vst v63  }
.LBB2_15:
0xae: {  	_ =	sfence.sel $0x180000  }
0xaf: {  	[bflag:$0x0] =	sbarrier.arrive $0xFFFF  }
0xb0: {  	_ =	strace $0x90000047  }
0xb1: {  	s0 =	stileid.u32;
	[bflag:$0x2] =	sbarrier.arrive $0xFFFF  }
0xb2: {  	p0 =	sne.s32 s0, $0x0;
	s0 =	rddreg [dreg:$0x2]  }
0xb3: {  	s0 =	sadd.s32 @!p0 $0x100000, s0  }
0xb4: {  	[sflag:s0] =	ssyncadd.tile.s32 @!p0 $0x1;
	_ =	shalt  }
.Lfunc_end2:
_tile_overlayer_lowered:
.L_overlay_start_2:
0xb5: {  	(tag) =	ssettag $0x2  }
0xb6: {  	s0 =	rddreg [dreg:$0x0];
	s2 =	stileid.u32  }
0xb7: {  	s1 =	rddreg [dreg:$0x1];
	p0 =	sne.s32 s2, $0x0  }
0xb8: {  	s3 =	rddreg [dreg:$0x2];
	[bflag:$0x3] =	sbarrier.arrive $0xFFFF;
	s2 =	simm.s32 @!p0 $0x1C05  }
0xb9: {  	[timem:s3], [sflag:s2] =	dma.local @!p0 [hbm:s0], s1  }
0xba: {  	s0 =	simm.s32 @!p0 $0x5  }
0xbb: {  	_ =	swait.ge @!p0 [sflag:s0], s1  }
0xbc: {  	s1 =	ssub.s32 @!p0 $0x0, s1;
	[sflag:s0] =	ssyncset.done @!p0 $0x0  }
0xbd: {  	[sflag:s0] =	ssyncadd.s32 @!p0 s1  }
0xbe: {  	[bflag:$0x3] =	sbarrier.arrive $0xFFFF  }
0xbf: {  	_ =	shalt  }

// kernel: kernel.9.cloned.1.call-start
scs
__scs_entry_jumppad:
0x0: {  	(pc) =	sbr.rel $0x88, $3  }
0x1: {  	(tag) =	ssettag $0x0;
	lr =	simm.s32 $0x1  }
0x2: {  	[smem:$0x3F9D] =	sst lr;
	_ =	strace $0xD0000000  }
0x3: {  	_ = 	snop  }
0x4: {  	_ = 	snop  }
0x5: {  	_ = 	snop  }
0x6: {  	_ = 	snop  }
0x7: {  	_ = 	snop  }
__scs_overlays_trampoline_lowered:
0x8: {  	[smem:$0x3FAC] =	sst s0  }
0x9: {  	[smem:$0x3FAD] =	sst s1  }
0xa: {  	[smem:$0x3FAE] =	sst s2  }
0xb: {  	[smem:$0x3FAF] =	sst s3  }
0xc: {  	[smem:$0x3FB0] =	sst s4  }
0xd: {  	[smem:$0x3FB1] =	sst s5  }
0xe: {  	[smem:$0x3FB2] =	sst s6  }
0xf: {  	[smem:$0x3FB3] =	sst s7  }
0x10: {  	[smem:$0x3FB4] =	sst s8  }
0x11: {  	[smem:$0x3FB5] =	sst s9;
	s0 =	simm.s32 @!p0 $0x0  }
0x12: {  	s1 =	sld [smem:$0x3F9B];
	s0 =	simm.s32 @p0 $0x1  }
0x13: {  	[smem:$0x3FB6] =	sst s0;
	s0 =	simm.s32 @!p1 $0x0  }
0x14: {  	s2 =	sld [smem:$0x3F9A];
	s0 =	simm.s32 @p1 $0x1  }
0x15: {  	[smem:$0x3FB7] =	sst s0;
	s0 =	simm.s32 @!p2 $0x0  }
0x16: {  	s3 =	sld [smem:$0x3FDB];
	s0 =	simm.s32 @p2 $0x1  }
0x17: {  	s4 =	simm.s32 $0x1BF5;
	[smem:$0x3FB9] =	sst s0  }
0x18: {  	s0 =	sld [smem:$0x3F9C];
	_ =	swait.ge [sflag:s4], $0x0  }
0x19: {  	s7 =	sld [smem:$0x3F9D]  }
0x1a: {  	s8 =	sadd.s32 $0xFFFFE003, lr  }
0x1b: {  	s9 =	sadd.s32 $0xFFFFFEF7, lr;
	s5 =	simm.s32 $0xFFFFFFFF;
	p2 =	slt.u32 s8, $0xFFFFF086  }
0x1c: {  	p1 =	slt.u32 s9, $0xF7A;
	s5 =	simm.s32 @!p2 $0x0  }
0x1d: {  	s5 =	simm.s32 @p1 $0x1;
	p0 =	seq.s32 s7, s2  }
0x1e: {  	s7 =	smul.u32 @!p0 $0xF7A, s2;
	p2 =	seq.s32 @!p0 s5, $0x0  }
0x1f: {  	s9 =	smul.u32 $0xF7A, s1;
	s8 =	simm.s32 @!p0 $0x1BF5;
	p2 =	por !p2, p0  }
0x20: {  	[sflag:s8] =	ssyncset.s32 @!p0 $0xFFFFF086;
	s6 =	sadd.s32 @!p0 s3, s7;
	s7 =	simm.s32 @!p0 $0x108  }
0x21: {  	s3 =	sadd.s32 s3, s9;
	s6 =	sadd.s32 @!p0 $0x88, s6;
	s7 =	simm.s32 @p2 $0x1082  }
0x22: {  	[simem:s7], [sflag:s8] =	dma.local @!p0 [hbm:s6], $0xF7A  }
0x23: {  	s9 =	sor.u32 $0xD0000000, s2;
	s6 =	simm.s32 $0x108;
	_ =	swait.ge @!p0 [sflag:s8], $0x0  }
0x24: {  	s3 =	sadd.s32 $0x88, s3;
	s6 =	simm.s32 @!p1 $0x1082;
	[sflag:s4] =	ssyncset.s32 $0xFFFFF086  }
0x25: {  	[simem:s6], [sflag:s4] =	dma.local [hbm:s3], $0xF7A  }
0x26: {  	[smem:$0x3F9D] =	sst s1;
	(tag) =	ssettag s2;
	_ =	strace s9  }
0x27: {  	s1 =	sld [smem:$0x3FAD]  }
0x28: {  	s2 =	sld [smem:$0x3FAE]  }
0x29: {  	s4 =	sld [smem:$0x3FB0]  }
0x2a: {  	p0 =	seq.s32 s5, $0x0;
	s5 =	sld [smem:$0x3FB1]  }
0x2b: {  	s6 =	sld [smem:$0x3FB2]  }
0x2c: {  	s7 =	sld [smem:$0x3FB3]  }
0x2d: {  	s3 =	simm.s32 $0x108;
	s8 =	sld [smem:$0x3FB4]  }
0x2e: {  	s3 =	simm.s32 @!p0 $0x1082;
	s9 =	sld [smem:$0x3FB5]  }
0x2f: {  	lr =	sadd.s32 s0, s3;
	s0 =	sld [smem:$0x3FAC]  }
0x30: {  	s3 =	sld [smem:$0x3FAF]  }
0x31: {  	[smem:$0x3FB8] =	sst s10  }
0x32: {  	s10 =	sld [smem:$0x3FB6];
	_ =	sdelay $0x3  }
0x33: {  	p0 =	seq.s32 s10, $0x1;
	s10 =	sld [smem:$0x3FB8];
	_ =	sdelay $0x3  }
0x34: {  	[smem:$0x3FB8] =	sst s10  }
0x35: {  	s10 =	sld [smem:$0x3FB7];
	_ =	sdelay $0x3  }
0x36: {  	p1 =	seq.s32 s10, $0x1;
	s10 =	sld [smem:$0x3FB8];
	_ =	sdelay $0x3  }
0x37: {  	[smem:$0x3FB8] =	sst s10  }
0x38: {  	s10 =	sld [smem:$0x3FB9]  }
0x39: {  	_ = 	snop;
	(pc) =	sbr.ind lr, $3  }
0x3a: {  	_ = 	snop  }
0x3b: {  	_ = 	snop  }
0x3c: {  	p2 =	seq.s32 s10, $0x1;
	s10 =	sld [smem:$0x3FB8]  }
0x3d: {  	_ =	shalt  }
0x3e: {  	_ =	shalt  }
0x3f: {  	_ =	shalt  }
0x40: {  	_ =	shalt  }
0x41: {  	_ =	shalt  }
0x42: {  	_ =	shalt  }
0x43: {  	_ =	shalt  }
0x44: {  	_ =	shalt  }
0x45: {  	_ =	shalt  }
0x46: {  	_ =	shalt  }
0x47: {  	_ =	shalt  }
0x48: {  	_ =	shalt  }
0x49: {  	_ =	shalt  }
0x4a: {  	_ =	shalt  }
0x4b: {  	_ =	shalt  }
0x4c: {  	_ =	shalt  }
0x4d: {  	_ =	shalt  }
0x4e: {  	_ =	shalt  }
0x4f: {  	_ =	shalt  }
0x50: {  	_ =	shalt  }
0x51: {  	_ =	shalt  }
0x52: {  	_ =	shalt  }
0x53: {  	_ =	shalt  }
0x54: {  	_ =	shalt  }
0x55: {  	_ =	shalt  }
0x56: {  	_ =	shalt  }
0x57: {  	_ =	shalt  }
0x58: {  	_ =	shalt  }
0x59: {  	_ =	shalt  }
0x5a: {  	_ =	shalt  }
0x5b: {  	_ =	shalt  }
0x5c: {  	_ =	shalt  }
0x5d: {  	_ =	shalt  }
0x5e: {  	_ =	shalt  }
0x5f: {  	_ =	shalt  }
0x60: {  	_ =	shalt  }
0x61: {  	_ =	shalt  }
0x62: {  	_ =	shalt  }
0x63: {  	_ =	shalt  }
0x64: {  	_ =	shalt  }
0x65: {  	_ =	shalt  }
0x66: {  	_ =	shalt  }
0x67: {  	_ =	shalt  }
0x68: {  	_ =	shalt  }
0x69: {  	_ =	shalt  }
0x6a: {  	_ =	shalt  }
0x6b: {  	_ =	shalt  }
0x6c: {  	_ =	shalt  }
0x6d: {  	_ =	shalt  }
0x6e: {  	_ =	shalt  }
0x6f: {  	_ =	shalt  }
0x70: {  	_ =	shalt  }
0x71: {  	_ =	shalt  }
0x72: {  	_ =	shalt  }
0x73: {  	_ =	shalt  }
0x74: {  	_ =	shalt  }
0x75: {  	_ =	shalt  }
0x76: {  	_ =	shalt  }
0x77: {  	_ =	shalt  }
0x78: {  	_ =	shalt  }
0x79: {  	_ =	shalt  }
0x7a: {  	_ =	shalt  }
0x7b: {  	_ =	shalt  }
0x7c: {  	_ =	shalt  }
0x7d: {  	_ =	shalt  }
0x7e: {  	_ =	shalt  }
0x7f: {  	_ =	shalt  }
0x80: {  	_ =	shalt  }
0x81: {  	_ =	shalt  }
0x82: {  	_ =	shalt  }
0x83: {  	_ =	shalt  }
0x84: {  	_ =	shalt  }
0x85: {  	_ =	shalt  }
0x86: {  	_ =	shalt  }
0x87: {  	_ =	shalt  }
.Lfunc_end0:
.L_simem_size_0:
called_computation.1_lowered:
.L_overlay_start_0:
0x88: {  	s2 =	sld [smem:$0x3FD9]  }
0x89: {  	s3 =	sld [smem:$0x3FFE];
	_ =	sdelay $0x1  }
0x8a: {  	s1 =	srdreg.scid  }
0x8b: {  	s0 =	sand.u32 $0x1, s1  }
0x8c: {  	s17 =	sshll.u32 s0, $0xA;
	s2 =	sadd.s32 s3, s2  }
0x8d: {  	s2 =	sadd.s32 s2, s17  }
0x8e: {  	[smem:$0x3FC4] =	sst s2  }
0x8f: {  	_ = 	snop  }
0x90: {  	s2 =	sld [smem:$0x3FD0];
	(tm) =	ssettm $0x1  }
0x91: {  	s18 =	sld [smem:$0x3FFB];
	_ =	sdelay $0x3  }
0x92: {  	_ =	strace s18  }
0x93: {  	s3 =	sld [smem:$0x3FFC];
	_ =	sdelay $0x3  }
0x94: {  	_ =	strace s3  }
0x95: {  	s3 =	sld [smem:$0x3FFD];
	_ =	sdelay $0x3  }
0x96: {  	_ =	strace s3  }
0x97: {  	_ =	strace $0x8FFFFFFF  }
0x98: {  	s19 =	sld [smem:$0x3FDB];
	_ =	sdelay $0x1  }
0x99: {  	s4 =	simm.s32 $_scs_section_size  }
0x9a: {  	s5 =	simm.s32 $_size__tile_overlayer_lowered;
	s6 =	simm.s32 $_tile_overlayer_lowered  }
0x9b: {  	s22 =	simm.s32 $0x1BFF;
	s21 =	sshll.u32 s6, $0x1;
	s3 =	sadd.s32 s4, s19  }
0x9c: {  	s7 =	simm.s32 $0x0;
	s20 =	sshll.u32 s5, $0x1;
	s5 =	sadd.s32 s21, s3  }
0x9d: {  	[timem:s7], [sflag:s22] =	dma.local [hbm:s5], s20  }
0x9e: {  	_ =	swait.ge [sflag:s22], s20  }
0x9f: {  	s4 =	ssub.s32 $0x0, s20;
	[sflag:s22] =	ssyncset.done $0x0  }
0xa0: {  	[sflag:s22] =	ssyncadd.s32 s4;
	_ =	sdelay $0x1  }
0xa1: {  	s23 =	simm.s32 $0x1B8B  }
0xa2: {  	_ =	swait.ge [sflag:s23], $0x1  }
0xa3: {  	[sflag:s23] =	ssyncset.done $0x0  }
0xa4: {  	s25 =	simm.s32 $0x1B8E;
	s24 =	sld [smem:$0x3FFE];
	[sflag:s23] =	ssyncadd.s32 $0xFFFFFFFF  }
0xa5: {  	s26 =	simm.s32 $execute0_lowered;
	[smem:$0x3FD2] =	sst s25  }
0xa6: {  	s5 =	sshll.u32 s26, $0x1;
	_ =	strace $0x80000049;
	[dreg:$0x1] =	wrdreg $0xFFFFFFFF  }
0xa7: {  	s28 =	simm.s32 $_size_execute0_lowered;
	s3 =	sadd.s32 s3, s5;
	[dreg:$0x0] =	wrdreg $0x0  }
0xa8: {  	s5 =	sshll.u32 s28, $0x1;
	[dreg:$0x2] =	wrdreg s3  }
0xa9: {  	[dreg:$0x3] =	wrdreg s5  }
0xaa: {  	[dreg:$0x4] =	wrdreg $0xC0  }
0xab: {  	_ =	task [dreg:s7], $0x5FFFF  }
0xac: {  	[dreg:$0x1] =	wrdreg $0xFFFFFFFF  }
0xad: {  	[dreg:$0x0] =	wrdreg $0x60  }
0xae: {  	[dreg:$0x2] =	wrdreg s24  }
0xaf: {  	[dreg:$0x3] =	wrdreg s2  }
0xb0: {  	[dreg:$0x4] =	wrdreg $0x9  }
0xb1: {  	_ =	task.clear_ibuf [dreg:s7], $0x5FFFF;
	_ =	strace $0x90000049  }
0xb2: {  	s29 =	simm.s32 $0x9;
	_ =	strace $0x8000004B  }
0xb3: {  	_ =	swait.ge [sflag:s29], $0x1  }
0xb4: {  	[sflag:s29] =	ssyncadd.s32 $0xFFFFFFFF  }
0xb5: {  	_ =	strace $0x9000004B  }
0xb6: {  	_ =	sfence  }
0xb7: {  	s30 =	sld [smem:$0x0];
	_ =	sdelay $0x2  }
0xb8: {  	s31 =	sshll.u32 s1, $0xD;
	s1 =	sshrl.u32 s1, $0x2  }
0xb9: {  	s3 =	sand.u32 $0x4000, s31;
	s1 =	sadd.s32 s1, s30  }
0xba: {  	s0 =	sor.u32 s3, s0;
	s1 =	sshll.u32 s1, $0x11  }
0xbb: {  	s0 =	sor.u32 s1, s0  }
0xbc: {  	s0 =	sadd.s32 $0x8F2B, s0  }
0xbd: {  	[sflag:s0] =	ssyncadd.remote.s32 $0x1  }
0xbe: {  	_ =	sfence.sel $0xFFFF  }
0xbf: {  	[dreg:$0x0] =	wrdreg $0xFFFFFFFF;
	(pc) =	sbr.abs _section_cstart, $3  }
0xc0: {  	[dreg:$0x1] =	wrdreg $0xFFFFFFFF  }
0xc1: {  	_ =	task.clear_ibuf [dreg:s7], $0x2FFFF;
	_ =	strace $0x9FFFFFFF  }
0xc2: {  	(tm) =	ssettm $0x7FFFFFFF  }
0xc3: {  	_ =	shalt  }
tec
execute0_lowered:
.L_overlay_start_1:
0x0: {  	(tag) =	ssettag $0x1  }
0x1: {  	s0 =	rddreg [dreg:$0x0]  }
0x2: {  	s2 =	rddreg [dreg:$0x1]  }
0x3: {  	s3 =	simm.s32 $0x0;
	s1 =	srdreg.scid;
	s4 =	stileid.u32  }
0x4: {  	s15 =	simm.s32 $0x5;
	s16 =	simm.s32 $0x70;
	s17 =	simm.s32 $0x800  }
0x5: {  	s20 =	simm.s32 $0x180;
	s21 =	simm.s32 $0x200;
	s22 =	simm.s32 $0x280  }
0x6: {  	s23 =	simm.s32 $0x400;
	s24 =	simm.s32 $0x4000;
	s28 =	simm.s32 $0x580  }
0x7: {  	s29 =	simm.s32 $0x600;
	s30 =	simm.s32 $0x680;
	s31 =	simm.s32 $0x1  }
0x8: {  	[smem:$0x7FF] =	sst s3;
	s1 =	sand.u32 $0x1, s1;
	s5 =	sshll.u32 s4, $0x1  }
0x9: {  	s4 =	sadd.s32 $0x3D4400, s0;
	s6 =	sadd.s32 $0x7A4E00, s0;
	s7 =	sor.u32 s1, s5  }
0xa: {  	s10 =	sadd.s32 $0xC3200, s2;
	s1 =	ssub.s32 $0x2, s1;
	s8 =	smul.u32 $0x700, s7  }
0xb: {  	_ =	strace $0x8000004A;
	s25 =	sshrl.u32 s1, $0x1;
	s9 =	smul.u32 $0xE, s7  }
0xc: {  	s5 =	sadd.s32 $0x310E00, s0;
	s7 =	smul.u32 $0x620, s7;
	s0 =	ssub.s32 s1, s25  }
.Ltmp0:
0xd: {  	s25 =	simm.s32 $0x480;
	s26 =	sadd.s32 s6, s8;
	(pc) =	sbr.rel .LBB2_1-.Ltmp0, $4  }
0xe: {  	s11 =	sadd.s32 $0x2, s9;
	s12 =	sadd.s32 $0x70, s7;
	s13 =	sadd.s32 $0x3, s9  }
0xf: {  	s0 =	smax.u32 s0, $0x1;
	s8 =	simm.s32 $0x0;
	[dreg:$0x3] =	wrdreg s26  }
0x10: {  	s9 =	simm.s32 $0x0;
	s1 =	sadd.s32 $0x80, s26;
	[dreg:$0x5] =	wrdreg s0  }
0x11: {  	v0 =	vimm.f32 $0.0e+00;
	s26 =	simm.s32 $0x500;
	s0 =	simm.s32 $0x2;
	[dreg:$0x4] =	wrdreg s1  }
.LBB2_14:
0x12: {  	s8 =	rddreg [dreg:$0x6]  }
0x13: {  	s1 =	rddreg [dreg:$0x5];
	s8 =	sadd.s32 $0x1, s8  }
0x14: {  	p0 =	sne.s32 s8, s1  }
.Ltmp1:
0x15: {  	_ = 	snop;
	(pc) =	sbr.rel @!p0 .LBB2_15-.Ltmp1, $1  }
0x16: {  	_ =	sdelay $0x3  }
.LBB2_1:
0x17: {  	[dreg:$0x6] =	wrdreg s8;
	s1 =	simm.s32 $0x0;
	s8 =	simm.s32 $0x200  }
.LBB2_2:
0x18: {  	p0 =	sne.s32 s8, $0xDE00;
	[tilespmem:s1+$0x870] =	vst v0  }
0x19: {  	[tilespmem:s1+$0x800] =	vst v0  }
0x1a: {  	[tilespmem:s1+$0x810] =	vst v0  }
.Ltmp2:
0x1b: {  	[tilespmem:s1+$0x820] =	vst v0;
	(pc) =	sbr.rel @p0 .LBB2_2-.Ltmp2, $4  }
0x1c: {  	[tilespmem:s1+$0x830] =	vst v0  }
0x1d: {  	[tilespmem:s1+$0x840] =	vst v0  }
0x1e: {  	[tilespmem:s1+$0x850] =	vst v0  }
0x1f: {  	[tilespmem:s1+$0x860] =	vst v0;
	s1 =	sshra.s32 s8, $0x2;
	s8 =	sadd.s32 $0x200, s8  }
0x20: {  	[tilespmem:s1+$0x870] =	vst v0  }
0x21: {  	[tilespmem:s1+$0x800] =	vst v0  }
0x22: {  	[tilespmem:s1+$0x810] =	vst v0  }
0x23: {  	[tilespmem:s1+$0x820] =	vst v0  }
0x24: {  	[tilespmem:s1+$0x830] =	vst v0  }
0x25: {  	[tilespmem:s1+$0x840] =	vst v0  }
0x26: {  	[tilespmem:s1+$0x850] =	vst v0  }
0x27: {  	[tilespmem:s1+$0x860] =	vst v0;
	s1 =	simm.s32 $0x0;
	s8 =	simm.s32 $0x200  }
.LBB2_4:
0x28: {  	p0 =	sne.s32 s8, $0xDE00;
	[tilespmem:s1+$0x4070] =	vst v0  }
0x29: {  	[tilespmem:s1+$0x4000] =	vst v0  }
0x2a: {  	[tilespmem:s1+$0x4010] =	vst v0  }
.Ltmp3:
0x2b: {  	[tilespmem:s1+$0x4020] =	vst v0;
	(pc) =	sbr.rel @p0 .LBB2_4-.Ltmp3, $4  }
0x2c: {  	[tilespmem:s1+$0x4030] =	vst v0  }
0x2d: {  	[tilespmem:s1+$0x4040] =	vst v0  }
0x2e: {  	[tilespmem:s1+$0x4050] =	vst v0  }
0x2f: {  	[tilespmem:s1+$0x4060] =	vst v0;
	s1 =	sshra.s32 s8, $0x2;
	s8 =	sadd.s32 $0x200, s8  }
0x30: {  	[tilespmem:s1+$0x4070] =	vst v0  }
0x31: {  	[tilespmem:s1+$0x4000] =	vst v0  }
0x32: {  	[tilespmem:s1+$0x4010] =	vst v0  }
0x33: {  	[tilespmem:s1+$0x4020] =	vst v0  }
0x34: {  	[tilespmem:s1+$0x4030] =	vst v0  }
0x35: {  	[tilespmem:s1+$0x4040] =	vst v0  }
0x36: {  	[tilespmem:s1+$0x4050] =	vst v0  }
0x37: {  	[tilespmem:s1+$0x4060] =	vst v0;
	s8 =	rddreg [dreg:$0x3]  }
0x38: {  	[tilespmem:s9], [sflag:$0x5] =	stream.linear.gather [hbm4b:s8+s9], $0x300, $0x38;
	[tilespmem:$0x7800] =	vst v63  }
0x39: {  	_ =	swait.ge [sflag:s15], $0x300  }
0x3a: {  	[sflag:s15] =	ssyncset.done $0x0  }
0x3b: {  	[sflag:s15] =	ssyncadd.s32 $0xFFFFFD00  }
0x3c: {  	[tilespmem:s17], [sflag:$0x1] =	stream.indirect.gather.add.f32 [hbm:s4], $0x80, s9, s16, $0xb8;
	[tilespmem:$0x7800] =	vst v63  }
0x3d: {  	s14 =	simm.s32 $0x80  }
0x3e: {  	[tilespmem:s17], [sflag:$0x1] =	stream.indirect.gather.add.f32 [hbm:s4], $0x80, s14, s16, $0xb8;
	[tilespmem:$0x7800] =	vst v63  }
0x3f: {  	s18 =	simm.s32 $0x100  }
0x40: {  	[tilespmem:s17], [sflag:$0x1] =	stream.indirect.gather.add.f32 [hbm:s4], $0x80, s18, s16, $0xb8;
	[tilespmem:$0x7800] =	vst v63  }
0x41: {  	_ = 	snop  }
0x42: {  	[tilespmem:s17], [sflag:$0x1] =	stream.indirect.gather.add.f32 [hbm:s4], $0x80, s20, s16, $0xb8;
	[tilespmem:$0x7800] =	vst v63  }
0x43: {  	_ = 	snop  }
0x44: {  	[tilespmem:s17], [sflag:$0x1] =	stream.indirect.gather.add.f32 [hbm:s4], $0x80, s21, s16, $0xb8;
	[tilespmem:$0x7800] =	vst v63  }
0x45: {  	_ = 	snop  }
0x46: {  	[tilespmem:s17], [sflag:$0x1] =	stream.indirect.gather.add.f32 [hbm:s5], $0x80, s22, s16, $0xb8;
	[tilespmem:$0x7800] =	vst v63  }
0x47: {  	s19 =	rddreg [dreg:$0x4]  }
0x48: {  	[tilespmem:s23], [sflag:$0x5] =	stream.linear.gather [hbm4b:s19+s9], $0x300, $0x38;
	[tilespmem:$0x7800] =	vst v63  }
0x49: {  	_ =	swait.ge [sflag:s15], $0x300  }
0x4a: {  	[sflag:s15] =	ssyncset.done $0x0  }
0x4b: {  	[sflag:s15] =	ssyncadd.s32 $0xFFFFFD00  }
0x4c: {  	[tilespmem:s24], [sflag:$0x2] =	stream.indirect.gather.add.f32 [hbm:s4], $0x80, s23, s16, $0xb8;
	[tilespmem:$0x7800] =	vst v63  }
0x4d: {  	_ = 	snop  }
0x4e: {  	[tilespmem:s24], [sflag:$0x2] =	stream.indirect.gather.add.f32 [hbm:s4], $0x80, s25, s16, $0xb8;
	[tilespmem:$0x7800] =	vst v63  }
0x4f: {  	_ = 	snop  }
0x50: {  	[tilespmem:s24], [sflag:$0x2] =	stream.indirect.gather.add.f32 [hbm:s4], $0x80, s26, s16, $0xb8;
	[tilespmem:$0x7800] =	vst v63  }
0x51: {  	_ = 	snop  }
0x52: {  	[tilespmem:s24], [sflag:$0x2] =	stream.indirect.gather.add.f32 [hbm:s4], $0x80, s28, s16, $0xb8;
	[tilespmem:$0x7800] =	vst v63  }
0x53: {  	_ = 	snop  }
0x54: {  	[tilespmem:s24], [sflag:$0x2] =	stream.indirect.gather.add.f32 [hbm:s4], $0x80, s29, s16, $0xb8;
	[tilespmem:$0x7800] =	vst v63  }
0x55: {  	s14 =	simm.s32 $0x0  }
0x56: {  	[tilespmem:s24], [sflag:$0x2] =	stream.indirect.gather.add.f32 [hbm:s5], $0x80, s30, s16, $0xb8;
	[tilespmem:$0x7800] =	vst v63  }
.LBB2_6:
0x57: {  	_ =	swait.ge [sflag:s31], $0x3800  }
0x58: {  	[sflag:s31] =	ssyncset.done $0x0  }
0x59: {  	[sflag:s31] =	ssyncadd.s32 $0xFFFFC800  }
0x5a: {  	_ =	swait.ge [sflag:s31], $0x3800  }
0x5b: {  	[sflag:s31] =	ssyncset.done $0x0  }
0x5c: {  	[sflag:s31] =	ssyncadd.s32 $0xFFFFC800  }
0x5d: {  	_ =	swait.ge [sflag:s31], $0x3800  }
0x5e: {  	[sflag:s31] =	ssyncset.done $0x0  }
0x5f: {  	[sflag:s31] =	ssyncadd.s32 $0xFFFFC800  }
0x60: {  	_ =	swait.ge [sflag:s31], $0x3800  }
0x61: {  	[sflag:s31] =	ssyncset.done $0x0  }
0x62: {  	s1 =	smul.u32 $0xE0, s14;
	[sflag:s31] =	ssyncadd.s32 $0xFFFFC800  }
0x63: {  	_ =	swait.ge [sflag:s31], $0x3800  }
0x64: {  	s8 =	sadd.s32 s7, s1;
	[sflag:s31] =	ssyncset.done $0x0  }
0x65: {  	p1 =	sgt.u32 s8, $0xC2E0;
	[sflag:s31] =	ssyncadd.s32 $0xFFFFC800  }
0x66: {  	p0 =	sne.s32 @p1 s8, $0xC320;
	_ =	swait.ge [sflag:s31], $0x3800  }
0x67: {  	p0 =	por p0, !p1;
	[sflag:s31] =	ssyncset.done $0x0  }
0x68: {  	s18 =	simm.s32 @!p0 $0x0;
	s19 =	simm.s32 @!p0 $0x800;
	[sflag:s31] =	ssyncadd.s32 $0xFFFFC800  }
0x69: {  	[hbm4b:s10+s18] =	stream.linear.scatter @!p0 [tilespmem:s19], [sflag:$0x3], $0x1800, $0x38;
	[tilespmem:$0x7800] =	vst v63  }
0x6a: {  	s18 =	simm.s32 @!p0 $0x3  }
0x6b: {  	s8 =	sshll.u32 @!p1 s8, $0x4;
	_ =	swait.ge @!p0 [sflag:s18], $0x1800  }
0x6c: {  	s8 =	sadd.s32 @!p1 s2, s8;
	s19 =	simm.s32 @!p1 $0x800;
	[sflag:s18] =	ssyncset.done @!p0 $0x0  }
0x6d: {  	[sflag:s18] =	ssyncadd.s32 @!p0 $0xFFFFE800;
	s18 =	simm.s32 @!p1 $0x0;
	p0 =	seq.s32 s14, $0x6  }
0x6e: {  	[hbm4b:s8+s18] =	stream.linear.scatter @!p1 [tilespmem:s19], [sflag:$0x3], $0x3800, $0x38;
	[tilespmem:$0x7800] =	vst v63  }
.Ltmp4:
0x6f: {  	_ = 	snop;
	(pc) =	sbr.rel @p0 .LBB2_10-.Ltmp4, $4  }
0x70: {  	s18 =	simm.s32 @!p1 $0x3  }
0x71: {  	_ =	swait.ge @!p1 [sflag:s18], $0x3800  }
0x72: {  	[sflag:s18] =	ssyncset.done @!p1 $0x0  }
0x73: {  	s8 =	sshll.u32 s14, $0x1;
	[sflag:s18] =	ssyncadd.s32 @!p1 $0xFFFFC800  }
0x74: {  	s18 =	sshra.s32 s9, $0x2;
	s19 =	sadd.s32 $0x200, s9  }
.LBB2_8:
0x75: {  	p1 =	sne.s32 s19, $0xDE00;
	[tilespmem:s18+$0x870] =	vst v0  }
0x76: {  	[tilespmem:s18+$0x800] =	vst v0  }
0x77: {  	[tilespmem:s18+$0x810] =	vst v0  }
.Ltmp5:
0x78: {  	[tilespmem:s18+$0x820] =	vst v0;
	(pc) =	sbr.rel @p1 .LBB2_8-.Ltmp5, $4  }
0x79: {  	[tilespmem:s18+$0x830] =	vst v0  }
0x7a: {  	[tilespmem:s18+$0x840] =	vst v0  }
0x7b: {  	[tilespmem:s18+$0x850] =	vst v0  }
0x7c: {  	[tilespmem:s18+$0x860] =	vst v0;
	s18 =	sshra.s32 s19, $0x2;
	s19 =	sadd.s32 $0x200, s19  }
0x7d: {  	[tilespmem:s18+$0x870] =	vst v0  }
0x7e: {  	[tilespmem:s18+$0x800] =	vst v0  }
0x7f: {  	[tilespmem:s18+$0x810] =	vst v0  }
0x80: {  	[tilespmem:s18+$0x820] =	vst v0  }
0x81: {  	[tilespmem:s18+$0x830] =	vst v0;
	s19 =	sadd.s32 s8, s11  }
0x82: {  	[tilespmem:s18+$0x840] =	vst v0;
	s19 =	sshll.u32 s19, $0x7  }
0x83: {  	[tilespmem:s18+$0x850] =	vst v0;
	s19 =	sand.u32 $0x1FFFFF00, s19  }
0x84: {  	[tilespmem:s18+$0x860] =	vst v0;
	s19 =	sadd.s32 s6, s19  }
0x85: {  	[tilespmem:s3], [sflag:$0x5] =	stream.linear.gather [hbm4b:s19+s3], $0x300, $0x38;
	[tilespmem:$0x7800] =	vst v63  }
0x86: {  	_ =	swait.ge [sflag:s15], $0x300  }
0x87: {  	[sflag:s15] =	ssyncset.done $0x0  }
0x88: {  	[sflag:s15] =	ssyncadd.s32 $0xFFFFFD00  }
0x89: {  	[tilespmem:s17], [sflag:$0x1] =	stream.indirect.gather.add.f32 [hbm:s4], $0x80, s3, s16, $0xb8;
	[tilespmem:$0x7800] =	vst v63  }
0x8a: {  	s19 =	simm.s32 $0x80  }
0x8b: {  	[tilespmem:s17], [sflag:$0x1] =	stream.indirect.gather.add.f32 [hbm:s4], $0x80, s19, s16, $0xb8;
	[tilespmem:$0x7800] =	vst v63  }
0x8c: {  	s19 =	simm.s32 $0x100  }
0x8d: {  	[tilespmem:s17], [sflag:$0x1] =	stream.indirect.gather.add.f32 [hbm:s4], $0x80, s19, s16, $0xb8;
	[tilespmem:$0x7800] =	vst v63  }
0x8e: {  	_ = 	snop  }
0x8f: {  	[tilespmem:s17], [sflag:$0x1] =	stream.indirect.gather.add.f32 [hbm:s4], $0x80, s20, s16, $0xb8;
	[tilespmem:$0x7800] =	vst v63  }
0x90: {  	_ = 	snop  }
0x91: {  	[tilespmem:s17], [sflag:$0x1] =	stream.indirect.gather.add.f32 [hbm:s4], $0x80, s21, s16, $0xb8;
	[tilespmem:$0x7800] =	vst v63  }
0x92: {  	_ = 	snop  }
0x93: {  	[tilespmem:s17], [sflag:$0x1] =	stream.indirect.gather.add.f32 [hbm:s5], $0x80, s22, s16, $0xb8;
	[tilespmem:$0x7800] =	vst v63  }
.LBB2_10:
0x94: {  	_ =	swait.ge [sflag:s0], $0x3800  }
0x95: {  	[sflag:s0] =	ssyncset.done $0x0  }
0x96: {  	[sflag:s0] =	ssyncadd.s32 $0xFFFFC800  }
0x97: {  	_ =	swait.ge [sflag:s0], $0x3800  }
0x98: {  	[sflag:s0] =	ssyncset.done $0x0  }
0x99: {  	[sflag:s0] =	ssyncadd.s32 $0xFFFFC800  }
0x9a: {  	_ =	swait.ge [sflag:s0], $0x3800  }
0x9b: {  	[sflag:s0] =	ssyncset.done $0x0  }
0x9c: {  	[sflag:s0] =	ssyncadd.s32 $0xFFFFC800  }
0x9d: {  	_ =	swait.ge [sflag:s0], $0x3800  }
0x9e: {  	[sflag:s0] =	ssyncset.done $0x0  }
0x9f: {  	[sflag:s0] =	ssyncadd.s32 $0xFFFFC800  }
0xa0: {  	_ =	swait.ge [sflag:s0], $0x3800  }
0xa1: {  	[sflag:s0] =	ssyncset.done $0x0  }
0xa2: {  	s1 =	sadd.s32 s1, s12;
	[sflag:s0] =	ssyncadd.s32 $0xFFFFC800  }
0xa3: {  	p1 =	sgt.u32 s1, $0xC2E0;
	_ =	swait.ge [sflag:s0], $0x3800  }
0xa4: {  	s1 =	sshll.u32 @!p1 s1, $0x4;
	s18 =	simm.s32 @!p1 $0x0;
	[sflag:s0] =	ssyncset.done $0x0  }
0xa5: {  	s19 =	simm.s32 @!p1 $0x4000;
	s1 =	sadd.s32 @!p1 s2, s1;
	[sflag:s0] =	ssyncadd.s32 $0xFFFFC800  }
0xa6: {  	[hbm4b:s1+s18] =	stream.linear.scatter @!p1 [tilespmem:s19], [sflag:$0x4], $0x3800, $0x38;
	[tilespmem:$0x7800] =	vst v63  }
.Ltmp6:
0xa7: {  	_ = 	snop;
	(pc) =	sbr.rel @p0 .LBB2_14-.Ltmp6, $4  }
0xa8: {  	s1 =	simm.s32 @!p1 $0x4  }
0xa9: {  	_ =	swait.ge @!p1 [sflag:s1], $0x3800  }
0xaa: {  	[sflag:s1] =	ssyncset.done @!p1 $0x0  }
0xab: {  	s18 =	simm.s32 $0x0;
	[sflag:s1] =	ssyncadd.s32 @!p1 $0xFFFFC800  }
0xac: {  	s1 =	sshra.s32 s18, $0x2;
	s18 =	sadd.s32 $0x200, s18  }
.LBB2_12:
0xad: {  	p0 =	sne.s32 s18, $0xDE00;
	[tilespmem:s1+$0x4070] =	vst v0  }
0xae: {  	[tilespmem:s1+$0x4000] =	vst v0  }
0xaf: {  	[tilespmem:s1+$0x4010] =	vst v0  }
.Ltmp7:
0xb0: {  	[tilespmem:s1+$0x4020] =	vst v0;
	(pc) =	sbr.rel @p0 .LBB2_12-.Ltmp7, $4  }
0xb1: {  	[tilespmem:s1+$0x4030] =	vst v0  }
0xb2: {  	[tilespmem:s1+$0x4040] =	vst v0  }
0xb3: {  	[tilespmem:s1+$0x4050] =	vst v0  }
0xb4: {  	[tilespmem:s1+$0x4060] =	vst v0;
	s1 =	sshra.s32 s18, $0x2;
	s18 =	sadd.s32 $0x200, s18  }
0xb5: {  	[tilespmem:s1+$0x4070] =	vst v0  }
0xb6: {  	[tilespmem:s1+$0x4000] =	vst v0  }
0xb7: {  	[tilespmem:s1+$0x4010] =	vst v0  }
0xb8: {  	[tilespmem:s1+$0x4020] =	vst v0  }
0xb9: {  	[tilespmem:s1+$0x4030] =	vst v0;
	s8 =	sadd.s32 s8, s13  }
0xba: {  	[tilespmem:s1+$0x4040] =	vst v0;
	s8 =	sshll.u32 s8, $0x7  }
0xbb: {  	[tilespmem:s1+$0x4050] =	vst v0;
	s8 =	sand.u32 $0x1FFFFF80, s8  }
0xbc: {  	[tilespmem:s1+$0x4060] =	vst v0;
	s19 =	sadd.s32 s6, s8  }
0xbd: {  	[tilespmem:s23], [sflag:$0x5] =	stream.linear.gather [hbm4b:s19+s3], $0x300, $0x38;
	[tilespmem:$0x7800] =	vst v63  }
0xbe: {  	_ =	swait.ge [sflag:s15], $0x300  }
0xbf: {  	[sflag:s15] =	ssyncset.done $0x0  }
0xc0: {  	[sflag:s15] =	ssyncadd.s32 $0xFFFFFD00  }
0xc1: {  	[tilespmem:s24], [sflag:$0x2] =	stream.indirect.gather.add.f32 [hbm:s4], $0x80, s23, s16, $0xb8;
	[tilespmem:$0x7800] =	vst v63  }
0xc2: {  	_ = 	snop  }
0xc3: {  	[tilespmem:s24], [sflag:$0x2] =	stream.indirect.gather.add.f32 [hbm:s4], $0x80, s25, s16, $0xb8;
	[tilespmem:$0x7800] =	vst v63  }
0xc4: {  	_ = 	snop  }
0xc5: {  	[tilespmem:s24], [sflag:$0x2] =	stream.indirect.gather.add.f32 [hbm:s4], $0x80, s26, s16, $0xb8;
	[tilespmem:$0x7800] =	vst v63  }
0xc6: {  	_ = 	snop  }
0xc7: {  	[tilespmem:s24], [sflag:$0x2] =	stream.indirect.gather.add.f32 [hbm:s4], $0x80, s28, s16, $0xb8;
	[tilespmem:$0x7800] =	vst v63  }
.Ltmp8:
0xc8: {  	_ = 	snop;
	(pc) =	sbr.rel .LBB2_6-.Ltmp8, $4  }
0xc9: {  	_ = 	snop  }
0xca: {  	[tilespmem:s24], [sflag:$0x2] =	stream.indirect.gather.add.f32 [hbm:s4], $0x80, s29, s16, $0xb8;
	[tilespmem:$0x7800] =	vst v63  }
0xcb: {  	s14 =	sadd.s32 $0x1, s14  }
0xcc: {  	[tilespmem:s24], [sflag:$0x2] =	stream.indirect.gather.add.f32 [hbm:s5], $0x80, s30, s16, $0xb8;
	[tilespmem:$0x7800] =	vst v63  }
.LBB2_15:
0xcd: {  	_ =	sfence.sel $0x180000  }
0xce: {  	[bflag:$0x0] =	sbarrier.arrive $0xFFFF  }
0xcf: {  	_ =	strace $0x9000004A  }
0xd0: {  	s0 =	stileid.u32;
	[bflag:$0x2] =	sbarrier.arrive $0xFFFF  }
0xd1: {  	p0 =	sne.s32 s0, $0x0;
	s0 =	rddreg [dreg:$0x2]  }
0xd2: {  	s0 =	sadd.s32 @!p0 $0x100000, s0  }
0xd3: {  	[sflag:s0] =	ssyncadd.tile.s32 @!p0 $0x1;
	_ =	shalt  }
.Lfunc_end2:
_tile_overlayer_lowered:
.L_overlay_start_2:
0xd4: {  	(tag) =	ssettag $0x2  }
0xd5: {  	s0 =	rddreg [dreg:$0x0];
	s2 =	stileid.u32  }
0xd6: {  	s1 =	rddreg [dreg:$0x1];
	p0 =	sne.s32 s2, $0x0  }
0xd7: {  	s3 =	rddreg [dreg:$0x2];
	[bflag:$0x3] =	sbarrier.arrive $0xFFFF;
	s2 =	simm.s32 @!p0 $0x1C05  }
0xd8: {  	[timem:s3], [sflag:s2] =	dma.local @!p0 [hbm:s0], s1  }
0xd9: {  	s0 =	simm.s32 @!p0 $0x5  }
0xda: {  	_ =	swait.ge @!p0 [sflag:s0], s1  }
0xdb: {  	s1 =	ssub.s32 @!p0 $0x0, s1;
	[sflag:s0] =	ssyncset.done @!p0 $0x0  }
0xdc: {  	[sflag:s0] =	ssyncadd.s32 @!p0 s1  }
0xdd: {  	[bflag:$0x3] =	sbarrier.arrive $0xFFFF  }
0xde: {  	_ =	shalt  }

</sc_bundles>
